<compile_context>
chip_gen: v7x
topology: tpu7x:2x2x1
jax: 0.10.2.dev20260603
libtpu: 0.0.44.dev20260713+nightly
codegen_flags: <defaults>
</compile_context>

<pallas_src>
import functools

import jax
import jax.numpy as jnp
from jax import lax
from jax.experimental import pallas as pl
from jax.experimental.pallas import tpu as pltpu
from jax.experimental.pallas import tpu_sc as plsc

N = 10000
NP = 10240
CH = 128
E = 320000
C = 128
NW = 32
NCHUNK = 80
EPT = NCHUNK * C
EPAD = EPT * NW
NACC = 10112
CPS = NCHUNK // 2
ROWS_PER_TILE = NP // 16
ACC_PER_TILE = NACC // 16
TCB = 512

_mesh = plsc.VectorSubcoreMesh(core_axis_name="c", subcore_axis_name="s")



@functools.partial(
    pl.kernel,
    mesh=_mesh,
    out_type=jax.ShapeDtypeStruct((2, NP, 16), jnp.float32),
    scratch_types=[
        pltpu.VMEM((NCHUNK, C), jnp.int32),
        pltpu.VMEM((C, 16), jnp.float32),
        pltpu.VMEM_SHARED((NP, 16), jnp.float32),
    ],
)
def _sc_degree(dst_hbm, deg_hbm, didx, vals, deg_sh):
    c = lax.axis_index("c")
    s = lax.axis_index("s")
    w = s * 2 + c

    @pl.loop(0, C)
    def _(r):
        vals[r, pl.ds(0, 16)] = jnp.zeros((16,), jnp.float32)

    base_row = s * ROWS_PER_TILE
    for k in range(ROWS_PER_TILE // C):
        pltpu.sync_copy(vals, deg_sh.at[pl.ds(base_row + k * C, C)])

    pltpu.sync_copy(dst_hbm.at[pl.ds(w * NCHUNK, NCHUNK)], didx)

    @pl.loop(0, C)
    def _(r):
        vals[r, pl.ds(0, 16)] = jnp.ones((16,), jnp.float32)

    plsc.subcore_barrier()

    @pl.loop(0, NCHUNK)
    def _(j):
        pltpu.sync_copy(vals, deg_sh.at[didx.at[j]], add=True)

    plsc.subcore_barrier()
    pltpu.sync_copy(
        deg_sh.at[pl.ds(base_row, ROWS_PER_TILE)],
        deg_hbm.at[c].at[pl.ds(base_row, ROWS_PER_TILE)],
    )


def _make_scatter(phase):
    base_chunk = phase * NW * CPS

    def body(hp_hbm, src_hbm, dst_hbm, acc_hbm,
             sidx, didx, rows0, rows1, acc_sh, sem0, sem1):
        c = lax.axis_index("c")
        s = lax.axis_index("s")
        w = s * 2 + c
        base_row = s * ACC_PER_TILE

        @pl.loop(0, C)
        def _(r):
            for k in range(CH // 16):
                rows0[r, pl.ds(k * 16, 16)] = jnp.zeros((16,), jnp.float32)

        for k in range(ACC_PER_TILE // C):
            pltpu.sync_copy(rows0, acc_sh.at[pl.ds(base_row + k * C, C)])
        pltpu.sync_copy(rows0.at[pl.ds(0, ACC_PER_TILE % C)],
                        acc_sh.at[pl.ds(base_row + (ACC_PER_TILE // C) * C,
                                        ACC_PER_TILE % C)])

        pltpu.sync_copy(src_hbm.at[pl.ds(base_chunk + w * CPS, CPS)], sidx)
        pltpu.sync_copy(dst_hbm.at[pl.ds(base_chunk + w * CPS, CPS)], didx)

        plsc.subcore_barrier()

        @pl.loop(0, CPS // 2)
        def _(jj):
            j = jj * 2
            cp0 = pltpu.async_copy(hp_hbm.at[sidx.at[j]], rows0, sem0)
            cp1 = pltpu.async_copy(hp_hbm.at[sidx.at[j + 1]], rows1, sem1)
            cp0.wait()
            pltpu.sync_copy(rows0, acc_sh.at[didx.at[j]], add=True)
            cp1.wait()
            pltpu.sync_copy(rows1, acc_sh.at[didx.at[j + 1]], add=True)

        plsc.subcore_barrier()
        pltpu.sync_copy(
            acc_sh.at[pl.ds(base_row, ACC_PER_TILE)],
            acc_hbm.at[c].at[pl.ds(base_row, ACC_PER_TILE)],
        )

    return pl.kernel(
        body,
        mesh=_mesh,
        out_type=jax.ShapeDtypeStruct((2, NP, CH), jnp.float32),
        scratch_types=[
            pltpu.VMEM((CPS, C), jnp.int32),
            pltpu.VMEM((CPS, C), jnp.int32),
            pltpu.VMEM((C, CH), jnp.float32),
            pltpu.VMEM((C, CH), jnp.float32),
            pltpu.VMEM_SHARED((NACC, CH), jnp.float32),
            pltpu.SemaphoreType.DMA,
            pltpu.SemaphoreType.DMA,
        ],
    )


_scatter_p0 = _make_scatter(0)
_scatter_p1 = _make_scatter(1)



def _mm_body(x_ref, w_ref, o_ref):
    o_ref[...] = jnp.dot(x_ref[...], w_ref[...],
                         preferred_element_type=jnp.float32)


def _tc_matmul(x, w):
    return pl.pallas_call(
        _mm_body,
        grid=(NP // TCB,),
        in_specs=[
            pl.BlockSpec((TCB, CH), lambda i: (i, 0)),
            pl.BlockSpec((CH, CH), lambda i: (0, 0)),
        ],
        out_specs=pl.BlockSpec((TCB, CH), lambda i: (i, 0)),
        out_shape=jax.ShapeDtypeStruct((NP, CH), jnp.float32),
    )(x, w)


def _prep_body(d0_ref, d1_ref, h_ref, dinv_ref, hp_ref):
    deg = d0_ref[...][:, 0:1] + d1_ref[...][:, 0:1] + 1.0
    db = jnp.broadcast_to(lax.rsqrt(deg), (TCB, CH))
    dinv_ref[...] = db
    hp_ref[...] = h_ref[...] * db


def _tc_prep(deg0, deg1, h1):
    return pl.pallas_call(
        _prep_body,
        grid=(NP // TCB,),
        in_specs=[
            pl.BlockSpec((TCB, 16), lambda i: (i, 0)),
            pl.BlockSpec((TCB, 16), lambda i: (i, 0)),
            pl.BlockSpec((TCB, CH), lambda i: (i, 0)),
        ],
        out_specs=[
            pl.BlockSpec((TCB, CH), lambda i: (i, 0)),
            pl.BlockSpec((TCB, CH), lambda i: (i, 0)),
        ],
        out_shape=[
            jax.ShapeDtypeStruct((NP, CH), jnp.float32),
            jax.ShapeDtypeStruct((NP, CH), jnp.float32),
        ],
    )(deg0, deg1, h1)


def _mid_body(a0_ref, a1_ref, a2_ref, a3_ref, hp_ref, db_ref, b_ref, w_ref,
              o_ref):
    db = db_ref[...]
    z = (a0_ref[...] + a1_ref[...] + a2_ref[...] + a3_ref[...]
         + hp_ref[...]) * db + b_ref[...]
    z = jnp.maximum(z, 0.0)
    o_ref[...] = jnp.dot(z, w_ref[...],
                         preferred_element_type=jnp.float32) * db


def _tc_mid(a0, a1, a2, a3, hp, db, b, w):
    return pl.pallas_call(
        _mid_body,
        grid=(NP // TCB,),
        in_specs=[
            pl.BlockSpec((TCB, CH), lambda i: (i, 0)),
            pl.BlockSpec((TCB, CH), lambda i: (i, 0)),
            pl.BlockSpec((TCB, CH), lambda i: (i, 0)),
            pl.BlockSpec((TCB, CH), lambda i: (i, 0)),
            pl.BlockSpec((TCB, CH), lambda i: (i, 0)),
            pl.BlockSpec((TCB, CH), lambda i: (i, 0)),
            pl.BlockSpec((1, CH), lambda i: (0, 0)),
            pl.BlockSpec((CH, CH), lambda i: (0, 0)),
        ],
        out_specs=pl.BlockSpec((TCB, CH), lambda i: (i, 0)),
        out_shape=jax.ShapeDtypeStruct((NP, CH), jnp.float32),
    )(a0, a1, a2, a3, hp, db, b, w)


def _fin_body(a0_ref, a1_ref, a2_ref, a3_ref, hp_ref, db_ref, b_ref, o_ref):
    o_ref[...] = ((a0_ref[...] + a1_ref[...] + a2_ref[...] + a3_ref[...]
                   + hp_ref[...]) * db_ref[...] + b_ref[...])


def _tc_final(a0, a1, a2, a3, hp, db, b):
    return pl.pallas_call(
        _fin_body,
        grid=(NP // TCB,),
        in_specs=[
            pl.BlockSpec((TCB, CH), lambda i: (i, 0)),
            pl.BlockSpec((TCB, CH), lambda i: (i, 0)),
            pl.BlockSpec((TCB, CH), lambda i: (i, 0)),
            pl.BlockSpec((TCB, CH), lambda i: (i, 0)),
            pl.BlockSpec((TCB, CH), lambda i: (i, 0)),
            pl.BlockSpec((TCB, CH), lambda i: (i, 0)),
            pl.BlockSpec((1, CH), lambda i: (0, 0)),
        ],
        out_specs=pl.BlockSpec((TCB, CH), lambda i: (i, 0)),
        out_shape=jax.ShapeDtypeStruct((NP, CH), jnp.float32),
    )(a0, a1, a2, a3, hp, db, b)



@jax.jit
def kernel(x, edge_index, W1, b1, W2, b2):
    src = edge_index[0].astype(jnp.int32)
    dst = edge_index[1].astype(jnp.int32)
    pad = EPAD - E
    pad_src = jnp.arange(pad, dtype=jnp.int32) % N
    pad_dst = N + jnp.arange(pad, dtype=jnp.int32) % (NACC - N)
    src2d = jnp.concatenate([src, pad_src]).reshape(EPAD // C, C)
    dst2d = jnp.concatenate([dst, pad_dst]).reshape(EPAD // C, C)
    x_p = jnp.pad(x, ((0, NP - N), (0, 0)))
    b1r = b1.reshape(1, CH)
    b2r = b2.reshape(1, CH)

    h1 = _tc_matmul(x_p, W1)
    deg = _sc_degree(dst2d)
    db, hp1 = _tc_prep(deg[0], deg[1], h1)

    accA = _scatter_p0(hp1, src2d, dst2d)
    accB = _scatter_p1(hp1, src2d, dst2d)
    hp2 = _tc_mid(accA[0], accA[1], accB[0], accB[1], hp1, db, b1r, W2)

    accC = _scatter_p0(hp2, src2d, dst2d)
    accD = _scatter_p1(hp2, src2d, dst2d)
    out = _tc_final(accC[0], accC[1], accD[0], accD[1], hp2, db, b2r)
    return out[:N]

# --- scband reference (transcript-rebuilt; emitter-appended) ---
"""Pipeline reference for scband-gcn-26474178413289 (READ-ONLY COPY).

The authoritative reference and input builder live on the scoring server;
editing this copy changes nothing except your own understanding.
"""

import jax, jax.numpy as jnp
import numpy as np

N_NODES = 10000
N_EDGES = 320000
IN_CH = 128
HID_CH = 128
OUT_CH = 128

def gcn_conv(x, edge_index, W, b):
    n = x.shape[0]
    # add self-loops
    loops = jnp.arange(n, dtype=edge_index.dtype)
    src = jnp.concatenate([edge_index[0], loops])
    dst = jnp.concatenate([edge_index[1], loops])
    # symmetric normalization (deg computed on dst with unit edge weights)
    ones = jnp.ones(src.shape[0], dtype=x.dtype)
    deg = jax.ops.segment_sum(ones, dst, num_segments=n)
    deg_inv_sqrt = jnp.where(deg > 0, jax.lax.rsqrt(jnp.maximum(deg, 1e-12)), 0.0)
    norm = deg_inv_sqrt[src] * deg_inv_sqrt[dst]
    # linear transform then propagate
    h = x @ W
    msgs = h[src] * norm[:, None]
    out = jax.ops.segment_sum(msgs, dst, num_segments=n)
    return out + b

def setup_inputs(seed: int = 0) -> dict:
    key = jax.random.key(seed)
    k1, k2, k3, k4, k5 = jax.random.split(key, 5)
    x = jax.random.normal(k1, (N_NODES, IN_CH), dtype=jnp.float32)
    edge_index = jax.random.randint(k2, (2, N_EDGES), 0, N_NODES, dtype=jnp.int64)
    # glorot-style init for weights
    W1 = jax.random.normal(k3, (IN_CH, HID_CH), dtype=jnp.float32) * (1.0 / np.sqrt(IN_CH))
    b1 = jnp.zeros((HID_CH,), dtype=jnp.float32)
    W2 = jax.random.normal(k4, (HID_CH, OUT_CH), dtype=jnp.float32) * (1.0 / np.sqrt(HID_CH))
    b2 = jnp.zeros((OUT_CH,), dtype=jnp.float32)
    return {"x": x, "edge_index": edge_index, "W1": W1, "b1": b1, "W2": W2, "b2": b2}

def reference(x, edge_index, W1, b1, W2, b2):
    # eval mode: dropout is identity
    h = gcn_conv(x, edge_index, W1, b1)
    h = jax.nn.relu(h)
    out = gcn_conv(h, edge_index, W2, b2)
    return out

if __name__ == "__main__":
    import jax
    _d = setup_inputs()
    print(jax.jit(kernel)(*tuple(_d.values())))

</pallas_src>

<mosaic_0001>
#map = affine_map<(d0, d1) -> (0, 0)>
#map1 = affine_map<(d0, d1) -> (0, 0, 0)>
module attributes {stable_mosaic.version = 14 : i64} {
  func.func @_sc_degree(%arg0: i32, %arg1: i32, %arg2: memref<2560x128xi32, #tpu.memory_space<hbm>>, %arg3: memref<2x10240x16xf32, #tpu.memory_space<hbm>>, %arg4: memref<80x128xi32, #tpu.memory_space<vmem>>, %arg5: memref<128x16xf32, #tpu.memory_space<vmem>>, %arg6: memref<10240x16xf32, #tpu.memory_space<vmem_shared>>) attributes {dimension_semantics = [#tpu.dimension_semantics<core_parallel>, #tpu.dimension_semantics<subcore_parallel>], iteration_bounds = array<i64: 2, 16>, scalar_prefetch = 0 : i64, scratch_operands = 3 : i64, tpu.core_type = #tpu.core_type<sc_vector_subcore>, window_params = [{transform_indices = #map}, {transform_indices = #map1}]} {
    %mul3A = arith.constant 2 : i32
    %mul3A_0 = arith.muli %arg1, %mul3A : i32
    %add3A = arith.addi %mul3A_0, %arg0 : i32
    %scan3A = arith.constant 0 : i32
    %scan3A_1 = arith.constant 128 : i32
    %scan3A_2 = arith.addi %scan3A, %scan3A_1 : i32
    %scan3A_3 = arith.constant 1 : i32
    scf.for %scan3A_30 = %scan3A to %scan3A_2 step %scan3A_3  : i32 {
      %mul3A_31 = arith.constant 1 : i32
      %mul3A_32 = arith.muli %scan3A_30, %mul3A_31 : i32
      %add3A_33 = arith.constant 0 : i32
      %add3A_34 = arith.addi %add3A_33, %mul3A_32 : i32
      %broadcast_in_dim3A = arith.constant 0.000000e+00 : f32
      %broadcast_in_dim3A_35 = vector.broadcast %broadcast_in_dim3A : f32 to vector<16xf32>
      %swap3A = arith.index_cast %add3A_34 : i32 to index
      %swap3A_36 = arith.constant 0 : index
      %swap3A_37 = tpu.vector_load %arg5[%swap3A, %swap3A_36] {strides = array<i32>} : memref<128x16xf32, #tpu.memory_space<vmem>>, vector<1x16xf32>,
      %swap3A_38 = vector.shape_cast %swap3A_37 : vector<1x16xf32> to vector<16xf32>
      %swap3A_39 = vector.shape_cast %broadcast_in_dim3A_35 : vector<16xf32> to vector<1x16xf32>
      tpu.vector_store %arg5[%swap3A, %swap3A_36], %swap3A_39 {strides = array<i32>} : memref<128x16xf32, #tpu.memory_space<vmem>>, vector<1x16xf32>,
    }
    %scan3A_4 = arith.constant 128 : i32
    %mul3A_5 = arith.constant 640 : i32
    %mul3A_6 = arith.muli %arg1, %mul3A_5 : i32
    %add3A_7 = arith.constant 0 : i32
    %add3A_8 = arith.addi %mul3A_6, %add3A_7 : i32
    "tpu.region"() ({
      %run_scoped3A = tpu.sem_alloc : memref<!tpu.dma_semaphore, #tpu.memory_space<semaphore_mem>>
      %dma_start3A = arith.constant 0 : i32
      %dma_start3A_30 = tpu.memref_slice %arg6[%add3A_8, %dma_start3A] : memref<10240x16xf32, #tpu.memory_space<vmem_shared>> -> memref<128x16xf32, #tpu.memory_space<vmem_shared>>
      %dma_start3A_31 = arith.constant 0 : i32
      %dma_start3A_32 = tpu.memref_slice %arg6[%add3A_8, %dma_start3A_31] : memref<10240x16xf32, #tpu.memory_space<vmem_shared>> -> memref<128x16xf32, #tpu.memory_space<vmem_shared>>
      tpu.enqueue_dma source(%arg5 : memref<128x16xf32, #tpu.memory_space<vmem>>) target(%dma_start3A_32 : memref<128x16xf32, #tpu.memory_space<vmem_shared>>) target_semaphore(%run_scoped3A : memref<!tpu.dma_semaphore, #tpu.memory_space<semaphore_mem>>)
      %dma_wait3A = arith.constant 0 : i32
      %dma_wait3A_33 = tpu.memref_slice %arg6[%add3A_8, %dma_wait3A] : memref<10240x16xf32, #tpu.memory_space<vmem_shared>> -> memref<128x16xf32, #tpu.memory_space<vmem_shared>>
      %dma_wait3A_34 = arith.constant 0 : i32
      %dma_wait3A_35 = tpu.memref_slice %arg6[%add3A_8, %dma_wait3A_34] : memref<10240x16xf32, #tpu.memory_space<vmem_shared>> -> memref<128x16xf32, #tpu.memory_space<vmem_shared>>
      tpu.wait_dma2 semaphore(%run_scoped3A : memref<!tpu.dma_semaphore, #tpu.memory_space<semaphore_mem>>) src(%arg5 : memref<128x16xf32, #tpu.memory_space<vmem>>) dst(%dma_wait3A_35 : memref<128x16xf32, #tpu.memory_space<vmem_shared>>)
      tpu.yield
    }) : () -> ()
    %add3A_9 = arith.constant 128 : i32
    %add3A_10 = arith.addi %mul3A_6, %add3A_9 : i32
    "tpu.region"() ({
      %run_scoped3A = tpu.sem_alloc : memref<!tpu.dma_semaphore, #tpu.memory_space<semaphore_mem>>
      %dma_start3A = arith.constant 0 : i32
      %dma_start3A_30 = tpu.memref_slice %arg6[%add3A_10, %dma_start3A] : memref<10240x16xf32, #tpu.memory_space<vmem_shared>> -> memref<128x16xf32, #tpu.memory_space<vmem_shared>>
      %dma_start3A_31 = arith.constant 0 : i32
      %dma_start3A_32 = tpu.memref_slice %arg6[%add3A_10, %dma_start3A_31] : memref<10240x16xf32, #tpu.memory_space<vmem_shared>> -> memref<128x16xf32, #tpu.memory_space<vmem_shared>>
      tpu.enqueue_dma source(%arg5 : memref<128x16xf32, #tpu.memory_space<vmem>>) target(%dma_start3A_32 : memref<128x16xf32, #tpu.memory_space<vmem_shared>>) target_semaphore(%run_scoped3A : memref<!tpu.dma_semaphore, #tpu.memory_space<semaphore_mem>>)
      %dma_wait3A = arith.constant 0 : i32
      %dma_wait3A_33 = tpu.memref_slice %arg6[%add3A_10, %dma_wait3A] : memref<10240x16xf32, #tpu.memory_space<vmem_shared>> -> memref<128x16xf32, #tpu.memory_space<vmem_shared>>
      %dma_wait3A_34 = arith.constant 0 : i32
      %dma_wait3A_35 = tpu.memref_slice %arg6[%add3A_10, %dma_wait3A_34] : memref<10240x16xf32, #tpu.memory_space<vmem_shared>> -> memref<128x16xf32, #tpu.memory_space<vmem_shared>>
      tpu.wait_dma2 semaphore(%run_scoped3A : memref<!tpu.dma_semaphore, #tpu.memory_space<semaphore_mem>>) src(%arg5 : memref<128x16xf32, #tpu.memory_space<vmem>>) dst(%dma_wait3A_35 : memref<128x16xf32, #tpu.memory_space<vmem_shared>>)
      tpu.yield
    }) : () -> ()
    %add3A_11 = arith.constant 256 : i32
    %add3A_12 = arith.addi %mul3A_6, %add3A_11 : i32
    "tpu.region"() ({
      %run_scoped3A = tpu.sem_alloc : memref<!tpu.dma_semaphore, #tpu.memory_space<semaphore_mem>>
      %dma_start3A = arith.constant 0 : i32
      %dma_start3A_30 = tpu.memref_slice %arg6[%add3A_12, %dma_start3A] : memref<10240x16xf32, #tpu.memory_space<vmem_shared>> -> memref<128x16xf32, #tpu.memory_space<vmem_shared>>
      %dma_start3A_31 = arith.constant 0 : i32
      %dma_start3A_32 = tpu.memref_slice %arg6[%add3A_12, %dma_start3A_31] : memref<10240x16xf32, #tpu.memory_space<vmem_shared>> -> memref<128x16xf32, #tpu.memory_space<vmem_shared>>
      tpu.enqueue_dma source(%arg5 : memref<128x16xf32, #tpu.memory_space<vmem>>) target(%dma_start3A_32 : memref<128x16xf32, #tpu.memory_space<vmem_shared>>) target_semaphore(%run_scoped3A : memref<!tpu.dma_semaphore, #tpu.memory_space<semaphore_mem>>)
      %dma_wait3A = arith.constant 0 : i32
      %dma_wait3A_33 = tpu.memref_slice %arg6[%add3A_12, %dma_wait3A] : memref<10240x16xf32, #tpu.memory_space<vmem_shared>> -> memref<128x16xf32, #tpu.memory_space<vmem_shared>>
      %dma_wait3A_34 = arith.constant 0 : i32
      %dma_wait3A_35 = tpu.memref_slice %arg6[%add3A_12, %dma_wait3A_34] : memref<10240x16xf32, #tpu.memory_space<vmem_shared>> -> memref<128x16xf32, #tpu.memory_space<vmem_shared>>
      tpu.wait_dma2 semaphore(%run_scoped3A : memref<!tpu.dma_semaphore, #tpu.memory_space<semaphore_mem>>) src(%arg5 : memref<128x16xf32, #tpu.memory_space<vmem>>) dst(%dma_wait3A_35 : memref<128x16xf32, #tpu.memory_space<vmem_shared>>)
      tpu.yield
    }) : () -> ()
    %add3A_13 = arith.constant 384 : i32
    %add3A_14 = arith.addi %mul3A_6, %add3A_13 : i32
    "tpu.region"() ({
      %run_scoped3A = tpu.sem_alloc : memref<!tpu.dma_semaphore, #tpu.memory_space<semaphore_mem>>
      %dma_start3A = arith.constant 0 : i32
      %dma_start3A_30 = tpu.memref_slice %arg6[%add3A_14, %dma_start3A] : memref<10240x16xf32, #tpu.memory_space<vmem_shared>> -> memref<128x16xf32, #tpu.memory_space<vmem_shared>>
      %dma_start3A_31 = arith.constant 0 : i32
      %dma_start3A_32 = tpu.memref_slice %arg6[%add3A_14, %dma_start3A_31] : memref<10240x16xf32, #tpu.memory_space<vmem_shared>> -> memref<128x16xf32, #tpu.memory_space<vmem_shared>>
      tpu.enqueue_dma source(%arg5 : memref<128x16xf32, #tpu.memory_space<vmem>>) target(%dma_start3A_32 : memref<128x16xf32, #tpu.memory_space<vmem_shared>>) target_semaphore(%run_scoped3A : memref<!tpu.dma_semaphore, #tpu.memory_space<semaphore_mem>>)
      %dma_wait3A = arith.constant 0 : i32
      %dma_wait3A_33 = tpu.memref_slice %arg6[%add3A_14, %dma_wait3A] : memref<10240x16xf32, #tpu.memory_space<vmem_shared>> -> memref<128x16xf32, #tpu.memory_space<vmem_shared>>
      %dma_wait3A_34 = arith.constant 0 : i32
      %dma_wait3A_35 = tpu.memref_slice %arg6[%add3A_14, %dma_wait3A_34] : memref<10240x16xf32, #tpu.memory_space<vmem_shared>> -> memref<128x16xf32, #tpu.memory_space<vmem_shared>>
      tpu.wait_dma2 semaphore(%run_scoped3A : memref<!tpu.dma_semaphore, #tpu.memory_space<semaphore_mem>>) src(%arg5 : memref<128x16xf32, #tpu.memory_space<vmem>>) dst(%dma_wait3A_35 : memref<128x16xf32, #tpu.memory_space<vmem_shared>>)
      tpu.yield
    }) : () -> ()
    %add3A_15 = arith.constant 512 : i32
    %add3A_16 = arith.addi %mul3A_6, %add3A_15 : i32
    "tpu.region"() ({
      %run_scoped3A = tpu.sem_alloc : memref<!tpu.dma_semaphore, #tpu.memory_space<semaphore_mem>>
      %dma_start3A = arith.constant 0 : i32
      %dma_start3A_30 = tpu.memref_slice %arg6[%add3A_16, %dma_start3A] : memref<10240x16xf32, #tpu.memory_space<vmem_shared>> -> memref<128x16xf32, #tpu.memory_space<vmem_shared>>
      %dma_start3A_31 = arith.constant 0 : i32
      %dma_start3A_32 = tpu.memref_slice %arg6[%add3A_16, %dma_start3A_31] : memref<10240x16xf32, #tpu.memory_space<vmem_shared>> -> memref<128x16xf32, #tpu.memory_space<vmem_shared>>
      tpu.enqueue_dma source(%arg5 : memref<128x16xf32, #tpu.memory_space<vmem>>) target(%dma_start3A_32 : memref<128x16xf32, #tpu.memory_space<vmem_shared>>) target_semaphore(%run_scoped3A : memref<!tpu.dma_semaphore, #tpu.memory_space<semaphore_mem>>)
      %dma_wait3A = arith.constant 0 : i32
      %dma_wait3A_33 = tpu.memref_slice %arg6[%add3A_16, %dma_wait3A] : memref<10240x16xf32, #tpu.memory_space<vmem_shared>> -> memref<128x16xf32, #tpu.memory_space<vmem_shared>>
      %dma_wait3A_34 = arith.constant 0 : i32
      %dma_wait3A_35 = tpu.memref_slice %arg6[%add3A_16, %dma_wait3A_34] : memref<10240x16xf32, #tpu.memory_space<vmem_shared>> -> memref<128x16xf32, #tpu.memory_space<vmem_shared>>
      tpu.wait_dma2 semaphore(%run_scoped3A : memref<!tpu.dma_semaphore, #tpu.memory_space<semaphore_mem>>) src(%arg5 : memref<128x16xf32, #tpu.memory_space<vmem>>) dst(%dma_wait3A_35 : memref<128x16xf32, #tpu.memory_space<vmem_shared>>)
      tpu.yield
    }) : () -> ()
    %mul3A_17 = arith.constant 80 : i32
    %mul3A_18 = arith.muli %add3A, %mul3A_17 : i32
    "tpu.region"() ({
      %run_scoped3A = tpu.sem_alloc : memref<!tpu.dma_semaphore, #tpu.memory_space<semaphore_mem>>
      %dma_start3A = arith.constant 0 : i32
      %dma_start3A_30 = tpu.memref_slice %arg2[%mul3A_18, %dma_start3A] : memref<2560x128xi32, #tpu.memory_space<hbm>> -> memref<80x128xi32, #tpu.memory_space<hbm>>
      %dma_start3A_31 = arith.constant 0 : i32
      %dma_start3A_32 = tpu.memref_slice %arg2[%mul3A_18, %dma_start3A_31] : memref<2560x128xi32, #tpu.memory_space<hbm>> -> memref<80x128xi32, #tpu.memory_space<hbm>>
      tpu.enqueue_dma source(%dma_start3A_32 : memref<80x128xi32, #tpu.memory_space<hbm>>) target(%arg4 : memref<80x128xi32, #tpu.memory_space<vmem>>) target_semaphore(%run_scoped3A : memref<!tpu.dma_semaphore, #tpu.memory_space<semaphore_mem>>)
      %dma_wait3A = arith.constant 0 : i32
      %dma_wait3A_33 = tpu.memref_slice %arg2[%mul3A_18, %dma_wait3A] : memref<2560x128xi32, #tpu.memory_space<hbm>> -> memref<80x128xi32, #tpu.memory_space<hbm>>
      %dma_wait3A_34 = arith.constant 0 : i32
      %dma_wait3A_35 = tpu.memref_slice %arg2[%mul3A_18, %dma_wait3A_34] : memref<2560x128xi32, #tpu.memory_space<hbm>> -> memref<80x128xi32, #tpu.memory_space<hbm>>
      tpu.wait_dma2 semaphore(%run_scoped3A : memref<!tpu.dma_semaphore, #tpu.memory_space<semaphore_mem>>) src(%dma_wait3A_35 : memref<80x128xi32, #tpu.memory_space<hbm>>) dst(%arg4 : memref<80x128xi32, #tpu.memory_space<vmem>>)
      tpu.yield
    }) : () -> ()
    %scan3A_19 = arith.constant 0 : i32
    %scan3A_20 = arith.constant 128 : i32
    %scan3A_21 = arith.addi %scan3A_19, %scan3A_20 : i32
    %scan3A_22 = arith.constant 1 : i32
    scf.for %scan3A_30 = %scan3A_19 to %scan3A_21 step %scan3A_22  : i32 {
      %mul3A_31 = arith.constant 1 : i32
      %mul3A_32 = arith.muli %scan3A_30, %mul3A_31 : i32
      %add3A_33 = arith.constant 0 : i32
      %add3A_34 = arith.addi %add3A_33, %mul3A_32 : i32
      %broadcast_in_dim3A = arith.constant 1.000000e+00 : f32
      %broadcast_in_dim3A_35 = vector.broadcast %broadcast_in_dim3A : f32 to vector<16xf32>
      %swap3A = arith.index_cast %add3A_34 : i32 to index
      %swap3A_36 = arith.constant 0 : index
      %swap3A_37 = tpu.vector_load %arg5[%swap3A, %swap3A_36] {strides = array<i32>} : memref<128x16xf32, #tpu.memory_space<vmem>>, vector<1x16xf32>,
      %swap3A_38 = vector.shape_cast %swap3A_37 : vector<1x16xf32> to vector<16xf32>
      %swap3A_39 = vector.shape_cast %broadcast_in_dim3A_35 : vector<16xf32> to vector<1x16xf32>
      tpu.vector_store %arg5[%swap3A, %swap3A_36], %swap3A_39 {strides = array<i32>} : memref<128x16xf32, #tpu.memory_space<vmem>>, vector<1x16xf32>,
    }
    %scan3A_23 = arith.constant 128 : i32
    %barrier3A = arith.constant 0 : index
    tpu.barrier barrier_id(%barrier3A)
    %scan3A_24 = arith.constant 0 : i32
    %scan3A_25 = arith.constant 80 : i32
    %scan3A_26 = arith.addi %scan3A_24, %scan3A_25 : i32
    %scan3A_27 = arith.constant 1 : i32
    scf.for %scan3A_30 = %scan3A_24 to %scan3A_26 step %scan3A_27  : i32 {
      %mul3A_31 = arith.constant 1 : i32
      %mul3A_32 = arith.muli %scan3A_30, %mul3A_31 : i32
      %add3A_33 = arith.constant 0 : i32
      %add3A_34 = arith.addi %add3A_33, %mul3A_32 : i32
      "tpu.region"() ({
        %run_scoped3A = tpu.sem_alloc : memref<!tpu.dma_semaphore, #tpu.memory_space<semaphore_mem>>
        %dma_start3A = arith.constant 0 : i32
        %dma_start3A_35 = tpu.memref_slice %arg4[%add3A_34, %dma_start3A] : memref<80x128xi32, #tpu.memory_space<vmem>> -> memref<1x128xi32, #tpu.memory_space<vmem>>
        %dma_start3A_36 = tpu.memref_squeeze %dma_start3A_35 : memref<1x128xi32, #tpu.memory_space<vmem>> -> memref<128xi32, #tpu.memory_space<vmem>>
        %dma_start3A_37 = arith.constant 0 : i32
        %dma_start3A_38 = arith.constant 0 : i32
        %dma_start3A_39 = tpu.memref_slice %arg6[%dma_start3A_37, %dma_start3A_38] : memref<10240x16xf32, #tpu.memory_space<vmem_shared>> -> memref<10240x16xf32, #tpu.memory_space<vmem_shared>>
        tpu.enqueue_indirect_dma source(%arg5 : memref<128x16xf32, #tpu.memory_space<vmem>>) target(%dma_start3A_39 : memref<10240x16xf32, #tpu.memory_space<vmem_shared>>) offsets(%dma_start3A_36 : memref<128xi32, #tpu.memory_space<vmem>>) semaphore(%run_scoped3A : memref<!tpu.dma_semaphore, #tpu.memory_space<semaphore_mem>>) {add = true}
        %dma_wait3A = arith.constant 0 : i32
        %dma_wait3A_40 = tpu.memref_slice %arg4[%add3A_34, %dma_wait3A] : memref<80x128xi32, #tpu.memory_space<vmem>> -> memref<1x128xi32, #tpu.memory_space<vmem>>
        %dma_wait3A_41 = tpu.memref_squeeze %dma_wait3A_40 : memref<1x128xi32, #tpu.memory_space<vmem>> -> memref<128xi32, #tpu.memory_space<vmem>>
        %dma_wait3A_42 = arith.constant 0 : i32
        %dma_wait3A_43 = arith.constant 0 : i32
        %dma_wait3A_44 = tpu.memref_slice %arg6[%dma_wait3A_42, %dma_wait3A_43] : memref<10240x16xf32, #tpu.memory_space<vmem_shared>> -> memref<10240x16xf32, #tpu.memory_space<vmem_shared>>
        tpu.wait_indirect_dma semaphore(%run_scoped3A : memref<!tpu.dma_semaphore, #tpu.memory_space<semaphore_mem>>) src(%arg5 : memref<128x16xf32, #tpu.memory_space<vmem>>) dst(%dma_wait3A_44 : memref<10240x16xf32, #tpu.memory_space<vmem_shared>>)
        tpu.yield
      }) : () -> ()
    }
    %scan3A_28 = arith.constant 80 : i32
    %barrier3A_29 = arith.constant 0 : index
    tpu.barrier barrier_id(%barrier3A_29)
    "tpu.region"() ({
      %run_scoped3A = tpu.sem_alloc : memref<!tpu.dma_semaphore, #tpu.memory_space<semaphore_mem>>
      %dma_start3A = arith.constant 0 : i32
      %dma_start3A_30 = arith.constant 0 : i32
      %dma_start3A_31 = tpu.memref_slice %arg3[%arg0, %dma_start3A, %dma_start3A_30] : memref<2x10240x16xf32, #tpu.memory_space<hbm>> -> memref<1x10240x16xf32, #tpu.memory_space<hbm>>
      %dma_start3A_32 = tpu.memref_squeeze %dma_start3A_31 : memref<1x10240x16xf32, #tpu.memory_space<hbm>> -> memref<10240x16xf32, #tpu.memory_space<hbm>>
      %dma_start3A_33 = arith.constant 0 : i32
      %dma_start3A_34 = tpu.memref_slice %dma_start3A_32[%mul3A_6, %dma_start3A_33] : memref<10240x16xf32, #tpu.memory_space<hbm>> -> memref<640x16xf32, #tpu.memory_space<hbm>>
      %dma_start3A_35 = arith.constant 0 : i32
      %dma_start3A_36 = tpu.memref_slice %arg6[%mul3A_6, %dma_start3A_35] : memref<10240x16xf32, #tpu.memory_space<vmem_shared>> -> memref<640x16xf32, #tpu.memory_space<vmem_shared>>
      tpu.enqueue_dma source(%dma_start3A_36 : memref<640x16xf32, #tpu.memory_space<vmem_shared>>) target(%dma_start3A_34 : memref<640x16xf32, #tpu.memory_space<hbm>>) target_semaphore(%run_scoped3A : memref<!tpu.dma_semaphore, #tpu.memory_space<semaphore_mem>>)
      %dma_wait3A = arith.constant 0 : i32
      %dma_wait3A_37 = arith.constant 0 : i32
      %dma_wait3A_38 = tpu.memref_slice %arg3[%arg0, %dma_wait3A, %dma_wait3A_37] : memref<2x10240x16xf32, #tpu.memory_space<hbm>> -> memref<1x10240x16xf32, #tpu.memory_space<hbm>>
      %dma_wait3A_39 = tpu.memref_squeeze %dma_wait3A_38 : memref<1x10240x16xf32, #tpu.memory_space<hbm>> -> memref<10240x16xf32, #tpu.memory_space<hbm>>
      %dma_wait3A_40 = arith.constant 0 : i32
      %dma_wait3A_41 = tpu.memref_slice %dma_wait3A_39[%mul3A_6, %dma_wait3A_40] : memref<10240x16xf32, #tpu.memory_space<hbm>> -> memref<640x16xf32, #tpu.memory_space<hbm>>
      %dma_wait3A_42 = arith.constant 0 : i32
      %dma_wait3A_43 = tpu.memref_slice %arg6[%mul3A_6, %dma_wait3A_42] : memref<10240x16xf32, #tpu.memory_space<vmem_shared>> -> memref<640x16xf32, #tpu.memory_space<vmem_shared>>
      tpu.wait_dma2 semaphore(%run_scoped3A : memref<!tpu.dma_semaphore, #tpu.memory_space<semaphore_mem>>) src(%dma_wait3A_43 : memref<640x16xf32, #tpu.memory_space<vmem_shared>>) dst(%dma_wait3A_41 : memref<640x16xf32, #tpu.memory_space<hbm>>)
      tpu.yield
    }) : () -> ()
    return
  }
}

#map = affine_map<(d0, d1) -> (0, 0)>
#map1 = affine_map<(d0, d1) -> (0, 0, 0)>
module attributes {stable_mosaic.version = 14 : i64} {
  func.func @body(%arg0: i32, %arg1: i32, %arg2: memref<10240x128xf32, #tpu.memory_space<hbm>>, %arg3: memref<2560x128xi32, #tpu.memory_space<hbm>>, %arg4: memref<2560x128xi32, #tpu.memory_space<hbm>>, %arg5: memref<2x10240x128xf32, #tpu.memory_space<hbm>>, %arg6: memref<40x128xi32, #tpu.memory_space<vmem>>, %arg7: memref<40x128xi32, #tpu.memory_space<vmem>>, %arg8: memref<128x128xf32, #tpu.memory_space<vmem>>, %arg9: memref<128x128xf32, #tpu.memory_space<vmem>>, %arg10: memref<10112x128xf32, #tpu.memory_space<vmem_shared>>, %arg11: memref<!tpu.dma_semaphore, #tpu.memory_space<semaphore_mem>>, %arg12: memref<!tpu.dma_semaphore, #tpu.memory_space<semaphore_mem>>) attributes {dimension_semantics = [#tpu.dimension_semantics<core_parallel>, #tpu.dimension_semantics<subcore_parallel>], iteration_bounds = array<i64: 2, 16>, scalar_prefetch = 0 : i64, scratch_operands = 7 : i64, tpu.core_type = #tpu.core_type<sc_vector_subcore>, window_params = [{transform_indices = #map}, {transform_indices = #map}, {transform_indices = #map}, {transform_indices = #map1}]} {
    %mul3A = arith.constant 2 : i32
    %mul3A_0 = arith.muli %arg1, %mul3A : i32
    %add3A = arith.addi %mul3A_0, %arg0 : i32
    %mul3A_1 = arith.constant 632 : i32
    %mul3A_2 = arith.muli %arg1, %mul3A_1 : i32
    %scan3A = arith.constant 0 : i32
    %scan3A_3 = arith.constant 128 : i32
    %scan3A_4 = arith.addi %scan3A, %scan3A_3 : i32
    %scan3A_5 = arith.constant 1 : i32
    scf.for %scan3A_31 = %scan3A to %scan3A_4 step %scan3A_5  : i32 {
      %mul3A_32 = arith.constant 1 : i32
      %mul3A_33 = arith.muli %scan3A_31, %mul3A_32 : i32
      %add3A_34 = arith.constant 0 : i32
      %add3A_35 = arith.addi %add3A_34, %mul3A_33 : i32
      %broadcast_in_dim3A = arith.constant 0.000000e+00 : f32
      %broadcast_in_dim3A_36 = vector.broadcast %broadcast_in_dim3A : f32 to vector<16xf32>
      %swap3A = arith.index_cast %add3A_35 : i32 to index
      %swap3A_37 = arith.constant 0 : index
      %swap3A_38 = tpu.vector_load %arg8[%swap3A, %swap3A_37] {strides = array<i32>} : memref<128x128xf32, #tpu.memory_space<vmem>>, vector<1x16xf32>,
      %swap3A_39 = vector.shape_cast %swap3A_38 : vector<1x16xf32> to vector<16xf32>
      %swap3A_40 = vector.shape_cast %broadcast_in_dim3A_36 : vector<16xf32> to vector<1x16xf32>
      tpu.vector_store %arg8[%swap3A, %swap3A_37], %swap3A_40 {strides = array<i32>} : memref<128x128xf32, #tpu.memory_space<vmem>>, vector<1x16xf32>,
      %broadcast_in_dim3A_41 = arith.constant 0.000000e+00 : f32
      %broadcast_in_dim3A_42 = vector.broadcast %broadcast_in_dim3A_41 : f32 to vector<16xf32>
      %swap3A_43 = arith.index_cast %add3A_35 : i32 to index
      %swap3A_44 = arith.constant 16 : index
      %swap3A_45 = tpu.vector_load %arg8[%swap3A_43, %swap3A_44] {strides = array<i32>} : memref<128x128xf32, #tpu.memory_space<vmem>>, vector<1x16xf32>,
      %swap3A_46 = vector.shape_cast %swap3A_45 : vector<1x16xf32> to vector<16xf32>
      %swap3A_47 = vector.shape_cast %broadcast_in_dim3A_42 : vector<16xf32> to vector<1x16xf32>
      tpu.vector_store %arg8[%swap3A_43, %swap3A_44], %swap3A_47 {strides = array<i32>} : memref<128x128xf32, #tpu.memory_space<vmem>>, vector<1x16xf32>,
      %broadcast_in_dim3A_48 = arith.constant 0.000000e+00 : f32
      %broadcast_in_dim3A_49 = vector.broadcast %broadcast_in_dim3A_48 : f32 to vector<16xf32>
      %swap3A_50 = arith.index_cast %add3A_35 : i32 to index
      %swap3A_51 = arith.constant 32 : index
      %swap3A_52 = tpu.vector_load %arg8[%swap3A_50, %swap3A_51] {strides = array<i32>} : memref<128x128xf32, #tpu.memory_space<vmem>>, vector<1x16xf32>,
      %swap3A_53 = vector.shape_cast %swap3A_52 : vector<1x16xf32> to vector<16xf32>
      %swap3A_54 = vector.shape_cast %broadcast_in_dim3A_49 : vector<16xf32> to vector<1x16xf32>
      tpu.vector_store %arg8[%swap3A_50, %swap3A_51], %swap3A_54 {strides = array<i32>} : memref<128x128xf32, #tpu.memory_space<vmem>>, vector<1x16xf32>,
      %broadcast_in_dim3A_55 = arith.constant 0.000000e+00 : f32
      %broadcast_in_dim3A_56 = vector.broadcast %broadcast_in_dim3A_55 : f32 to vector<16xf32>
      %swap3A_57 = arith.index_cast %add3A_35 : i32 to index
      %swap3A_58 = arith.constant 48 : index
      %swap3A_59 = tpu.vector_load %arg8[%swap3A_57, %swap3A_58] {strides = array<i32>} : memref<128x128xf32, #tpu.memory_space<vmem>>, vector<1x16xf32>,
      %swap3A_60 = vector.shape_cast %swap3A_59 : vector<1x16xf32> to vector<16xf32>
      %swap3A_61 = vector.shape_cast %broadcast_in_dim3A_56 : vector<16xf32> to vector<1x16xf32>
      tpu.vector_store %arg8[%swap3A_57, %swap3A_58], %swap3A_61 {strides = array<i32>} : memref<128x128xf32, #tpu.memory_space<vmem>>, vector<1x16xf32>,
      %broadcast_in_dim3A_62 = arith.constant 0.000000e+00 : f32
      %broadcast_in_dim3A_63 = vector.broadcast %broadcast_in_dim3A_62 : f32 to vector<16xf32>
      %swap3A_64 = arith.index_cast %add3A_35 : i32 to index
      %swap3A_65 = arith.constant 64 : index
      %swap3A_66 = tpu.vector_load %arg8[%swap3A_64, %swap3A_65] {strides = array<i32>} : memref<128x128xf32, #tpu.memory_space<vmem>>, vector<1x16xf32>,
      %swap3A_67 = vector.shape_cast %swap3A_66 : vector<1x16xf32> to vector<16xf32>
      %swap3A_68 = vector.shape_cast %broadcast_in_dim3A_63 : vector<16xf32> to vector<1x16xf32>
      tpu.vector_store %arg8[%swap3A_64, %swap3A_65], %swap3A_68 {strides = array<i32>} : memref<128x128xf32, #tpu.memory_space<vmem>>, vector<1x16xf32>,
      %broadcast_in_dim3A_69 = arith.constant 0.000000e+00 : f32
      %broadcast_in_dim3A_70 = vector.broadcast %broadcast_in_dim3A_69 : f32 to vector<16xf32>
      %swap3A_71 = arith.index_cast %add3A_35 : i32 to index
      %swap3A_72 = arith.constant 80 : index
      %swap3A_73 = tpu.vector_load %arg8[%swap3A_71, %swap3A_72] {strides = array<i32>} : memref<128x128xf32, #tpu.memory_space<vmem>>, vector<1x16xf32>,
      %swap3A_74 = vector.shape_cast %swap3A_73 : vector<1x16xf32> to vector<16xf32>
      %swap3A_75 = vector.shape_cast %broadcast_in_dim3A_70 : vector<16xf32> to vector<1x16xf32>
      tpu.vector_store %arg8[%swap3A_71, %swap3A_72], %swap3A_75 {strides = array<i32>} : memref<128x128xf32, #tpu.memory_space<vmem>>, vector<1x16xf32>,
      %broadcast_in_dim3A_76 = arith.constant 0.000000e+00 : f32
      %broadcast_in_dim3A_77 = vector.broadcast %broadcast_in_dim3A_76 : f32 to vector<16xf32>
      %swap3A_78 = arith.index_cast %add3A_35 : i32 to index
      %swap3A_79 = arith.constant 96 : index
      %swap3A_80 = tpu.vector_load %arg8[%swap3A_78, %swap3A_79] {strides = array<i32>} : memref<128x128xf32, #tpu.memory_space<vmem>>, vector<1x16xf32>,
      %swap3A_81 = vector.shape_cast %swap3A_80 : vector<1x16xf32> to vector<16xf32>
      %swap3A_82 = vector.shape_cast %broadcast_in_dim3A_77 : vector<16xf32> to vector<1x16xf32>
      tpu.vector_store %arg8[%swap3A_78, %swap3A_79], %swap3A_82 {strides = array<i32>} : memref<128x128xf32, #tpu.memory_space<vmem>>, vector<1x16xf32>,
      %broadcast_in_dim3A_83 = arith.constant 0.000000e+00 : f32
      %broadcast_in_dim3A_84 = vector.broadcast %broadcast_in_dim3A_83 : f32 to vector<16xf32>
      %swap3A_85 = arith.index_cast %add3A_35 : i32 to index
      %swap3A_86 = arith.constant 112 : index
      %swap3A_87 = tpu.vector_load %arg8[%swap3A_85, %swap3A_86] {strides = array<i32>} : memref<128x128xf32, #tpu.memory_space<vmem>>, vector<1x16xf32>,
      %swap3A_88 = vector.shape_cast %swap3A_87 : vector<1x16xf32> to vector<16xf32>
      %swap3A_89 = vector.shape_cast %broadcast_in_dim3A_84 : vector<16xf32> to vector<1x16xf32>
      tpu.vector_store %arg8[%swap3A_85, %swap3A_86], %swap3A_89 {strides = array<i32>} : memref<128x128xf32, #tpu.memory_space<vmem>>, vector<1x16xf32>,
    }
    %scan3A_6 = arith.constant 128 : i32
    %add3A_7 = arith.constant 0 : i32
    %add3A_8 = arith.addi %mul3A_2, %add3A_7 : i32
    "tpu.region"() ({
      %run_scoped3A = tpu.sem_alloc : memref<!tpu.dma_semaphore, #tpu.memory_space<semaphore_mem>>
      %dma_start3A = arith.constant 0 : i32
      %dma_start3A_31 = tpu.memref_slice %arg10[%add3A_8, %dma_start3A] : memref<10112x128xf32, #tpu.memory_space<vmem_shared>> -> memref<128x128xf32, #tpu.memory_space<vmem_shared>>
      %dma_start3A_32 = arith.constant 0 : i32
      %dma_start3A_33 = tpu.memref_slice %arg10[%add3A_8, %dma_start3A_32] : memref<10112x128xf32, #tpu.memory_space<vmem_shared>> -> memref<128x128xf32, #tpu.memory_space<vmem_shared>>
      tpu.enqueue_dma source(%arg8 : memref<128x128xf32, #tpu.memory_space<vmem>>) target(%dma_start3A_33 : memref<128x128xf32, #tpu.memory_space<vmem_shared>>) target_semaphore(%run_scoped3A : memref<!tpu.dma_semaphore, #tpu.memory_space<semaphore_mem>>)
      %dma_wait3A = arith.constant 0 : i32
      %dma_wait3A_34 = tpu.memref_slice %arg10[%add3A_8, %dma_wait3A] : memref<10112x128xf32, #tpu.memory_space<vmem_shared>> -> memref<128x128xf32, #tpu.memory_space<vmem_shared>>
      %dma_wait3A_35 = arith.constant 0 : i32
      %dma_wait3A_36 = tpu.memref_slice %arg10[%add3A_8, %dma_wait3A_35] : memref<10112x128xf32, #tpu.memory_space<vmem_shared>> -> memref<128x128xf32, #tpu.memory_space<vmem_shared>>
      tpu.wait_dma2 semaphore(%run_scoped3A : memref<!tpu.dma_semaphore, #tpu.memory_space<semaphore_mem>>) src(%arg8 : memref<128x128xf32, #tpu.memory_space<vmem>>) dst(%dma_wait3A_36 : memref<128x128xf32, #tpu.memory_space<vmem_shared>>)
      tpu.yield
    }) : () -> ()
    %add3A_9 = arith.constant 128 : i32
    %add3A_10 = arith.addi %mul3A_2, %add3A_9 : i32
    "tpu.region"() ({
      %run_scoped3A = tpu.sem_alloc : memref<!tpu.dma_semaphore, #tpu.memory_space<semaphore_mem>>
      %dma_start3A = arith.constant 0 : i32
      %dma_start3A_31 = tpu.memref_slice %arg10[%add3A_10, %dma_start3A] : memref<10112x128xf32, #tpu.memory_space<vmem_shared>> -> memref<128x128xf32, #tpu.memory_space<vmem_shared>>
      %dma_start3A_32 = arith.constant 0 : i32
      %dma_start3A_33 = tpu.memref_slice %arg10[%add3A_10, %dma_start3A_32] : memref<10112x128xf32, #tpu.memory_space<vmem_shared>> -> memref<128x128xf32, #tpu.memory_space<vmem_shared>>
      tpu.enqueue_dma source(%arg8 : memref<128x128xf32, #tpu.memory_space<vmem>>) target(%dma_start3A_33 : memref<128x128xf32, #tpu.memory_space<vmem_shared>>) target_semaphore(%run_scoped3A : memref<!tpu.dma_semaphore, #tpu.memory_space<semaphore_mem>>)
      %dma_wait3A = arith.constant 0 : i32
      %dma_wait3A_34 = tpu.memref_slice %arg10[%add3A_10, %dma_wait3A] : memref<10112x128xf32, #tpu.memory_space<vmem_shared>> -> memref<128x128xf32, #tpu.memory_space<vmem_shared>>
      %dma_wait3A_35 = arith.constant 0 : i32
      %dma_wait3A_36 = tpu.memref_slice %arg10[%add3A_10, %dma_wait3A_35] : memref<10112x128xf32, #tpu.memory_space<vmem_shared>> -> memref<128x128xf32, #tpu.memory_space<vmem_shared>>
      tpu.wait_dma2 semaphore(%run_scoped3A : memref<!tpu.dma_semaphore, #tpu.memory_space<semaphore_mem>>) src(%arg8 : memref<128x128xf32, #tpu.memory_space<vmem>>) dst(%dma_wait3A_36 : memref<128x128xf32, #tpu.memory_space<vmem_shared>>)
      tpu.yield
    }) : () -> ()
    %add3A_11 = arith.constant 256 : i32
    %add3A_12 = arith.addi %mul3A_2, %add3A_11 : i32
    "tpu.region"() ({
      %run_scoped3A = tpu.sem_alloc : memref<!tpu.dma_semaphore, #tpu.memory_space<semaphore_mem>>
      %dma_start3A = arith.constant 0 : i32
      %dma_start3A_31 = tpu.memref_slice %arg10[%add3A_12, %dma_start3A] : memref<10112x128xf32, #tpu.memory_space<vmem_shared>> -> memref<128x128xf32, #tpu.memory_space<vmem_shared>>
      %dma_start3A_32 = arith.constant 0 : i32
      %dma_start3A_33 = tpu.memref_slice %arg10[%add3A_12, %dma_start3A_32] : memref<10112x128xf32, #tpu.memory_space<vmem_shared>> -> memref<128x128xf32, #tpu.memory_space<vmem_shared>>
      tpu.enqueue_dma source(%arg8 : memref<128x128xf32, #tpu.memory_space<vmem>>) target(%dma_start3A_33 : memref<128x128xf32, #tpu.memory_space<vmem_shared>>) target_semaphore(%run_scoped3A : memref<!tpu.dma_semaphore, #tpu.memory_space<semaphore_mem>>)
      %dma_wait3A = arith.constant 0 : i32
      %dma_wait3A_34 = tpu.memref_slice %arg10[%add3A_12, %dma_wait3A] : memref<10112x128xf32, #tpu.memory_space<vmem_shared>> -> memref<128x128xf32, #tpu.memory_space<vmem_shared>>
      %dma_wait3A_35 = arith.constant 0 : i32
      %dma_wait3A_36 = tpu.memref_slice %arg10[%add3A_12, %dma_wait3A_35] : memref<10112x128xf32, #tpu.memory_space<vmem_shared>> -> memref<128x128xf32, #tpu.memory_space<vmem_shared>>
      tpu.wait_dma2 semaphore(%run_scoped3A : memref<!tpu.dma_semaphore, #tpu.memory_space<semaphore_mem>>) src(%arg8 : memref<128x128xf32, #tpu.memory_space<vmem>>) dst(%dma_wait3A_36 : memref<128x128xf32, #tpu.memory_space<vmem_shared>>)
      tpu.yield
    }) : () -> ()
    %add3A_13 = arith.constant 384 : i32
    %add3A_14 = arith.addi %mul3A_2, %add3A_13 : i32
    "tpu.region"() ({
      %run_scoped3A = tpu.sem_alloc : memref<!tpu.dma_semaphore, #tpu.memory_space<semaphore_mem>>
      %dma_start3A = arith.constant 0 : i32
      %dma_start3A_31 = tpu.memref_slice %arg10[%add3A_14, %dma_start3A] : memref<10112x128xf32, #tpu.memory_space<vmem_shared>> -> memref<128x128xf32, #tpu.memory_space<vmem_shared>>
      %dma_start3A_32 = arith.constant 0 : i32
      %dma_start3A_33 = tpu.memref_slice %arg10[%add3A_14, %dma_start3A_32] : memref<10112x128xf32, #tpu.memory_space<vmem_shared>> -> memref<128x128xf32, #tpu.memory_space<vmem_shared>>
      tpu.enqueue_dma source(%arg8 : memref<128x128xf32, #tpu.memory_space<vmem>>) target(%dma_start3A_33 : memref<128x128xf32, #tpu.memory_space<vmem_shared>>) target_semaphore(%run_scoped3A : memref<!tpu.dma_semaphore, #tpu.memory_space<semaphore_mem>>)
      %dma_wait3A = arith.constant 0 : i32
      %dma_wait3A_34 = tpu.memref_slice %arg10[%add3A_14, %dma_wait3A] : memref<10112x128xf32, #tpu.memory_space<vmem_shared>> -> memref<128x128xf32, #tpu.memory_space<vmem_shared>>
      %dma_wait3A_35 = arith.constant 0 : i32
      %dma_wait3A_36 = tpu.memref_slice %arg10[%add3A_14, %dma_wait3A_35] : memref<10112x128xf32, #tpu.memory_space<vmem_shared>> -> memref<128x128xf32, #tpu.memory_space<vmem_shared>>
      tpu.wait_dma2 semaphore(%run_scoped3A : memref<!tpu.dma_semaphore, #tpu.memory_space<semaphore_mem>>) src(%arg8 : memref<128x128xf32, #tpu.memory_space<vmem>>) dst(%dma_wait3A_36 : memref<128x128xf32, #tpu.memory_space<vmem_shared>>)
      tpu.yield
    }) : () -> ()
    %add3A_15 = arith.constant 512 : i32
    %add3A_16 = arith.addi %mul3A_2, %add3A_15 : i32
    "tpu.region"() ({
      %run_scoped3A = tpu.sem_alloc : memref<!tpu.dma_semaphore, #tpu.memory_space<semaphore_mem>>
      %dma_start3A = arith.constant 0 : i32
      %dma_start3A_31 = arith.constant 0 : i32
      %dma_start3A_32 = tpu.memref_slice %arg8[%dma_start3A, %dma_start3A_31] : memref<128x128xf32, #tpu.memory_space<vmem>> -> memref<120x128xf32, #tpu.memory_space<vmem>>
      %dma_start3A_33 = arith.constant 0 : i32
      %dma_start3A_34 = tpu.memref_slice %arg10[%add3A_16, %dma_start3A_33] : memref<10112x128xf32, #tpu.memory_space<vmem_shared>> -> memref<120x128xf32, #tpu.memory_space<vmem_shared>>
      %dma_start3A_35 = arith.constant 0 : i32
      %dma_start3A_36 = tpu.memref_slice %arg10[%add3A_16, %dma_start3A_35] : memref<10112x128xf32, #tpu.memory_space<vmem_shared>> -> memref<120x128xf32, #tpu.memory_space<vmem_shared>>
      %dma_start3A_37 = arith.constant 0 : i32
      %dma_start3A_38 = arith.constant 0 : i32
      %dma_start3A_39 = tpu.memref_slice %arg8[%dma_start3A_37, %dma_start3A_38] : memref<128x128xf32, #tpu.memory_space<vmem>> -> memref<120x128xf32, #tpu.memory_space<vmem>>
      tpu.enqueue_dma source(%dma_start3A_39 : memref<120x128xf32, #tpu.memory_space<vmem>>) target(%dma_start3A_36 : memref<120x128xf32, #tpu.memory_space<vmem_shared>>) target_semaphore(%run_scoped3A : memref<!tpu.dma_semaphore, #tpu.memory_space<semaphore_mem>>)
      %dma_wait3A = arith.constant 0 : i32
      %dma_wait3A_40 = arith.constant 0 : i32
      %dma_wait3A_41 = tpu.memref_slice %arg8[%dma_wait3A, %dma_wait3A_40] : memref<128x128xf32, #tpu.memory_space<vmem>> -> memref<120x128xf32, #tpu.memory_space<vmem>>
      %dma_wait3A_42 = arith.constant 0 : i32
      %dma_wait3A_43 = tpu.memref_slice %arg10[%add3A_16, %dma_wait3A_42] : memref<10112x128xf32, #tpu.memory_space<vmem_shared>> -> memref<120x128xf32, #tpu.memory_space<vmem_shared>>
      %dma_wait3A_44 = arith.constant 0 : i32
      %dma_wait3A_45 = tpu.memref_slice %arg10[%add3A_16, %dma_wait3A_44] : memref<10112x128xf32, #tpu.memory_space<vmem_shared>> -> memref<120x128xf32, #tpu.memory_space<vmem_shared>>
      %dma_wait3A_46 = arith.constant 0 : i32
      %dma_wait3A_47 = arith.constant 0 : i32
      %dma_wait3A_48 = tpu.memref_slice %arg8[%dma_wait3A_46, %dma_wait3A_47] : memref<128x128xf32, #tpu.memory_space<vmem>> -> memref<120x128xf32, #tpu.memory_space<vmem>>
      tpu.wait_dma2 semaphore(%run_scoped3A : memref<!tpu.dma_semaphore, #tpu.memory_space<semaphore_mem>>) src(%dma_wait3A_48 : memref<120x128xf32, #tpu.memory_space<vmem>>) dst(%dma_wait3A_45 : memref<120x128xf32, #tpu.memory_space<vmem_shared>>)
      tpu.yield
    }) : () -> ()
    %mul3A_17 = arith.constant 40 : i32
    %mul3A_18 = arith.muli %add3A, %mul3A_17 : i32
    %add3A_19 = arith.constant 1280 : i32
    %add3A_20 = arith.addi %add3A_19, %mul3A_18 : i32
    "tpu.region"() ({
      %run_scoped3A = tpu.sem_alloc : memref<!tpu.dma_semaphore, #tpu.memory_space<semaphore_mem>>
      %dma_start3A = arith.constant 0 : i32
      %dma_start3A_31 = tpu.memref_slice %arg3[%add3A_20, %dma_start3A] : memref<2560x128xi32, #tpu.memory_space<hbm>> -> memref<40x128xi32, #tpu.memory_space<hbm>>
      %dma_start3A_32 = arith.constant 0 : i32
      %dma_start3A_33 = tpu.memref_slice %arg3[%add3A_20, %dma_start3A_32] : memref<2560x128xi32, #tpu.memory_space<hbm>> -> memref<40x128xi32, #tpu.memory_space<hbm>>
      tpu.enqueue_dma source(%dma_start3A_33 : memref<40x128xi32, #tpu.memory_space<hbm>>) target(%arg6 : memref<40x128xi32, #tpu.memory_space<vmem>>) target_semaphore(%run_scoped3A : memref<!tpu.dma_semaphore, #tpu.memory_space<semaphore_mem>>)
      %dma_wait3A = arith.constant 0 : i32
      %dma_wait3A_34 = tpu.memref_slice %arg3[%add3A_20, %dma_wait3A] : memref<2560x128xi32, #tpu.memory_space<hbm>> -> memref<40x128xi32, #tpu.memory_space<hbm>>
      %dma_wait3A_35 = arith.constant 0 : i32
      %dma_wait3A_36 = tpu.memref_slice %arg3[%add3A_20, %dma_wait3A_35] : memref<2560x128xi32, #tpu.memory_space<hbm>> -> memref<40x128xi32, #tpu.memory_space<hbm>>
      tpu.wait_dma2 semaphore(%run_scoped3A : memref<!tpu.dma_semaphore, #tpu.memory_space<semaphore_mem>>) src(%dma_wait3A_36 : memref<40x128xi32, #tpu.memory_space<hbm>>) dst(%arg6 : memref<40x128xi32, #tpu.memory_space<vmem>>)
      tpu.yield
    }) : () -> ()
    %mul3A_21 = arith.constant 40 : i32
    %mul3A_22 = arith.muli %add3A, %mul3A_21 : i32
    %add3A_23 = arith.constant 1280 : i32
    %add3A_24 = arith.addi %add3A_23, %mul3A_22 : i32
    "tpu.region"() ({
      %run_scoped3A = tpu.sem_alloc : memref<!tpu.dma_semaphore, #tpu.memory_space<semaphore_mem>>
      %dma_start3A = arith.constant 0 : i32
      %dma_start3A_31 = tpu.memref_slice %arg4[%add3A_24, %dma_start3A] : memref<2560x128xi32, #tpu.memory_space<hbm>> -> memref<40x128xi32, #tpu.memory_space<hbm>>
      %dma_start3A_32 = arith.constant 0 : i32
      %dma_start3A_33 = tpu.memref_slice %arg4[%add3A_24, %dma_start3A_32] : memref<2560x128xi32, #tpu.memory_space<hbm>> -> memref<40x128xi32, #tpu.memory_space<hbm>>
      tpu.enqueue_dma source(%dma_start3A_33 : memref<40x128xi32, #tpu.memory_space<hbm>>) target(%arg7 : memref<40x128xi32, #tpu.memory_space<vmem>>) target_semaphore(%run_scoped3A : memref<!tpu.dma_semaphore, #tpu.memory_space<semaphore_mem>>)
      %dma_wait3A = arith.constant 0 : i32
      %dma_wait3A_34 = tpu.memref_slice %arg4[%add3A_24, %dma_wait3A] : memref<2560x128xi32, #tpu.memory_space<hbm>> -> memref<40x128xi32, #tpu.memory_space<hbm>>
      %dma_wait3A_35 = arith.constant 0 : i32
      %dma_wait3A_36 = tpu.memref_slice %arg4[%add3A_24, %dma_wait3A_35] : memref<2560x128xi32, #tpu.memory_space<hbm>> -> memref<40x128xi32, #tpu.memory_space<hbm>>
      tpu.wait_dma2 semaphore(%run_scoped3A : memref<!tpu.dma_semaphore, #tpu.memory_space<semaphore_mem>>) src(%dma_wait3A_36 : memref<40x128xi32, #tpu.memory_space<hbm>>) dst(%arg7 : memref<40x128xi32, #tpu.memory_space<vmem>>)
      tpu.yield
    }) : () -> ()
    %barrier3A = arith.constant 0 : index
    tpu.barrier barrier_id(%barrier3A)
    %scan3A_25 = arith.constant 0 : i32
    %scan3A_26 = arith.constant 20 : i32
    %scan3A_27 = arith.addi %scan3A_25, %scan3A_26 : i32
    %scan3A_28 = arith.constant 1 : i32
    scf.for %scan3A_31 = %scan3A_25 to %scan3A_27 step %scan3A_28  : i32 {
      %mul3A_32 = arith.constant 1 : i32
      %mul3A_33 = arith.muli %scan3A_31, %mul3A_32 : i32
      %add3A_34 = arith.constant 0 : i32
      %add3A_35 = arith.addi %add3A_34, %mul3A_33 : i32
      %mul3A_36 = arith.constant 2 : i32
      %mul3A_37 = arith.muli %add3A_35, %mul3A_36 : i32
      %dma_start3A = arith.constant 0 : i32
      %dma_start3A_38 = tpu.memref_slice %arg6[%mul3A_37, %dma_start3A] : memref<40x128xi32, #tpu.memory_space<vmem>> -> memref<1x128xi32, #tpu.memory_space<vmem>>
      %dma_start3A_39 = tpu.memref_squeeze %dma_start3A_38 : memref<1x128xi32, #tpu.memory_space<vmem>> -> memref<128xi32, #tpu.memory_space<vmem>>
      %dma_start3A_40 = arith.constant 0 : i32
      %dma_start3A_41 = arith.constant 0 : i32
      %dma_start3A_42 = tpu.memref_slice %arg2[%dma_start3A_40, %dma_start3A_41] : memref<10240x128xf32, #tpu.memory_space<hbm>> -> memref<10240x128xf32, #tpu.memory_space<hbm>>
      tpu.enqueue_indirect_dma source(%dma_start3A_42 : memref<10240x128xf32, #tpu.memory_space<hbm>>) target(%arg8 : memref<128x128xf32, #tpu.memory_space<vmem>>) offsets(%dma_start3A_39 : memref<128xi32, #tpu.memory_space<vmem>>) semaphore(%arg11 : memref<!tpu.dma_semaphore, #tpu.memory_space<semaphore_mem>>)
      %add3A_43 = arith.constant 1 : i32
      %add3A_44 = arith.addi %mul3A_37, %add3A_43 : i32
      %dma_start3A_45 = arith.constant 0 : i32
      %dma_start3A_46 = tpu.memref_slice %arg6[%add3A_44, %dma_start3A_45] : memref<40x128xi32, #tpu.memory_space<vmem>> -> memref<1x128xi32, #tpu.memory_space<vmem>>
      %dma_start3A_47 = tpu.memref_squeeze %dma_start3A_46 : memref<1x128xi32, #tpu.memory_space<vmem>> -> memref<128xi32, #tpu.memory_space<vmem>>
      %dma_start3A_48 = arith.constant 0 : i32
      %dma_start3A_49 = arith.constant 0 : i32
      %dma_start3A_50 = tpu.memref_slice %arg2[%dma_start3A_48, %dma_start3A_49] : memref<10240x128xf32, #tpu.memory_space<hbm>> -> memref<10240x128xf32, #tpu.memory_space<hbm>>
      tpu.enqueue_indirect_dma source(%dma_start3A_50 : memref<10240x128xf32, #tpu.memory_space<hbm>>) target(%arg9 : memref<128x128xf32, #tpu.memory_space<vmem>>) offsets(%dma_start3A_47 : memref<128xi32, #tpu.memory_space<vmem>>) semaphore(%arg12 : memref<!tpu.dma_semaphore, #tpu.memory_space<semaphore_mem>>)
      %dma_wait3A = arith.constant 0 : i32
      %dma_wait3A_51 = tpu.memref_slice %arg6[%mul3A_37, %dma_wait3A] : memref<40x128xi32, #tpu.memory_space<vmem>> -> memref<1x128xi32, #tpu.memory_space<vmem>>
      %dma_wait3A_52 = tpu.memref_squeeze %dma_wait3A_51 : memref<1x128xi32, #tpu.memory_space<vmem>> -> memref<128xi32, #tpu.memory_space<vmem>>
      %dma_wait3A_53 = arith.constant 0 : i32
      %dma_wait3A_54 = arith.constant 0 : i32
      %dma_wait3A_55 = tpu.memref_slice %arg2[%dma_wait3A_53, %dma_wait3A_54] : memref<10240x128xf32, #tpu.memory_space<hbm>> -> memref<10240x128xf32, #tpu.memory_space<hbm>>
      tpu.wait_indirect_dma semaphore(%arg11 : memref<!tpu.dma_semaphore, #tpu.memory_space<semaphore_mem>>) src(%dma_wait3A_55 : memref<10240x128xf32, #tpu.memory_space<hbm>>) dst(%arg8 : memref<128x128xf32, #tpu.memory_space<vmem>>)
      "tpu.region"() ({
        %run_scoped3A = tpu.sem_alloc : memref<!tpu.dma_semaphore, #tpu.memory_space<semaphore_mem>>
        %dma_start3A_64 = arith.constant 0 : i32
        %dma_start3A_65 = tpu.memref_slice %arg7[%mul3A_37, %dma_start3A_64] : memref<40x128xi32, #tpu.memory_space<vmem>> -> memref<1x128xi32, #tpu.memory_space<vmem>>
        %dma_start3A_66 = tpu.memref_squeeze %dma_start3A_65 : memref<1x128xi32, #tpu.memory_space<vmem>> -> memref<128xi32, #tpu.memory_space<vmem>>
        %dma_start3A_67 = arith.constant 0 : i32
        %dma_start3A_68 = arith.constant 0 : i32
        %dma_start3A_69 = tpu.memref_slice %arg10[%dma_start3A_67, %dma_start3A_68] : memref<10112x128xf32, #tpu.memory_space<vmem_shared>> -> memref<10112x128xf32, #tpu.memory_space<vmem_shared>>
        tpu.enqueue_indirect_dma source(%arg8 : memref<128x128xf32, #tpu.memory_space<vmem>>) target(%dma_start3A_69 : memref<10112x128xf32, #tpu.memory_space<vmem_shared>>) offsets(%dma_start3A_66 : memref<128xi32, #tpu.memory_space<vmem>>) semaphore(%run_scoped3A : memref<!tpu.dma_semaphore, #tpu.memory_space<semaphore_mem>>) {add = true}
        %dma_wait3A_70 = arith.constant 0 : i32
        %dma_wait3A_71 = tpu.memref_slice %arg7[%mul3A_37, %dma_wait3A_70] : memref<40x128xi32, #tpu.memory_space<vmem>> -> memref<1x128xi32, #tpu.memory_space<vmem>>
        %dma_wait3A_72 = tpu.memref_squeeze %dma_wait3A_71 : memref<1x128xi32, #tpu.memory_space<vmem>> -> memref<128xi32, #tpu.memory_space<vmem>>
        %dma_wait3A_73 = arith.constant 0 : i32
        %dma_wait3A_74 = arith.constant 0 : i32
        %dma_wait3A_75 = tpu.memref_slice %arg10[%dma_wait3A_73, %dma_wait3A_74] : memref<10112x128xf32, #tpu.memory_space<vmem_shared>> -> memref<10112x128xf32, #tpu.memory_space<vmem_shared>>
        tpu.wait_indirect_dma semaphore(%run_scoped3A : memref<!tpu.dma_semaphore, #tpu.memory_space<semaphore_mem>>) src(%arg8 : memref<128x128xf32, #tpu.memory_space<vmem>>) dst(%dma_wait3A_75 : memref<10112x128xf32, #tpu.memory_space<vmem_shared>>)
        tpu.yield
      }) : () -> ()
      %dma_wait3A_56 = arith.constant 0 : i32
      %dma_wait3A_57 = tpu.memref_slice %arg6[%add3A_44, %dma_wait3A_56] : memref<40x128xi32, #tpu.memory_space<vmem>> -> memref<1x128xi32, #tpu.memory_space<vmem>>
      %dma_wait3A_58 = tpu.memref_squeeze %dma_wait3A_57 : memref<1x128xi32, #tpu.memory_space<vmem>> -> memref<128xi32, #tpu.memory_space<vmem>>
      %dma_wait3A_59 = arith.constant 0 : i32
      %dma_wait3A_60 = arith.constant 0 : i32
      %dma_wait3A_61 = tpu.memref_slice %arg2[%dma_wait3A_59, %dma_wait3A_60] : memref<10240x128xf32, #tpu.memory_space<hbm>> -> memref<10240x128xf32, #tpu.memory_space<hbm>>
      tpu.wait_indirect_dma semaphore(%arg12 : memref<!tpu.dma_semaphore, #tpu.memory_space<semaphore_mem>>) src(%dma_wait3A_61 : memref<10240x128xf32, #tpu.memory_space<hbm>>) dst(%arg9 : memref<128x128xf32, #tpu.memory_space<vmem>>)
      %add3A_62 = arith.constant 1 : i32
      %add3A_63 = arith.addi %mul3A_37, %add3A_62 : i32
      "tpu.region"() ({
        %run_scoped3A = tpu.sem_alloc : memref<!tpu.dma_semaphore, #tpu.memory_space<semaphore_mem>>
        %dma_start3A_64 = arith.constant 0 : i32
        %dma_start3A_65 = tpu.memref_slice %arg7[%add3A_63, %dma_start3A_64] : memref<40x128xi32, #tpu.memory_space<vmem>> -> memref<1x128xi32, #tpu.memory_space<vmem>>
        %dma_start3A_66 = tpu.memref_squeeze %dma_start3A_65 : memref<1x128xi32, #tpu.memory_space<vmem>> -> memref<128xi32, #tpu.memory_space<vmem>>
        %dma_start3A_67 = arith.constant 0 : i32
        %dma_start3A_68 = arith.constant 0 : i32
        %dma_start3A_69 = tpu.memref_slice %arg10[%dma_start3A_67, %dma_start3A_68] : memref<10112x128xf32, #tpu.memory_space<vmem_shared>> -> memref<10112x128xf32, #tpu.memory_space<vmem_shared>>
        tpu.enqueue_indirect_dma source(%arg9 : memref<128x128xf32, #tpu.memory_space<vmem>>) target(%dma_start3A_69 : memref<10112x128xf32, #tpu.memory_space<vmem_shared>>) offsets(%dma_start3A_66 : memref<128xi32, #tpu.memory_space<vmem>>) semaphore(%run_scoped3A : memref<!tpu.dma_semaphore, #tpu.memory_space<semaphore_mem>>) {add = true}
        %dma_wait3A_70 = arith.constant 0 : i32
        %dma_wait3A_71 = tpu.memref_slice %arg7[%add3A_63, %dma_wait3A_70] : memref<40x128xi32, #tpu.memory_space<vmem>> -> memref<1x128xi32, #tpu.memory_space<vmem>>
        %dma_wait3A_72 = tpu.memref_squeeze %dma_wait3A_71 : memref<1x128xi32, #tpu.memory_space<vmem>> -> memref<128xi32, #tpu.memory_space<vmem>>
        %dma_wait3A_73 = arith.constant 0 : i32
        %dma_wait3A_74 = arith.constant 0 : i32
        %dma_wait3A_75 = tpu.memref_slice %arg10[%dma_wait3A_73, %dma_wait3A_74] : memref<10112x128xf32, #tpu.memory_space<vmem_shared>> -> memref<10112x128xf32, #tpu.memory_space<vmem_shared>>
        tpu.wait_indirect_dma semaphore(%run_scoped3A : memref<!tpu.dma_semaphore, #tpu.memory_space<semaphore_mem>>) src(%arg9 : memref<128x128xf32, #tpu.memory_space<vmem>>) dst(%dma_wait3A_75 : memref<10112x128xf32, #tpu.memory_space<vmem_shared>>)
        tpu.yield
      }) : () -> ()
    }
    %scan3A_29 = arith.constant 20 : i32
    %barrier3A_30 = arith.constant 0 : index
    tpu.barrier barrier_id(%barrier3A_30)
    "tpu.region"() ({
      %run_scoped3A = tpu.sem_alloc : memref<!tpu.dma_semaphore, #tpu.memory_space<semaphore_mem>>
      %dma_start3A = arith.constant 0 : i32
      %dma_start3A_31 = arith.constant 0 : i32
      %dma_start3A_32 = tpu.memref_slice %arg5[%arg0, %dma_start3A, %dma_start3A_31] : memref<2x10240x128xf32, #tpu.memory_space<hbm>> -> memref<1x10240x128xf32, #tpu.memory_space<hbm>>
      %dma_start3A_33 = tpu.memref_squeeze %dma_start3A_32 : memref<1x10240x128xf32, #tpu.memory_space<hbm>> -> memref<10240x128xf32, #tpu.memory_space<hbm>>
      %dma_start3A_34 = arith.constant 0 : i32
      %dma_start3A_35 = tpu.memref_slice %dma_start3A_33[%mul3A_2, %dma_start3A_34] : memref<10240x128xf32, #tpu.memory_space<hbm>> -> memref<632x128xf32, #tpu.memory_space<hbm>>
      %dma_start3A_36 = arith.constant 0 : i32
      %dma_start3A_37 = tpu.memref_slice %arg10[%mul3A_2, %dma_start3A_36] : memref<10112x128xf32, #tpu.memory_space<vmem_shared>> -> memref<632x128xf32, #tpu.memory_space<vmem_shared>>
      tpu.enqueue_dma source(%dma_start3A_37 : memref<632x128xf32, #tpu.memory_space<vmem_shared>>) target(%dma_start3A_35 : memref<632x128xf32, #tpu.memory_space<hbm>>) target_semaphore(%run_scoped3A : memref<!tpu.dma_semaphore, #tpu.memory_space<semaphore_mem>>)
      %dma_wait3A = arith.constant 0 : i32
      %dma_wait3A_38 = arith.constant 0 : i32
      %dma_wait3A_39 = tpu.memref_slice %arg5[%arg0, %dma_wait3A, %dma_wait3A_38] : memref<2x10240x128xf32, #tpu.memory_space<hbm>> -> memref<1x10240x128xf32, #tpu.memory_space<hbm>>
      %dma_wait3A_40 = tpu.memref_squeeze %dma_wait3A_39 : memref<1x10240x128xf32, #tpu.memory_space<hbm>> -> memref<10240x128xf32, #tpu.memory_space<hbm>>
      %dma_wait3A_41 = arith.constant 0 : i32
      %dma_wait3A_42 = tpu.memref_slice %dma_wait3A_40[%mul3A_2, %dma_wait3A_41] : memref<10240x128xf32, #tpu.memory_space<hbm>> -> memref<632x128xf32, #tpu.memory_space<hbm>>
      %dma_wait3A_43 = arith.constant 0 : i32
      %dma_wait3A_44 = tpu.memref_slice %arg10[%mul3A_2, %dma_wait3A_43] : memref<10112x128xf32, #tpu.memory_space<vmem_shared>> -> memref<632x128xf32, #tpu.memory_space<vmem_shared>>
      tpu.wait_dma2 semaphore(%run_scoped3A : memref<!tpu.dma_semaphore, #tpu.memory_space<semaphore_mem>>) src(%dma_wait3A_44 : memref<632x128xf32, #tpu.memory_space<vmem_shared>>) dst(%dma_wait3A_42 : memref<632x128xf32, #tpu.memory_space<hbm>>)
      tpu.yield
    }) : () -> ()
    return
  }
}

#map = affine_map<(d0, d1) -> (0, 0)>
#map1 = affine_map<(d0, d1) -> (0, 0, 0)>
module attributes {stable_mosaic.version = 14 : i64} {
  func.func @body(%arg0: i32, %arg1: i32, %arg2: memref<10240x128xf32, #tpu.memory_space<hbm>>, %arg3: memref<2560x128xi32, #tpu.memory_space<hbm>>, %arg4: memref<2560x128xi32, #tpu.memory_space<hbm>>, %arg5: memref<2x10240x128xf32, #tpu.memory_space<hbm>>, %arg6: memref<40x128xi32, #tpu.memory_space<vmem>>, %arg7: memref<40x128xi32, #tpu.memory_space<vmem>>, %arg8: memref<128x128xf32, #tpu.memory_space<vmem>>, %arg9: memref<128x128xf32, #tpu.memory_space<vmem>>, %arg10: memref<10112x128xf32, #tpu.memory_space<vmem_shared>>, %arg11: memref<!tpu.dma_semaphore, #tpu.memory_space<semaphore_mem>>, %arg12: memref<!tpu.dma_semaphore, #tpu.memory_space<semaphore_mem>>) attributes {dimension_semantics = [#tpu.dimension_semantics<core_parallel>, #tpu.dimension_semantics<subcore_parallel>], iteration_bounds = array<i64: 2, 16>, scalar_prefetch = 0 : i64, scratch_operands = 7 : i64, tpu.core_type = #tpu.core_type<sc_vector_subcore>, window_params = [{transform_indices = #map}, {transform_indices = #map}, {transform_indices = #map}, {transform_indices = #map1}]} {
    %mul3A = arith.constant 2 : i32
    %mul3A_0 = arith.muli %arg1, %mul3A : i32
    %add3A = arith.addi %mul3A_0, %arg0 : i32
    %mul3A_1 = arith.constant 632 : i32
    %mul3A_2 = arith.muli %arg1, %mul3A_1 : i32
    %scan3A = arith.constant 0 : i32
    %scan3A_3 = arith.constant 128 : i32
    %scan3A_4 = arith.addi %scan3A, %scan3A_3 : i32
    %scan3A_5 = arith.constant 1 : i32
    scf.for %scan3A_31 = %scan3A to %scan3A_4 step %scan3A_5  : i32 {
      %mul3A_32 = arith.constant 1 : i32
      %mul3A_33 = arith.muli %scan3A_31, %mul3A_32 : i32
      %add3A_34 = arith.constant 0 : i32
      %add3A_35 = arith.addi %add3A_34, %mul3A_33 : i32
      %broadcast_in_dim3A = arith.constant 0.000000e+00 : f32
      %broadcast_in_dim3A_36 = vector.broadcast %broadcast_in_dim3A : f32 to vector<16xf32>
      %swap3A = arith.index_cast %add3A_35 : i32 to index
      %swap3A_37 = arith.constant 0 : index
      %swap3A_38 = tpu.vector_load %arg8[%swap3A, %swap3A_37] {strides = array<i32>} : memref<128x128xf32, #tpu.memory_space<vmem>>, vector<1x16xf32>,
      %swap3A_39 = vector.shape_cast %swap3A_38 : vector<1x16xf32> to vector<16xf32>
      %swap3A_40 = vector.shape_cast %broadcast_in_dim3A_36 : vector<16xf32> to vector<1x16xf32>
      tpu.vector_store %arg8[%swap3A, %swap3A_37], %swap3A_40 {strides = array<i32>} : memref<128x128xf32, #tpu.memory_space<vmem>>, vector<1x16xf32>,
      %broadcast_in_dim3A_41 = arith.constant 0.000000e+00 : f32
      %broadcast_in_dim3A_42 = vector.broadcast %broadcast_in_dim3A_41 : f32 to vector<16xf32>
      %swap3A_43 = arith.index_cast %add3A_35 : i32 to index
      %swap3A_44 = arith.constant 16 : index
      %swap3A_45 = tpu.vector_load %arg8[%swap3A_43, %swap3A_44] {strides = array<i32>} : memref<128x128xf32, #tpu.memory_space<vmem>>, vector<1x16xf32>,
      %swap3A_46 = vector.shape_cast %swap3A_45 : vector<1x16xf32> to vector<16xf32>
      %swap3A_47 = vector.shape_cast %broadcast_in_dim3A_42 : vector<16xf32> to vector<1x16xf32>
      tpu.vector_store %arg8[%swap3A_43, %swap3A_44], %swap3A_47 {strides = array<i32>} : memref<128x128xf32, #tpu.memory_space<vmem>>, vector<1x16xf32>,
      %broadcast_in_dim3A_48 = arith.constant 0.000000e+00 : f32
      %broadcast_in_dim3A_49 = vector.broadcast %broadcast_in_dim3A_48 : f32 to vector<16xf32>
      %swap3A_50 = arith.index_cast %add3A_35 : i32 to index
      %swap3A_51 = arith.constant 32 : index
      %swap3A_52 = tpu.vector_load %arg8[%swap3A_50, %swap3A_51] {strides = array<i32>} : memref<128x128xf32, #tpu.memory_space<vmem>>, vector<1x16xf32>,
      %swap3A_53 = vector.shape_cast %swap3A_52 : vector<1x16xf32> to vector<16xf32>
      %swap3A_54 = vector.shape_cast %broadcast_in_dim3A_49 : vector<16xf32> to vector<1x16xf32>
      tpu.vector_store %arg8[%swap3A_50, %swap3A_51], %swap3A_54 {strides = array<i32>} : memref<128x128xf32, #tpu.memory_space<vmem>>, vector<1x16xf32>,
      %broadcast_in_dim3A_55 = arith.constant 0.000000e+00 : f32
      %broadcast_in_dim3A_56 = vector.broadcast %broadcast_in_dim3A_55 : f32 to vector<16xf32>
      %swap3A_57 = arith.index_cast %add3A_35 : i32 to index
      %swap3A_58 = arith.constant 48 : index
      %swap3A_59 = tpu.vector_load %arg8[%swap3A_57, %swap3A_58] {strides = array<i32>} : memref<128x128xf32, #tpu.memory_space<vmem>>, vector<1x16xf32>,
      %swap3A_60 = vector.shape_cast %swap3A_59 : vector<1x16xf32> to vector<16xf32>
      %swap3A_61 = vector.shape_cast %broadcast_in_dim3A_56 : vector<16xf32> to vector<1x16xf32>
      tpu.vector_store %arg8[%swap3A_57, %swap3A_58], %swap3A_61 {strides = array<i32>} : memref<128x128xf32, #tpu.memory_space<vmem>>, vector<1x16xf32>,
      %broadcast_in_dim3A_62 = arith.constant 0.000000e+00 : f32
      %broadcast_in_dim3A_63 = vector.broadcast %broadcast_in_dim3A_62 : f32 to vector<16xf32>
      %swap3A_64 = arith.index_cast %add3A_35 : i32 to index
      %swap3A_65 = arith.constant 64 : index
      %swap3A_66 = tpu.vector_load %arg8[%swap3A_64, %swap3A_65] {strides = array<i32>} : memref<128x128xf32, #tpu.memory_space<vmem>>, vector<1x16xf32>,
      %swap3A_67 = vector.shape_cast %swap3A_66 : vector<1x16xf32> to vector<16xf32>
      %swap3A_68 = vector.shape_cast %broadcast_in_dim3A_63 : vector<16xf32> to vector<1x16xf32>
      tpu.vector_store %arg8[%swap3A_64, %swap3A_65], %swap3A_68 {strides = array<i32>} : memref<128x128xf32, #tpu.memory_space<vmem>>, vector<1x16xf32>,
      %broadcast_in_dim3A_69 = arith.constant 0.000000e+00 : f32
      %broadcast_in_dim3A_70 = vector.broadcast %broadcast_in_dim3A_69 : f32 to vector<16xf32>
      %swap3A_71 = arith.index_cast %add3A_35 : i32 to index
      %swap3A_72 = arith.constant 80 : index
      %swap3A_73 = tpu.vector_load %arg8[%swap3A_71, %swap3A_72] {strides = array<i32>} : memref<128x128xf32, #tpu.memory_space<vmem>>, vector<1x16xf32>,
      %swap3A_74 = vector.shape_cast %swap3A_73 : vector<1x16xf32> to vector<16xf32>
      %swap3A_75 = vector.shape_cast %broadcast_in_dim3A_70 : vector<16xf32> to vector<1x16xf32>
      tpu.vector_store %arg8[%swap3A_71, %swap3A_72], %swap3A_75 {strides = array<i32>} : memref<128x128xf32, #tpu.memory_space<vmem>>, vector<1x16xf32>,
      %broadcast_in_dim3A_76 = arith.constant 0.000000e+00 : f32
      %broadcast_in_dim3A_77 = vector.broadcast %broadcast_in_dim3A_76 : f32 to vector<16xf32>
      %swap3A_78 = arith.index_cast %add3A_35 : i32 to index
      %swap3A_79 = arith.constant 96 : index
      %swap3A_80 = tpu.vector_load %arg8[%swap3A_78, %swap3A_79] {strides = array<i32>} : memref<128x128xf32, #tpu.memory_space<vmem>>, vector<1x16xf32>,
      %swap3A_81 = vector.shape_cast %swap3A_80 : vector<1x16xf32> to vector<16xf32>
      %swap3A_82 = vector.shape_cast %broadcast_in_dim3A_77 : vector<16xf32> to vector<1x16xf32>
      tpu.vector_store %arg8[%swap3A_78, %swap3A_79], %swap3A_82 {strides = array<i32>} : memref<128x128xf32, #tpu.memory_space<vmem>>, vector<1x16xf32>,
      %broadcast_in_dim3A_83 = arith.constant 0.000000e+00 : f32
      %broadcast_in_dim3A_84 = vector.broadcast %broadcast_in_dim3A_83 : f32 to vector<16xf32>
      %swap3A_85 = arith.index_cast %add3A_35 : i32 to index
      %swap3A_86 = arith.constant 112 : index
      %swap3A_87 = tpu.vector_load %arg8[%swap3A_85, %swap3A_86] {strides = array<i32>} : memref<128x128xf32, #tpu.memory_space<vmem>>, vector<1x16xf32>,
      %swap3A_88 = vector.shape_cast %swap3A_87 : vector<1x16xf32> to vector<16xf32>
      %swap3A_89 = vector.shape_cast %broadcast_in_dim3A_84 : vector<16xf32> to vector<1x16xf32>
      tpu.vector_store %arg8[%swap3A_85, %swap3A_86], %swap3A_89 {strides = array<i32>} : memref<128x128xf32, #tpu.memory_space<vmem>>, vector<1x16xf32>,
    }
    %scan3A_6 = arith.constant 128 : i32
    %add3A_7 = arith.constant 0 : i32
    %add3A_8 = arith.addi %mul3A_2, %add3A_7 : i32
    "tpu.region"() ({
      %run_scoped3A = tpu.sem_alloc : memref<!tpu.dma_semaphore, #tpu.memory_space<semaphore_mem>>
      %dma_start3A = arith.constant 0 : i32
      %dma_start3A_31 = tpu.memref_slice %arg10[%add3A_8, %dma_start3A] : memref<10112x128xf32, #tpu.memory_space<vmem_shared>> -> memref<128x128xf32, #tpu.memory_space<vmem_shared>>
      %dma_start3A_32 = arith.constant 0 : i32
      %dma_start3A_33 = tpu.memref_slice %arg10[%add3A_8, %dma_start3A_32] : memref<10112x128xf32, #tpu.memory_space<vmem_shared>> -> memref<128x128xf32, #tpu.memory_space<vmem_shared>>
      tpu.enqueue_dma source(%arg8 : memref<128x128xf32, #tpu.memory_space<vmem>>) target(%dma_start3A_33 : memref<128x128xf32, #tpu.memory_space<vmem_shared>>) target_semaphore(%run_scoped3A : memref<!tpu.dma_semaphore, #tpu.memory_space<semaphore_mem>>)
      %dma_wait3A = arith.constant 0 : i32
      %dma_wait3A_34 = tpu.memref_slice %arg10[%add3A_8, %dma_wait3A] : memref<10112x128xf32, #tpu.memory_space<vmem_shared>> -> memref<128x128xf32, #tpu.memory_space<vmem_shared>>
      %dma_wait3A_35 = arith.constant 0 : i32
      %dma_wait3A_36 = tpu.memref_slice %arg10[%add3A_8, %dma_wait3A_35] : memref<10112x128xf32, #tpu.memory_space<vmem_shared>> -> memref<128x128xf32, #tpu.memory_space<vmem_shared>>
      tpu.wait_dma2 semaphore(%run_scoped3A : memref<!tpu.dma_semaphore, #tpu.memory_space<semaphore_mem>>) src(%arg8 : memref<128x128xf32, #tpu.memory_space<vmem>>) dst(%dma_wait3A_36 : memref<128x128xf32, #tpu.memory_space<vmem_shared>>)
      tpu.yield
    }) : () -> ()
    %add3A_9 = arith.constant 128 : i32
    %add3A_10 = arith.addi %mul3A_2, %add3A_9 : i32
    "tpu.region"() ({
      %run_scoped3A = tpu.sem_alloc : memref<!tpu.dma_semaphore, #tpu.memory_space<semaphore_mem>>
      %dma_start3A = arith.constant 0 : i32
      %dma_start3A_31 = tpu.memref_slice %arg10[%add3A_10, %dma_start3A] : memref<10112x128xf32, #tpu.memory_space<vmem_shared>> -> memref<128x128xf32, #tpu.memory_space<vmem_shared>>
      %dma_start3A_32 = arith.constant 0 : i32
      %dma_start3A_33 = tpu.memref_slice %arg10[%add3A_10, %dma_start3A_32] : memref<10112x128xf32, #tpu.memory_space<vmem_shared>> -> memref<128x128xf32, #tpu.memory_space<vmem_shared>>
      tpu.enqueue_dma source(%arg8 : memref<128x128xf32, #tpu.memory_space<vmem>>) target(%dma_start3A_33 : memref<128x128xf32, #tpu.memory_space<vmem_shared>>) target_semaphore(%run_scoped3A : memref<!tpu.dma_semaphore, #tpu.memory_space<semaphore_mem>>)
      %dma_wait3A = arith.constant 0 : i32
      %dma_wait3A_34 = tpu.memref_slice %arg10[%add3A_10, %dma_wait3A] : memref<10112x128xf32, #tpu.memory_space<vmem_shared>> -> memref<128x128xf32, #tpu.memory_space<vmem_shared>>
      %dma_wait3A_35 = arith.constant 0 : i32
      %dma_wait3A_36 = tpu.memref_slice %arg10[%add3A_10, %dma_wait3A_35] : memref<10112x128xf32, #tpu.memory_space<vmem_shared>> -> memref<128x128xf32, #tpu.memory_space<vmem_shared>>
      tpu.wait_dma2 semaphore(%run_scoped3A : memref<!tpu.dma_semaphore, #tpu.memory_space<semaphore_mem>>) src(%arg8 : memref<128x128xf32, #tpu.memory_space<vmem>>) dst(%dma_wait3A_36 : memref<128x128xf32, #tpu.memory_space<vmem_shared>>)
      tpu.yield
    }) : () -> ()
    %add3A_11 = arith.constant 256 : i32
    %add3A_12 = arith.addi %mul3A_2, %add3A_11 : i32
    "tpu.region"() ({
      %run_scoped3A = tpu.sem_alloc : memref<!tpu.dma_semaphore, #tpu.memory_space<semaphore_mem>>
      %dma_start3A = arith.constant 0 : i32
      %dma_start3A_31 = tpu.memref_slice %arg10[%add3A_12, %dma_start3A] : memref<10112x128xf32, #tpu.memory_space<vmem_shared>> -> memref<128x128xf32, #tpu.memory_space<vmem_shared>>
      %dma_start3A_32 = arith.constant 0 : i32
      %dma_start3A_33 = tpu.memref_slice %arg10[%add3A_12, %dma_start3A_32] : memref<10112x128xf32, #tpu.memory_space<vmem_shared>> -> memref<128x128xf32, #tpu.memory_space<vmem_shared>>
      tpu.enqueue_dma source(%arg8 : memref<128x128xf32, #tpu.memory_space<vmem>>) target(%dma_start3A_33 : memref<128x128xf32, #tpu.memory_space<vmem_shared>>) target_semaphore(%run_scoped3A : memref<!tpu.dma_semaphore, #tpu.memory_space<semaphore_mem>>)
      %dma_wait3A = arith.constant 0 : i32
      %dma_wait3A_34 = tpu.memref_slice %arg10[%add3A_12, %dma_wait3A] : memref<10112x128xf32, #tpu.memory_space<vmem_shared>> -> memref<128x128xf32, #tpu.memory_space<vmem_shared>>
      %dma_wait3A_35 = arith.constant 0 : i32
      %dma_wait3A_36 = tpu.memref_slice %arg10[%add3A_12, %dma_wait3A_35] : memref<10112x128xf32, #tpu.memory_space<vmem_shared>> -> memref<128x128xf32, #tpu.memory_space<vmem_shared>>
      tpu.wait_dma2 semaphore(%run_scoped3A : memref<!tpu.dma_semaphore, #tpu.memory_space<semaphore_mem>>) src(%arg8 : memref<128x128xf32, #tpu.memory_space<vmem>>) dst(%dma_wait3A_36 : memref<128x128xf32, #tpu.memory_space<vmem_shared>>)
      tpu.yield
    }) : () -> ()
    %add3A_13 = arith.constant 384 : i32
    %add3A_14 = arith.addi %mul3A_2, %add3A_13 : i32
    "tpu.region"() ({
      %run_scoped3A = tpu.sem_alloc : memref<!tpu.dma_semaphore, #tpu.memory_space<semaphore_mem>>
      %dma_start3A = arith.constant 0 : i32
      %dma_start3A_31 = tpu.memref_slice %arg10[%add3A_14, %dma_start3A] : memref<10112x128xf32, #tpu.memory_space<vmem_shared>> -> memref<128x128xf32, #tpu.memory_space<vmem_shared>>
      %dma_start3A_32 = arith.constant 0 : i32
      %dma_start3A_33 = tpu.memref_slice %arg10[%add3A_14, %dma_start3A_32] : memref<10112x128xf32, #tpu.memory_space<vmem_shared>> -> memref<128x128xf32, #tpu.memory_space<vmem_shared>>
      tpu.enqueue_dma source(%arg8 : memref<128x128xf32, #tpu.memory_space<vmem>>) target(%dma_start3A_33 : memref<128x128xf32, #tpu.memory_space<vmem_shared>>) target_semaphore(%run_scoped3A : memref<!tpu.dma_semaphore, #tpu.memory_space<semaphore_mem>>)
      %dma_wait3A = arith.constant 0 : i32
      %dma_wait3A_34 = tpu.memref_slice %arg10[%add3A_14, %dma_wait3A] : memref<10112x128xf32, #tpu.memory_space<vmem_shared>> -> memref<128x128xf32, #tpu.memory_space<vmem_shared>>
      %dma_wait3A_35 = arith.constant 0 : i32
      %dma_wait3A_36 = tpu.memref_slice %arg10[%add3A_14, %dma_wait3A_35] : memref<10112x128xf32, #tpu.memory_space<vmem_shared>> -> memref<128x128xf32, #tpu.memory_space<vmem_shared>>
      tpu.wait_dma2 semaphore(%run_scoped3A : memref<!tpu.dma_semaphore, #tpu.memory_space<semaphore_mem>>) src(%arg8 : memref<128x128xf32, #tpu.memory_space<vmem>>) dst(%dma_wait3A_36 : memref<128x128xf32, #tpu.memory_space<vmem_shared>>)
      tpu.yield
    }) : () -> ()
    %add3A_15 = arith.constant 512 : i32
    %add3A_16 = arith.addi %mul3A_2, %add3A_15 : i32
    "tpu.region"() ({
      %run_scoped3A = tpu.sem_alloc : memref<!tpu.dma_semaphore, #tpu.memory_space<semaphore_mem>>
      %dma_start3A = arith.constant 0 : i32
      %dma_start3A_31 = arith.constant 0 : i32
      %dma_start3A_32 = tpu.memref_slice %arg8[%dma_start3A, %dma_start3A_31] : memref<128x128xf32, #tpu.memory_space<vmem>> -> memref<120x128xf32, #tpu.memory_space<vmem>>
      %dma_start3A_33 = arith.constant 0 : i32
      %dma_start3A_34 = tpu.memref_slice %arg10[%add3A_16, %dma_start3A_33] : memref<10112x128xf32, #tpu.memory_space<vmem_shared>> -> memref<120x128xf32, #tpu.memory_space<vmem_shared>>
      %dma_start3A_35 = arith.constant 0 : i32
      %dma_start3A_36 = tpu.memref_slice %arg10[%add3A_16, %dma_start3A_35] : memref<10112x128xf32, #tpu.memory_space<vmem_shared>> -> memref<120x128xf32, #tpu.memory_space<vmem_shared>>
      %dma_start3A_37 = arith.constant 0 : i32
      %dma_start3A_38 = arith.constant 0 : i32
      %dma_start3A_39 = tpu.memref_slice %arg8[%dma_start3A_37, %dma_start3A_38] : memref<128x128xf32, #tpu.memory_space<vmem>> -> memref<120x128xf32, #tpu.memory_space<vmem>>
      tpu.enqueue_dma source(%dma_start3A_39 : memref<120x128xf32, #tpu.memory_space<vmem>>) target(%dma_start3A_36 : memref<120x128xf32, #tpu.memory_space<vmem_shared>>) target_semaphore(%run_scoped3A : memref<!tpu.dma_semaphore, #tpu.memory_space<semaphore_mem>>)
      %dma_wait3A = arith.constant 0 : i32
      %dma_wait3A_40 = arith.constant 0 : i32
      %dma_wait3A_41 = tpu.memref_slice %arg8[%dma_wait3A, %dma_wait3A_40] : memref<128x128xf32, #tpu.memory_space<vmem>> -> memref<120x128xf32, #tpu.memory_space<vmem>>
      %dma_wait3A_42 = arith.constant 0 : i32
      %dma_wait3A_43 = tpu.memref_slice %arg10[%add3A_16, %dma_wait3A_42] : memref<10112x128xf32, #tpu.memory_space<vmem_shared>> -> memref<120x128xf32, #tpu.memory_space<vmem_shared>>
      %dma_wait3A_44 = arith.constant 0 : i32
      %dma_wait3A_45 = tpu.memref_slice %arg10[%add3A_16, %dma_wait3A_44] : memref<10112x128xf32, #tpu.memory_space<vmem_shared>> -> memref<120x128xf32, #tpu.memory_space<vmem_shared>>
      %dma_wait3A_46 = arith.constant 0 : i32
      %dma_wait3A_47 = arith.constant 0 : i32
      %dma_wait3A_48 = tpu.memref_slice %arg8[%dma_wait3A_46, %dma_wait3A_47] : memref<128x128xf32, #tpu.memory_space<vmem>> -> memref<120x128xf32, #tpu.memory_space<vmem>>
      tpu.wait_dma2 semaphore(%run_scoped3A : memref<!tpu.dma_semaphore, #tpu.memory_space<semaphore_mem>>) src(%dma_wait3A_48 : memref<120x128xf32, #tpu.memory_space<vmem>>) dst(%dma_wait3A_45 : memref<120x128xf32, #tpu.memory_space<vmem_shared>>)
      tpu.yield
    }) : () -> ()
    %mul3A_17 = arith.constant 40 : i32
    %mul3A_18 = arith.muli %add3A, %mul3A_17 : i32
    %add3A_19 = arith.constant 0 : i32
    %add3A_20 = arith.addi %add3A_19, %mul3A_18 : i32
    "tpu.region"() ({
      %run_scoped3A = tpu.sem_alloc : memref<!tpu.dma_semaphore, #tpu.memory_space<semaphore_mem>>
      %dma_start3A = arith.constant 0 : i32
      %dma_start3A_31 = tpu.memref_slice %arg3[%add3A_20, %dma_start3A] : memref<2560x128xi32, #tpu.memory_space<hbm>> -> memref<40x128xi32, #tpu.memory_space<hbm>>
      %dma_start3A_32 = arith.constant 0 : i32
      %dma_start3A_33 = tpu.memref_slice %arg3[%add3A_20, %dma_start3A_32] : memref<2560x128xi32, #tpu.memory_space<hbm>> -> memref<40x128xi32, #tpu.memory_space<hbm>>
      tpu.enqueue_dma source(%dma_start3A_33 : memref<40x128xi32, #tpu.memory_space<hbm>>) target(%arg6 : memref<40x128xi32, #tpu.memory_space<vmem>>) target_semaphore(%run_scoped3A : memref<!tpu.dma_semaphore, #tpu.memory_space<semaphore_mem>>)
      %dma_wait3A = arith.constant 0 : i32
      %dma_wait3A_34 = tpu.memref_slice %arg3[%add3A_20, %dma_wait3A] : memref<2560x128xi32, #tpu.memory_space<hbm>> -> memref<40x128xi32, #tpu.memory_space<hbm>>
      %dma_wait3A_35 = arith.constant 0 : i32
      %dma_wait3A_36 = tpu.memref_slice %arg3[%add3A_20, %dma_wait3A_35] : memref<2560x128xi32, #tpu.memory_space<hbm>> -> memref<40x128xi32, #tpu.memory_space<hbm>>
      tpu.wait_dma2 semaphore(%run_scoped3A : memref<!tpu.dma_semaphore, #tpu.memory_space<semaphore_mem>>) src(%dma_wait3A_36 : memref<40x128xi32, #tpu.memory_space<hbm>>) dst(%arg6 : memref<40x128xi32, #tpu.memory_space<vmem>>)
      tpu.yield
    }) : () -> ()
    %mul3A_21 = arith.constant 40 : i32
    %mul3A_22 = arith.muli %add3A, %mul3A_21 : i32
    %add3A_23 = arith.constant 0 : i32
    %add3A_24 = arith.addi %add3A_23, %mul3A_22 : i32
    "tpu.region"() ({
      %run_scoped3A = tpu.sem_alloc : memref<!tpu.dma_semaphore, #tpu.memory_space<semaphore_mem>>
      %dma_start3A = arith.constant 0 : i32
      %dma_start3A_31 = tpu.memref_slice %arg4[%add3A_24, %dma_start3A] : memref<2560x128xi32, #tpu.memory_space<hbm>> -> memref<40x128xi32, #tpu.memory_space<hbm>>
      %dma_start3A_32 = arith.constant 0 : i32
      %dma_start3A_33 = tpu.memref_slice %arg4[%add3A_24, %dma_start3A_32] : memref<2560x128xi32, #tpu.memory_space<hbm>> -> memref<40x128xi32, #tpu.memory_space<hbm>>
      tpu.enqueue_dma source(%dma_start3A_33 : memref<40x128xi32, #tpu.memory_space<hbm>>) target(%arg7 : memref<40x128xi32, #tpu.memory_space<vmem>>) target_semaphore(%run_scoped3A : memref<!tpu.dma_semaphore, #tpu.memory_space<semaphore_mem>>)
      %dma_wait3A = arith.constant 0 : i32
      %dma_wait3A_34 = tpu.memref_slice %arg4[%add3A_24, %dma_wait3A] : memref<2560x128xi32, #tpu.memory_space<hbm>> -> memref<40x128xi32, #tpu.memory_space<hbm>>
      %dma_wait3A_35 = arith.constant 0 : i32
      %dma_wait3A_36 = tpu.memref_slice %arg4[%add3A_24, %dma_wait3A_35] : memref<2560x128xi32, #tpu.memory_space<hbm>> -> memref<40x128xi32, #tpu.memory_space<hbm>>
      tpu.wait_dma2 semaphore(%run_scoped3A : memref<!tpu.dma_semaphore, #tpu.memory_space<semaphore_mem>>) src(%dma_wait3A_36 : memref<40x128xi32, #tpu.memory_space<hbm>>) dst(%arg7 : memref<40x128xi32, #tpu.memory_space<vmem>>)
      tpu.yield
    }) : () -> ()
    %barrier3A = arith.constant 0 : index
    tpu.barrier barrier_id(%barrier3A)
    %scan3A_25 = arith.constant 0 : i32
    %scan3A_26 = arith.constant 20 : i32
    %scan3A_27 = arith.addi %scan3A_25, %scan3A_26 : i32
    %scan3A_28 = arith.constant 1 : i32
    scf.for %scan3A_31 = %scan3A_25 to %scan3A_27 step %scan3A_28  : i32 {
      %mul3A_32 = arith.constant 1 : i32
      %mul3A_33 = arith.muli %scan3A_31, %mul3A_32 : i32
      %add3A_34 = arith.constant 0 : i32
      %add3A_35 = arith.addi %add3A_34, %mul3A_33 : i32
      %mul3A_36 = arith.constant 2 : i32
      %mul3A_37 = arith.muli %add3A_35, %mul3A_36 : i32
      %dma_start3A = arith.constant 0 : i32
      %dma_start3A_38 = tpu.memref_slice %arg6[%mul3A_37, %dma_start3A] : memref<40x128xi32, #tpu.memory_space<vmem>> -> memref<1x128xi32, #tpu.memory_space<vmem>>
      %dma_start3A_39 = tpu.memref_squeeze %dma_start3A_38 : memref<1x128xi32, #tpu.memory_space<vmem>> -> memref<128xi32, #tpu.memory_space<vmem>>
      %dma_start3A_40 = arith.constant 0 : i32
      %dma_start3A_41 = arith.constant 0 : i32
      %dma_start3A_42 = tpu.memref_slice %arg2[%dma_start3A_40, %dma_start3A_41] : memref<10240x128xf32, #tpu.memory_space<hbm>> -> memref<10240x128xf32, #tpu.memory_space<hbm>>
      tpu.enqueue_indirect_dma source(%dma_start3A_42 : memref<10240x128xf32, #tpu.memory_space<hbm>>) target(%arg8 : memref<128x128xf32, #tpu.memory_space<vmem>>) offsets(%dma_start3A_39 : memref<128xi32, #tpu.memory_space<vmem>>) semaphore(%arg11 : memref<!tpu.dma_semaphore, #tpu.memory_space<semaphore_mem>>)
      %add3A_43 = arith.constant 1 : i32
      %add3A_44 = arith.addi %mul3A_37, %add3A_43 : i32
      %dma_start3A_45 = arith.constant 0 : i32
      %dma_start3A_46 = tpu.memref_slice %arg6[%add3A_44, %dma_start3A_45] : memref<40x128xi32, #tpu.memory_space<vmem>> -> memref<1x128xi32, #tpu.memory_space<vmem>>
      %dma_start3A_47 = tpu.memref_squeeze %dma_start3A_46 : memref<1x128xi32, #tpu.memory_space<vmem>> -> memref<128xi32, #tpu.memory_space<vmem>>
      %dma_start3A_48 = arith.constant 0 : i32
      %dma_start3A_49 = arith.constant 0 : i32
      %dma_start3A_50 = tpu.memref_slice %arg2[%dma_start3A_48, %dma_start3A_49] : memref<10240x128xf32, #tpu.memory_space<hbm>> -> memref<10240x128xf32, #tpu.memory_space<hbm>>
      tpu.enqueue_indirect_dma source(%dma_start3A_50 : memref<10240x128xf32, #tpu.memory_space<hbm>>) target(%arg9 : memref<128x128xf32, #tpu.memory_space<vmem>>) offsets(%dma_start3A_47 : memref<128xi32, #tpu.memory_space<vmem>>) semaphore(%arg12 : memref<!tpu.dma_semaphore, #tpu.memory_space<semaphore_mem>>)
      %dma_wait3A = arith.constant 0 : i32
      %dma_wait3A_51 = tpu.memref_slice %arg6[%mul3A_37, %dma_wait3A] : memref<40x128xi32, #tpu.memory_space<vmem>> -> memref<1x128xi32, #tpu.memory_space<vmem>>
      %dma_wait3A_52 = tpu.memref_squeeze %dma_wait3A_51 : memref<1x128xi32, #tpu.memory_space<vmem>> -> memref<128xi32, #tpu.memory_space<vmem>>
      %dma_wait3A_53 = arith.constant 0 : i32
      %dma_wait3A_54 = arith.constant 0 : i32
      %dma_wait3A_55 = tpu.memref_slice %arg2[%dma_wait3A_53, %dma_wait3A_54] : memref<10240x128xf32, #tpu.memory_space<hbm>> -> memref<10240x128xf32, #tpu.memory_space<hbm>>
      tpu.wait_indirect_dma semaphore(%arg11 : memref<!tpu.dma_semaphore, #tpu.memory_space<semaphore_mem>>) src(%dma_wait3A_55 : memref<10240x128xf32, #tpu.memory_space<hbm>>) dst(%arg8 : memref<128x128xf32, #tpu.memory_space<vmem>>)
      "tpu.region"() ({
        %run_scoped3A = tpu.sem_alloc : memref<!tpu.dma_semaphore, #tpu.memory_space<semaphore_mem>>
        %dma_start3A_64 = arith.constant 0 : i32
        %dma_start3A_65 = tpu.memref_slice %arg7[%mul3A_37, %dma_start3A_64] : memref<40x128xi32, #tpu.memory_space<vmem>> -> memref<1x128xi32, #tpu.memory_space<vmem>>
        %dma_start3A_66 = tpu.memref_squeeze %dma_start3A_65 : memref<1x128xi32, #tpu.memory_space<vmem>> -> memref<128xi32, #tpu.memory_space<vmem>>
        %dma_start3A_67 = arith.constant 0 : i32
        %dma_start3A_68 = arith.constant 0 : i32
        %dma_start3A_69 = tpu.memref_slice %arg10[%dma_start3A_67, %dma_start3A_68] : memref<10112x128xf32, #tpu.memory_space<vmem_shared>> -> memref<10112x128xf32, #tpu.memory_space<vmem_shared>>
        tpu.enqueue_indirect_dma source(%arg8 : memref<128x128xf32, #tpu.memory_space<vmem>>) target(%dma_start3A_69 : memref<10112x128xf32, #tpu.memory_space<vmem_shared>>) offsets(%dma_start3A_66 : memref<128xi32, #tpu.memory_space<vmem>>) semaphore(%run_scoped3A : memref<!tpu.dma_semaphore, #tpu.memory_space<semaphore_mem>>) {add = true}
        %dma_wait3A_70 = arith.constant 0 : i32
        %dma_wait3A_71 = tpu.memref_slice %arg7[%mul3A_37, %dma_wait3A_70] : memref<40x128xi32, #tpu.memory_space<vmem>> -> memref<1x128xi32, #tpu.memory_space<vmem>>
        %dma_wait3A_72 = tpu.memref_squeeze %dma_wait3A_71 : memref<1x128xi32, #tpu.memory_space<vmem>> -> memref<128xi32, #tpu.memory_space<vmem>>
        %dma_wait3A_73 = arith.constant 0 : i32
        %dma_wait3A_74 = arith.constant 0 : i32
        %dma_wait3A_75 = tpu.memref_slice %arg10[%dma_wait3A_73, %dma_wait3A_74] : memref<10112x128xf32, #tpu.memory_space<vmem_shared>> -> memref<10112x128xf32, #tpu.memory_space<vmem_shared>>
        tpu.wait_indirect_dma semaphore(%run_scoped3A : memref<!tpu.dma_semaphore, #tpu.memory_space<semaphore_mem>>) src(%arg8 : memref<128x128xf32, #tpu.memory_space<vmem>>) dst(%dma_wait3A_75 : memref<10112x128xf32, #tpu.memory_space<vmem_shared>>)
        tpu.yield
      }) : () -> ()
      %dma_wait3A_56 = arith.constant 0 : i32
      %dma_wait3A_57 = tpu.memref_slice %arg6[%add3A_44, %dma_wait3A_56] : memref<40x128xi32, #tpu.memory_space<vmem>> -> memref<1x128xi32, #tpu.memory_space<vmem>>
      %dma_wait3A_58 = tpu.memref_squeeze %dma_wait3A_57 : memref<1x128xi32, #tpu.memory_space<vmem>> -> memref<128xi32, #tpu.memory_space<vmem>>
      %dma_wait3A_59 = arith.constant 0 : i32
      %dma_wait3A_60 = arith.constant 0 : i32
      %dma_wait3A_61 = tpu.memref_slice %arg2[%dma_wait3A_59, %dma_wait3A_60] : memref<10240x128xf32, #tpu.memory_space<hbm>> -> memref<10240x128xf32, #tpu.memory_space<hbm>>
      tpu.wait_indirect_dma semaphore(%arg12 : memref<!tpu.dma_semaphore, #tpu.memory_space<semaphore_mem>>) src(%dma_wait3A_61 : memref<10240x128xf32, #tpu.memory_space<hbm>>) dst(%arg9 : memref<128x128xf32, #tpu.memory_space<vmem>>)
      %add3A_62 = arith.constant 1 : i32
      %add3A_63 = arith.addi %mul3A_37, %add3A_62 : i32
      "tpu.region"() ({
        %run_scoped3A = tpu.sem_alloc : memref<!tpu.dma_semaphore, #tpu.memory_space<semaphore_mem>>
        %dma_start3A_64 = arith.constant 0 : i32
        %dma_start3A_65 = tpu.memref_slice %arg7[%add3A_63, %dma_start3A_64] : memref<40x128xi32, #tpu.memory_space<vmem>> -> memref<1x128xi32, #tpu.memory_space<vmem>>
        %dma_start3A_66 = tpu.memref_squeeze %dma_start3A_65 : memref<1x128xi32, #tpu.memory_space<vmem>> -> memref<128xi32, #tpu.memory_space<vmem>>
        %dma_start3A_67 = arith.constant 0 : i32
        %dma_start3A_68 = arith.constant 0 : i32
        %dma_start3A_69 = tpu.memref_slice %arg10[%dma_start3A_67, %dma_start3A_68] : memref<10112x128xf32, #tpu.memory_space<vmem_shared>> -> memref<10112x128xf32, #tpu.memory_space<vmem_shared>>
        tpu.enqueue_indirect_dma source(%arg9 : memref<128x128xf32, #tpu.memory_space<vmem>>) target(%dma_start3A_69 : memref<10112x128xf32, #tpu.memory_space<vmem_shared>>) offsets(%dma_start3A_66 : memref<128xi32, #tpu.memory_space<vmem>>) semaphore(%run_scoped3A : memref<!tpu.dma_semaphore, #tpu.memory_space<semaphore_mem>>) {add = true}
        %dma_wait3A_70 = arith.constant 0 : i32
        %dma_wait3A_71 = tpu.memref_slice %arg7[%add3A_63, %dma_wait3A_70] : memref<40x128xi32, #tpu.memory_space<vmem>> -> memref<1x128xi32, #tpu.memory_space<vmem>>
        %dma_wait3A_72 = tpu.memref_squeeze %dma_wait3A_71 : memref<1x128xi32, #tpu.memory_space<vmem>> -> memref<128xi32, #tpu.memory_space<vmem>>
        %dma_wait3A_73 = arith.constant 0 : i32
        %dma_wait3A_74 = arith.constant 0 : i32
        %dma_wait3A_75 = tpu.memref_slice %arg10[%dma_wait3A_73, %dma_wait3A_74] : memref<10112x128xf32, #tpu.memory_space<vmem_shared>> -> memref<10112x128xf32, #tpu.memory_space<vmem_shared>>
        tpu.wait_indirect_dma semaphore(%run_scoped3A : memref<!tpu.dma_semaphore, #tpu.memory_space<semaphore_mem>>) src(%arg9 : memref<128x128xf32, #tpu.memory_space<vmem>>) dst(%dma_wait3A_75 : memref<10112x128xf32, #tpu.memory_space<vmem_shared>>)
        tpu.yield
      }) : () -> ()
    }
    %scan3A_29 = arith.constant 20 : i32
    %barrier3A_30 = arith.constant 0 : index
    tpu.barrier barrier_id(%barrier3A_30)
    "tpu.region"() ({
      %run_scoped3A = tpu.sem_alloc : memref<!tpu.dma_semaphore, #tpu.memory_space<semaphore_mem>>
      %dma_start3A = arith.constant 0 : i32
      %dma_start3A_31 = arith.constant 0 : i32
      %dma_start3A_32 = tpu.memref_slice %arg5[%arg0, %dma_start3A, %dma_start3A_31] : memref<2x10240x128xf32, #tpu.memory_space<hbm>> -> memref<1x10240x128xf32, #tpu.memory_space<hbm>>
      %dma_start3A_33 = tpu.memref_squeeze %dma_start3A_32 : memref<1x10240x128xf32, #tpu.memory_space<hbm>> -> memref<10240x128xf32, #tpu.memory_space<hbm>>
      %dma_start3A_34 = arith.constant 0 : i32
      %dma_start3A_35 = tpu.memref_slice %dma_start3A_33[%mul3A_2, %dma_start3A_34] : memref<10240x128xf32, #tpu.memory_space<hbm>> -> memref<632x128xf32, #tpu.memory_space<hbm>>
      %dma_start3A_36 = arith.constant 0 : i32
      %dma_start3A_37 = tpu.memref_slice %arg10[%mul3A_2, %dma_start3A_36] : memref<10112x128xf32, #tpu.memory_space<vmem_shared>> -> memref<632x128xf32, #tpu.memory_space<vmem_shared>>
      tpu.enqueue_dma source(%dma_start3A_37 : memref<632x128xf32, #tpu.memory_space<vmem_shared>>) target(%dma_start3A_35 : memref<632x128xf32, #tpu.memory_space<hbm>>) target_semaphore(%run_scoped3A : memref<!tpu.dma_semaphore, #tpu.memory_space<semaphore_mem>>)
      %dma_wait3A = arith.constant 0 : i32
      %dma_wait3A_38 = arith.constant 0 : i32
      %dma_wait3A_39 = tpu.memref_slice %arg5[%arg0, %dma_wait3A, %dma_wait3A_38] : memref<2x10240x128xf32, #tpu.memory_space<hbm>> -> memref<1x10240x128xf32, #tpu.memory_space<hbm>>
      %dma_wait3A_40 = tpu.memref_squeeze %dma_wait3A_39 : memref<1x10240x128xf32, #tpu.memory_space<hbm>> -> memref<10240x128xf32, #tpu.memory_space<hbm>>
      %dma_wait3A_41 = arith.constant 0 : i32
      %dma_wait3A_42 = tpu.memref_slice %dma_wait3A_40[%mul3A_2, %dma_wait3A_41] : memref<10240x128xf32, #tpu.memory_space<hbm>> -> memref<632x128xf32, #tpu.memory_space<hbm>>
      %dma_wait3A_43 = arith.constant 0 : i32
      %dma_wait3A_44 = tpu.memref_slice %arg10[%mul3A_2, %dma_wait3A_43] : memref<10112x128xf32, #tpu.memory_space<vmem_shared>> -> memref<632x128xf32, #tpu.memory_space<vmem_shared>>
      tpu.wait_dma2 semaphore(%run_scoped3A : memref<!tpu.dma_semaphore, #tpu.memory_space<semaphore_mem>>) src(%dma_wait3A_44 : memref<632x128xf32, #tpu.memory_space<vmem_shared>>) dst(%dma_wait3A_42 : memref<632x128xf32, #tpu.memory_space<hbm>>)
      tpu.yield
    }) : () -> ()
    return
  }
}

#map = affine_map<(d0, d1) -> (0, 0)>
#map1 = affine_map<(d0, d1) -> (0, 0, 0)>
module attributes {stable_mosaic.version = 14 : i64} {
  func.func @body(%arg0: i32, %arg1: i32, %arg2: memref<10240x128xf32, #tpu.memory_space<hbm>>, %arg3: memref<2560x128xi32, #tpu.memory_space<hbm>>, %arg4: memref<2560x128xi32, #tpu.memory_space<hbm>>, %arg5: memref<2x10240x128xf32, #tpu.memory_space<hbm>>, %arg6: memref<40x128xi32, #tpu.memory_space<vmem>>, %arg7: memref<40x128xi32, #tpu.memory_space<vmem>>, %arg8: memref<128x128xf32, #tpu.memory_space<vmem>>, %arg9: memref<128x128xf32, #tpu.memory_space<vmem>>, %arg10: memref<10112x128xf32, #tpu.memory_space<vmem_shared>>, %arg11: memref<!tpu.dma_semaphore, #tpu.memory_space<semaphore_mem>>, %arg12: memref<!tpu.dma_semaphore, #tpu.memory_space<semaphore_mem>>) attributes {dimension_semantics = [#tpu.dimension_semantics<core_parallel>, #tpu.dimension_semantics<subcore_parallel>], iteration_bounds = array<i64: 2, 16>, scalar_prefetch = 0 : i64, scratch_operands = 7 : i64, tpu.core_type = #tpu.core_type<sc_vector_subcore>, window_params = [{transform_indices = #map}, {transform_indices = #map}, {transform_indices = #map}, {transform_indices = #map1}]} {
    %mul3A = arith.constant 2 : i32
    %mul3A_0 = arith.muli %arg1, %mul3A : i32
    %add3A = arith.addi %mul3A_0, %arg0 : i32
    %mul3A_1 = arith.constant 632 : i32
    %mul3A_2 = arith.muli %arg1, %mul3A_1 : i32
    %scan3A = arith.constant 0 : i32
    %scan3A_3 = arith.constant 128 : i32
    %scan3A_4 = arith.addi %scan3A, %scan3A_3 : i32
    %scan3A_5 = arith.constant 1 : i32
    scf.for %scan3A_31 = %scan3A to %scan3A_4 step %scan3A_5  : i32 {
      %mul3A_32 = arith.constant 1 : i32
      %mul3A_33 = arith.muli %scan3A_31, %mul3A_32 : i32
      %add3A_34 = arith.constant 0 : i32
      %add3A_35 = arith.addi %add3A_34, %mul3A_33 : i32
      %broadcast_in_dim3A = arith.constant 0.000000e+00 : f32
      %broadcast_in_dim3A_36 = vector.broadcast %broadcast_in_dim3A : f32 to vector<16xf32>
      %swap3A = arith.index_cast %add3A_35 : i32 to index
      %swap3A_37 = arith.constant 0 : index
      %swap3A_38 = tpu.vector_load %arg8[%swap3A, %swap3A_37] {strides = array<i32>} : memref<128x128xf32, #tpu.memory_space<vmem>>, vector<1x16xf32>,
      %swap3A_39 = vector.shape_cast %swap3A_38 : vector<1x16xf32> to vector<16xf32>
      %swap3A_40 = vector.shape_cast %broadcast_in_dim3A_36 : vector<16xf32> to vector<1x16xf32>
      tpu.vector_store %arg8[%swap3A, %swap3A_37], %swap3A_40 {strides = array<i32>} : memref<128x128xf32, #tpu.memory_space<vmem>>, vector<1x16xf32>,
      %broadcast_in_dim3A_41 = arith.constant 0.000000e+00 : f32
      %broadcast_in_dim3A_42 = vector.broadcast %broadcast_in_dim3A_41 : f32 to vector<16xf32>
      %swap3A_43 = arith.index_cast %add3A_35 : i32 to index
      %swap3A_44 = arith.constant 16 : index
      %swap3A_45 = tpu.vector_load %arg8[%swap3A_43, %swap3A_44] {strides = array<i32>} : memref<128x128xf32, #tpu.memory_space<vmem>>, vector<1x16xf32>,
      %swap3A_46 = vector.shape_cast %swap3A_45 : vector<1x16xf32> to vector<16xf32>
      %swap3A_47 = vector.shape_cast %broadcast_in_dim3A_42 : vector<16xf32> to vector<1x16xf32>
      tpu.vector_store %arg8[%swap3A_43, %swap3A_44], %swap3A_47 {strides = array<i32>} : memref<128x128xf32, #tpu.memory_space<vmem>>, vector<1x16xf32>,
      %broadcast_in_dim3A_48 = arith.constant 0.000000e+00 : f32
      %broadcast_in_dim3A_49 = vector.broadcast %broadcast_in_dim3A_48 : f32 to vector<16xf32>
      %swap3A_50 = arith.index_cast %add3A_35 : i32 to index
      %swap3A_51 = arith.constant 32 : index
      %swap3A_52 = tpu.vector_load %arg8[%swap3A_50, %swap3A_51] {strides = array<i32>} : memref<128x128xf32, #tpu.memory_space<vmem>>, vector<1x16xf32>,
      %swap3A_53 = vector.shape_cast %swap3A_52 : vector<1x16xf32> to vector<16xf32>
      %swap3A_54 = vector.shape_cast %broadcast_in_dim3A_49 : vector<16xf32> to vector<1x16xf32>
      tpu.vector_store %arg8[%swap3A_50, %swap3A_51], %swap3A_54 {strides = array<i32>} : memref<128x128xf32, #tpu.memory_space<vmem>>, vector<1x16xf32>,
      %broadcast_in_dim3A_55 = arith.constant 0.000000e+00 : f32
      %broadcast_in_dim3A_56 = vector.broadcast %broadcast_in_dim3A_55 : f32 to vector<16xf32>
      %swap3A_57 = arith.index_cast %add3A_35 : i32 to index
      %swap3A_58 = arith.constant 48 : index
      %swap3A_59 = tpu.vector_load %arg8[%swap3A_57, %swap3A_58] {strides = array<i32>} : memref<128x128xf32, #tpu.memory_space<vmem>>, vector<1x16xf32>,
      %swap3A_60 = vector.shape_cast %swap3A_59 : vector<1x16xf32> to vector<16xf32>
      %swap3A_61 = vector.shape_cast %broadcast_in_dim3A_56 : vector<16xf32> to vector<1x16xf32>
      tpu.vector_store %arg8[%swap3A_57, %swap3A_58], %swap3A_61 {strides = array<i32>} : memref<128x128xf32, #tpu.memory_space<vmem>>, vector<1x16xf32>,
      %broadcast_in_dim3A_62 = arith.constant 0.000000e+00 : f32
      %broadcast_in_dim3A_63 = vector.broadcast %broadcast_in_dim3A_62 : f32 to vector<16xf32>
      %swap3A_64 = arith.index_cast %add3A_35 : i32 to index
      %swap3A_65 = arith.constant 64 : index
      %swap3A_66 = tpu.vector_load %arg8[%swap3A_64, %swap3A_65] {strides = array<i32>} : memref<128x128xf32, #tpu.memory_space<vmem>>, vector<1x16xf32>,
      %swap3A_67 = vector.shape_cast %swap3A_66 : vector<1x16xf32> to vector<16xf32>
      %swap3A_68 = vector.shape_cast %broadcast_in_dim3A_63 : vector<16xf32> to vector<1x16xf32>
      tpu.vector_store %arg8[%swap3A_64, %swap3A_65], %swap3A_68 {strides = array<i32>} : memref<128x128xf32, #tpu.memory_space<vmem>>, vector<1x16xf32>,
      %broadcast_in_dim3A_69 = arith.constant 0.000000e+00 : f32
      %broadcast_in_dim3A_70 = vector.broadcast %broadcast_in_dim3A_69 : f32 to vector<16xf32>
      %swap3A_71 = arith.index_cast %add3A_35 : i32 to index
      %swap3A_72 = arith.constant 80 : index
      %swap3A_73 = tpu.vector_load %arg8[%swap3A_71, %swap3A_72] {strides = array<i32>} : memref<128x128xf32, #tpu.memory_space<vmem>>, vector<1x16xf32>,
      %swap3A_74 = vector.shape_cast %swap3A_73 : vector<1x16xf32> to vector<16xf32>
      %swap3A_75 = vector.shape_cast %broadcast_in_dim3A_70 : vector<16xf32> to vector<1x16xf32>
      tpu.vector_store %arg8[%swap3A_71, %swap3A_72], %swap3A_75 {strides = array<i32>} : memref<128x128xf32, #tpu.memory_space<vmem>>, vector<1x16xf32>,
      %broadcast_in_dim3A_76 = arith.constant 0.000000e+00 : f32
      %broadcast_in_dim3A_77 = vector.broadcast %broadcast_in_dim3A_76 : f32 to vector<16xf32>
      %swap3A_78 = arith.index_cast %add3A_35 : i32 to index
      %swap3A_79 = arith.constant 96 : index
      %swap3A_80 = tpu.vector_load %arg8[%swap3A_78, %swap3A_79] {strides = array<i32>} : memref<128x128xf32, #tpu.memory_space<vmem>>, vector<1x16xf32>,
      %swap3A_81 = vector.shape_cast %swap3A_80 : vector<1x16xf32> to vector<16xf32>
      %swap3A_82 = vector.shape_cast %broadcast_in_dim3A_77 : vector<16xf32> to vector<1x16xf32>
      tpu.vector_store %arg8[%swap3A_78, %swap3A_79], %swap3A_82 {strides = array<i32>} : memref<128x128xf32, #tpu.memory_space<vmem>>, vector<1x16xf32>,
      %broadcast_in_dim3A_83 = arith.constant 0.000000e+00 : f32
      %broadcast_in_dim3A_84 = vector.broadcast %broadcast_in_dim3A_83 : f32 to vector<16xf32>
      %swap3A_85 = arith.index_cast %add3A_35 : i32 to index
      %swap3A_86 = arith.constant 112 : index
      %swap3A_87 = tpu.vector_load %arg8[%swap3A_85, %swap3A_86] {strides = array<i32>} : memref<128x128xf32, #tpu.memory_space<vmem>>, vector<1x16xf32>,
      %swap3A_88 = vector.shape_cast %swap3A_87 : vector<1x16xf32> to vector<16xf32>
      %swap3A_89 = vector.shape_cast %broadcast_in_dim3A_84 : vector<16xf32> to vector<1x16xf32>
      tpu.vector_store %arg8[%swap3A_85, %swap3A_86], %swap3A_89 {strides = array<i32>} : memref<128x128xf32, #tpu.memory_space<vmem>>, vector<1x16xf32>,
    }
    %scan3A_6 = arith.constant 128 : i32
    %add3A_7 = arith.constant 0 : i32
    %add3A_8 = arith.addi %mul3A_2, %add3A_7 : i32
    "tpu.region"() ({
      %run_scoped3A = tpu.sem_alloc : memref<!tpu.dma_semaphore, #tpu.memory_space<semaphore_mem>>
      %dma_start3A = arith.constant 0 : i32
      %dma_start3A_31 = tpu.memref_slice %arg10[%add3A_8, %dma_start3A] : memref<10112x128xf32, #tpu.memory_space<vmem_shared>> -> memref<128x128xf32, #tpu.memory_space<vmem_shared>>
      %dma_start3A_32 = arith.constant 0 : i32
      %dma_start3A_33 = tpu.memref_slice %arg10[%add3A_8, %dma_start3A_32] : memref<10112x128xf32, #tpu.memory_space<vmem_shared>> -> memref<128x128xf32, #tpu.memory_space<vmem_shared>>
      tpu.enqueue_dma source(%arg8 : memref<128x128xf32, #tpu.memory_space<vmem>>) target(%dma_start3A_33 : memref<128x128xf32, #tpu.memory_space<vmem_shared>>) target_semaphore(%run_scoped3A : memref<!tpu.dma_semaphore, #tpu.memory_space<semaphore_mem>>)
      %dma_wait3A = arith.constant 0 : i32
      %dma_wait3A_34 = tpu.memref_slice %arg10[%add3A_8, %dma_wait3A] : memref<10112x128xf32, #tpu.memory_space<vmem_shared>> -> memref<128x128xf32, #tpu.memory_space<vmem_shared>>
      %dma_wait3A_35 = arith.constant 0 : i32
      %dma_wait3A_36 = tpu.memref_slice %arg10[%add3A_8, %dma_wait3A_35] : memref<10112x128xf32, #tpu.memory_space<vmem_shared>> -> memref<128x128xf32, #tpu.memory_space<vmem_shared>>
      tpu.wait_dma2 semaphore(%run_scoped3A : memref<!tpu.dma_semaphore, #tpu.memory_space<semaphore_mem>>) src(%arg8 : memref<128x128xf32, #tpu.memory_space<vmem>>) dst(%dma_wait3A_36 : memref<128x128xf32, #tpu.memory_space<vmem_shared>>)
      tpu.yield
    }) : () -> ()
    %add3A_9 = arith.constant 128 : i32
    %add3A_10 = arith.addi %mul3A_2, %add3A_9 : i32
    "tpu.region"() ({
      %run_scoped3A = tpu.sem_alloc : memref<!tpu.dma_semaphore, #tpu.memory_space<semaphore_mem>>
      %dma_start3A = arith.constant 0 : i32
      %dma_start3A_31 = tpu.memref_slice %arg10[%add3A_10, %dma_start3A] : memref<10112x128xf32, #tpu.memory_space<vmem_shared>> -> memref<128x128xf32, #tpu.memory_space<vmem_shared>>
      %dma_start3A_32 = arith.constant 0 : i32
      %dma_start3A_33 = tpu.memref_slice %arg10[%add3A_10, %dma_start3A_32] : memref<10112x128xf32, #tpu.memory_space<vmem_shared>> -> memref<128x128xf32, #tpu.memory_space<vmem_shared>>
      tpu.enqueue_dma source(%arg8 : memref<128x128xf32, #tpu.memory_space<vmem>>) target(%dma_start3A_33 : memref<128x128xf32, #tpu.memory_space<vmem_shared>>) target_semaphore(%run_scoped3A : memref<!tpu.dma_semaphore, #tpu.memory_space<semaphore_mem>>)
      %dma_wait3A = arith.constant 0 : i32
      %dma_wait3A_34 = tpu.memref_slice %arg10[%add3A_10, %dma_wait3A] : memref<10112x128xf32, #tpu.memory_space<vmem_shared>> -> memref<128x128xf32, #tpu.memory_space<vmem_shared>>
      %dma_wait3A_35 = arith.constant 0 : i32
      %dma_wait3A_36 = tpu.memref_slice %arg10[%add3A_10, %dma_wait3A_35] : memref<10112x128xf32, #tpu.memory_space<vmem_shared>> -> memref<128x128xf32, #tpu.memory_space<vmem_shared>>
      tpu.wait_dma2 semaphore(%run_scoped3A : memref<!tpu.dma_semaphore, #tpu.memory_space<semaphore_mem>>) src(%arg8 : memref<128x128xf32, #tpu.memory_space<vmem>>) dst(%dma_wait3A_36 : memref<128x128xf32, #tpu.memory_space<vmem_shared>>)
      tpu.yield
    }) : () -> ()
    %add3A_11 = arith.constant 256 : i32
    %add3A_12 = arith.addi %mul3A_2, %add3A_11 : i32
    "tpu.region"() ({
      %run_scoped3A = tpu.sem_alloc : memref<!tpu.dma_semaphore, #tpu.memory_space<semaphore_mem>>
      %dma_start3A = arith.constant 0 : i32
      %dma_start3A_31 = tpu.memref_slice %arg10[%add3A_12, %dma_start3A] : memref<10112x128xf32, #tpu.memory_space<vmem_shared>> -> memref<128x128xf32, #tpu.memory_space<vmem_shared>>
      %dma_start3A_32 = arith.constant 0 : i32
      %dma_start3A_33 = tpu.memref_slice %arg10[%add3A_12, %dma_start3A_32] : memref<10112x128xf32, #tpu.memory_space<vmem_shared>> -> memref<128x128xf32, #tpu.memory_space<vmem_shared>>
      tpu.enqueue_dma source(%arg8 : memref<128x128xf32, #tpu.memory_space<vmem>>) target(%dma_start3A_33 : memref<128x128xf32, #tpu.memory_space<vmem_shared>>) target_semaphore(%run_scoped3A : memref<!tpu.dma_semaphore, #tpu.memory_space<semaphore_mem>>)
      %dma_wait3A = arith.constant 0 : i32
      %dma_wait3A_34 = tpu.memref_slice %arg10[%add3A_12, %dma_wait3A] : memref<10112x128xf32, #tpu.memory_space<vmem_shared>> -> memref<128x128xf32, #tpu.memory_space<vmem_shared>>
      %dma_wait3A_35 = arith.constant 0 : i32
      %dma_wait3A_36 = tpu.memref_slice %arg10[%add3A_12, %dma_wait3A_35] : memref<10112x128xf32, #tpu.memory_space<vmem_shared>> -> memref<128x128xf32, #tpu.memory_space<vmem_shared>>
      tpu.wait_dma2 semaphore(%run_scoped3A : memref<!tpu.dma_semaphore, #tpu.memory_space<semaphore_mem>>) src(%arg8 : memref<128x128xf32, #tpu.memory_space<vmem>>) dst(%dma_wait3A_36 : memref<128x128xf32, #tpu.memory_space<vmem_shared>>)
      tpu.yield
    }) : () -> ()
    %add3A_13 = arith.constant 384 : i32
    %add3A_14 = arith.addi %mul3A_2, %add3A_13 : i32
    "tpu.region"() ({
      %run_scoped3A = tpu.sem_alloc : memref<!tpu.dma_semaphore, #tpu.memory_space<semaphore_mem>>
      %dma_start3A = arith.constant 0 : i32
      %dma_start3A_31 = tpu.memref_slice %arg10[%add3A_14, %dma_start3A] : memref<10112x128xf32, #tpu.memory_space<vmem_shared>> -> memref<128x128xf32, #tpu.memory_space<vmem_shared>>
      %dma_start3A_32 = arith.constant 0 : i32
      %dma_start3A_33 = tpu.memref_slice %arg10[%add3A_14, %dma_start3A_32] : memref<10112x128xf32, #tpu.memory_space<vmem_shared>> -> memref<128x128xf32, #tpu.memory_space<vmem_shared>>
      tpu.enqueue_dma source(%arg8 : memref<128x128xf32, #tpu.memory_space<vmem>>) target(%dma_start3A_33 : memref<128x128xf32, #tpu.memory_space<vmem_shared>>) target_semaphore(%run_scoped3A : memref<!tpu.dma_semaphore, #tpu.memory_space<semaphore_mem>>)
      %dma_wait3A = arith.constant 0 : i32
      %dma_wait3A_34 = tpu.memref_slice %arg10[%add3A_14, %dma_wait3A] : memref<10112x128xf32, #tpu.memory_space<vmem_shared>> -> memref<128x128xf32, #tpu.memory_space<vmem_shared>>
      %dma_wait3A_35 = arith.constant 0 : i32
      %dma_wait3A_36 = tpu.memref_slice %arg10[%add3A_14, %dma_wait3A_35] : memref<10112x128xf32, #tpu.memory_space<vmem_shared>> -> memref<128x128xf32, #tpu.memory_space<vmem_shared>>
      tpu.wait_dma2 semaphore(%run_scoped3A : memref<!tpu.dma_semaphore, #tpu.memory_space<semaphore_mem>>) src(%arg8 : memref<128x128xf32, #tpu.memory_space<vmem>>) dst(%dma_wait3A_36 : memref<128x128xf32, #tpu.memory_space<vmem_shared>>)
      tpu.yield
    }) : () -> ()
    %add3A_15 = arith.constant 512 : i32
    %add3A_16 = arith.addi %mul3A_2, %add3A_15 : i32
    "tpu.region"() ({
      %run_scoped3A = tpu.sem_alloc : memref<!tpu.dma_semaphore, #tpu.memory_space<semaphore_mem>>
      %dma_start3A = arith.constant 0 : i32
      %dma_start3A_31 = arith.constant 0 : i32
      %dma_start3A_32 = tpu.memref_slice %arg8[%dma_start3A, %dma_start3A_31] : memref<128x128xf32, #tpu.memory_space<vmem>> -> memref<120x128xf32, #tpu.memory_space<vmem>>
      %dma_start3A_33 = arith.constant 0 : i32
      %dma_start3A_34 = tpu.memref_slice %arg10[%add3A_16, %dma_start3A_33] : memref<10112x128xf32, #tpu.memory_space<vmem_shared>> -> memref<120x128xf32, #tpu.memory_space<vmem_shared>>
      %dma_start3A_35 = arith.constant 0 : i32
      %dma_start3A_36 = tpu.memref_slice %arg10[%add3A_16, %dma_start3A_35] : memref<10112x128xf32, #tpu.memory_space<vmem_shared>> -> memref<120x128xf32, #tpu.memory_space<vmem_shared>>
      %dma_start3A_37 = arith.constant 0 : i32
      %dma_start3A_38 = arith.constant 0 : i32
      %dma_start3A_39 = tpu.memref_slice %arg8[%dma_start3A_37, %dma_start3A_38] : memref<128x128xf32, #tpu.memory_space<vmem>> -> memref<120x128xf32, #tpu.memory_space<vmem>>
      tpu.enqueue_dma source(%dma_start3A_39 : memref<120x128xf32, #tpu.memory_space<vmem>>) target(%dma_start3A_36 : memref<120x128xf32, #tpu.memory_space<vmem_shared>>) target_semaphore(%run_scoped3A : memref<!tpu.dma_semaphore, #tpu.memory_space<semaphore_mem>>)
      %dma_wait3A = arith.constant 0 : i32
      %dma_wait3A_40 = arith.constant 0 : i32
      %dma_wait3A_41 = tpu.memref_slice %arg8[%dma_wait3A, %dma_wait3A_40] : memref<128x128xf32, #tpu.memory_space<vmem>> -> memref<120x128xf32, #tpu.memory_space<vmem>>
      %dma_wait3A_42 = arith.constant 0 : i32
      %dma_wait3A_43 = tpu.memref_slice %arg10[%add3A_16, %dma_wait3A_42] : memref<10112x128xf32, #tpu.memory_space<vmem_shared>> -> memref<120x128xf32, #tpu.memory_space<vmem_shared>>
      %dma_wait3A_44 = arith.constant 0 : i32
      %dma_wait3A_45 = tpu.memref_slice %arg10[%add3A_16, %dma_wait3A_44] : memref<10112x128xf32, #tpu.memory_space<vmem_shared>> -> memref<120x128xf32, #tpu.memory_space<vmem_shared>>
      %dma_wait3A_46 = arith.constant 0 : i32
      %dma_wait3A_47 = arith.constant 0 : i32
      %dma_wait3A_48 = tpu.memref_slice %arg8[%dma_wait3A_46, %dma_wait3A_47] : memref<128x128xf32, #tpu.memory_space<vmem>> -> memref<120x128xf32, #tpu.memory_space<vmem>>
      tpu.wait_dma2 semaphore(%run_scoped3A : memref<!tpu.dma_semaphore, #tpu.memory_space<semaphore_mem>>) src(%dma_wait3A_48 : memref<120x128xf32, #tpu.memory_space<vmem>>) dst(%dma_wait3A_45 : memref<120x128xf32, #tpu.memory_space<vmem_shared>>)
      tpu.yield
    }) : () -> ()
    %mul3A_17 = arith.constant 40 : i32
    %mul3A_18 = arith.muli %add3A, %mul3A_17 : i32
    %add3A_19 = arith.constant 1280 : i32
    %add3A_20 = arith.addi %add3A_19, %mul3A_18 : i32
    "tpu.region"() ({
      %run_scoped3A = tpu.sem_alloc : memref<!tpu.dma_semaphore, #tpu.memory_space<semaphore_mem>>
      %dma_start3A = arith.constant 0 : i32
      %dma_start3A_31 = tpu.memref_slice %arg3[%add3A_20, %dma_start3A] : memref<2560x128xi32, #tpu.memory_space<hbm>> -> memref<40x128xi32, #tpu.memory_space<hbm>>
      %dma_start3A_32 = arith.constant 0 : i32
      %dma_start3A_33 = tpu.memref_slice %arg3[%add3A_20, %dma_start3A_32] : memref<2560x128xi32, #tpu.memory_space<hbm>> -> memref<40x128xi32, #tpu.memory_space<hbm>>
      tpu.enqueue_dma source(%dma_start3A_33 : memref<40x128xi32, #tpu.memory_space<hbm>>) target(%arg6 : memref<40x128xi32, #tpu.memory_space<vmem>>) target_semaphore(%run_scoped3A : memref<!tpu.dma_semaphore, #tpu.memory_space<semaphore_mem>>)
      %dma_wait3A = arith.constant 0 : i32
      %dma_wait3A_34 = tpu.memref_slice %arg3[%add3A_20, %dma_wait3A] : memref<2560x128xi32, #tpu.memory_space<hbm>> -> memref<40x128xi32, #tpu.memory_space<hbm>>
      %dma_wait3A_35 = arith.constant 0 : i32
      %dma_wait3A_36 = tpu.memref_slice %arg3[%add3A_20, %dma_wait3A_35] : memref<2560x128xi32, #tpu.memory_space<hbm>> -> memref<40x128xi32, #tpu.memory_space<hbm>>
      tpu.wait_dma2 semaphore(%run_scoped3A : memref<!tpu.dma_semaphore, #tpu.memory_space<semaphore_mem>>) src(%dma_wait3A_36 : memref<40x128xi32, #tpu.memory_space<hbm>>) dst(%arg6 : memref<40x128xi32, #tpu.memory_space<vmem>>)
      tpu.yield
    }) : () -> ()
    %mul3A_21 = arith.constant 40 : i32
    %mul3A_22 = arith.muli %add3A, %mul3A_21 : i32
    %add3A_23 = arith.constant 1280 : i32
    %add3A_24 = arith.addi %add3A_23, %mul3A_22 : i32
    "tpu.region"() ({
      %run_scoped3A = tpu.sem_alloc : memref<!tpu.dma_semaphore, #tpu.memory_space<semaphore_mem>>
      %dma_start3A = arith.constant 0 : i32
      %dma_start3A_31 = tpu.memref_slice %arg4[%add3A_24, %dma_start3A] : memref<2560x128xi32, #tpu.memory_space<hbm>> -> memref<40x128xi32, #tpu.memory_space<hbm>>
      %dma_start3A_32 = arith.constant 0 : i32
      %dma_start3A_33 = tpu.memref_slice %arg4[%add3A_24, %dma_start3A_32] : memref<2560x128xi32, #tpu.memory_space<hbm>> -> memref<40x128xi32, #tpu.memory_space<hbm>>
      tpu.enqueue_dma source(%dma_start3A_33 : memref<40x128xi32, #tpu.memory_space<hbm>>) target(%arg7 : memref<40x128xi32, #tpu.memory_space<vmem>>) target_semaphore(%run_scoped3A : memref<!tpu.dma_semaphore, #tpu.memory_space<semaphore_mem>>)
      %dma_wait3A = arith.constant 0 : i32
      %dma_wait3A_34 = tpu.memref_slice %arg4[%add3A_24, %dma_wait3A] : memref<2560x128xi32, #tpu.memory_space<hbm>> -> memref<40x128xi32, #tpu.memory_space<hbm>>
      %dma_wait3A_35 = arith.constant 0 : i32
      %dma_wait3A_36 = tpu.memref_slice %arg4[%add3A_24, %dma_wait3A_35] : memref<2560x128xi32, #tpu.memory_space<hbm>> -> memref<40x128xi32, #tpu.memory_space<hbm>>
      tpu.wait_dma2 semaphore(%run_scoped3A : memref<!tpu.dma_semaphore, #tpu.memory_space<semaphore_mem>>) src(%dma_wait3A_36 : memref<40x128xi32, #tpu.memory_space<hbm>>) dst(%arg7 : memref<40x128xi32, #tpu.memory_space<vmem>>)
      tpu.yield
    }) : () -> ()
    %barrier3A = arith.constant 0 : index
    tpu.barrier barrier_id(%barrier3A)
    %scan3A_25 = arith.constant 0 : i32
    %scan3A_26 = arith.constant 20 : i32
    %scan3A_27 = arith.addi %scan3A_25, %scan3A_26 : i32
    %scan3A_28 = arith.constant 1 : i32
    scf.for %scan3A_31 = %scan3A_25 to %scan3A_27 step %scan3A_28  : i32 {
      %mul3A_32 = arith.constant 1 : i32
      %mul3A_33 = arith.muli %scan3A_31, %mul3A_32 : i32
      %add3A_34 = arith.constant 0 : i32
      %add3A_35 = arith.addi %add3A_34, %mul3A_33 : i32
      %mul3A_36 = arith.constant 2 : i32
      %mul3A_37 = arith.muli %add3A_35, %mul3A_36 : i32
      %dma_start3A = arith.constant 0 : i32
      %dma_start3A_38 = tpu.memref_slice %arg6[%mul3A_37, %dma_start3A] : memref<40x128xi32, #tpu.memory_space<vmem>> -> memref<1x128xi32, #tpu.memory_space<vmem>>
      %dma_start3A_39 = tpu.memref_squeeze %dma_start3A_38 : memref<1x128xi32, #tpu.memory_space<vmem>> -> memref<128xi32, #tpu.memory_space<vmem>>
      %dma_start3A_40 = arith.constant 0 : i32
      %dma_start3A_41 = arith.constant 0 : i32
      %dma_start3A_42 = tpu.memref_slice %arg2[%dma_start3A_40, %dma_start3A_41] : memref<10240x128xf32, #tpu.memory_space<hbm>> -> memref<10240x128xf32, #tpu.memory_space<hbm>>
      tpu.enqueue_indirect_dma source(%dma_start3A_42 : memref<10240x128xf32, #tpu.memory_space<hbm>>) target(%arg8 : memref<128x128xf32, #tpu.memory_space<vmem>>) offsets(%dma_start3A_39 : memref<128xi32, #tpu.memory_space<vmem>>) semaphore(%arg11 : memref<!tpu.dma_semaphore, #tpu.memory_space<semaphore_mem>>)
      %add3A_43 = arith.constant 1 : i32
      %add3A_44 = arith.addi %mul3A_37, %add3A_43 : i32
      %dma_start3A_45 = arith.constant 0 : i32
      %dma_start3A_46 = tpu.memref_slice %arg6[%add3A_44, %dma_start3A_45] : memref<40x128xi32, #tpu.memory_space<vmem>> -> memref<1x128xi32, #tpu.memory_space<vmem>>
      %dma_start3A_47 = tpu.memref_squeeze %dma_start3A_46 : memref<1x128xi32, #tpu.memory_space<vmem>> -> memref<128xi32, #tpu.memory_space<vmem>>
      %dma_start3A_48 = arith.constant 0 : i32
      %dma_start3A_49 = arith.constant 0 : i32
      %dma_start3A_50 = tpu.memref_slice %arg2[%dma_start3A_48, %dma_start3A_49] : memref<10240x128xf32, #tpu.memory_space<hbm>> -> memref<10240x128xf32, #tpu.memory_space<hbm>>
      tpu.enqueue_indirect_dma source(%dma_start3A_50 : memref<10240x128xf32, #tpu.memory_space<hbm>>) target(%arg9 : memref<128x128xf32, #tpu.memory_space<vmem>>) offsets(%dma_start3A_47 : memref<128xi32, #tpu.memory_space<vmem>>) semaphore(%arg12 : memref<!tpu.dma_semaphore, #tpu.memory_space<semaphore_mem>>)
      %dma_wait3A = arith.constant 0 : i32
      %dma_wait3A_51 = tpu.memref_slice %arg6[%mul3A_37, %dma_wait3A] : memref<40x128xi32, #tpu.memory_space<vmem>> -> memref<1x128xi32, #tpu.memory_space<vmem>>
      %dma_wait3A_52 = tpu.memref_squeeze %dma_wait3A_51 : memref<1x128xi32, #tpu.memory_space<vmem>> -> memref<128xi32, #tpu.memory_space<vmem>>
      %dma_wait3A_53 = arith.constant 0 : i32
      %dma_wait3A_54 = arith.constant 0 : i32
      %dma_wait3A_55 = tpu.memref_slice %arg2[%dma_wait3A_53, %dma_wait3A_54] : memref<10240x128xf32, #tpu.memory_space<hbm>> -> memref<10240x128xf32, #tpu.memory_space<hbm>>
      tpu.wait_indirect_dma semaphore(%arg11 : memref<!tpu.dma_semaphore, #tpu.memory_space<semaphore_mem>>) src(%dma_wait3A_55 : memref<10240x128xf32, #tpu.memory_space<hbm>>) dst(%arg8 : memref<128x128xf32, #tpu.memory_space<vmem>>)
      "tpu.region"() ({
        %run_scoped3A = tpu.sem_alloc : memref<!tpu.dma_semaphore, #tpu.memory_space<semaphore_mem>>
        %dma_start3A_64 = arith.constant 0 : i32
        %dma_start3A_65 = tpu.memref_slice %arg7[%mul3A_37, %dma_start3A_64] : memref<40x128xi32, #tpu.memory_space<vmem>> -> memref<1x128xi32, #tpu.memory_space<vmem>>
        %dma_start3A_66 = tpu.memref_squeeze %dma_start3A_65 : memref<1x128xi32, #tpu.memory_space<vmem>> -> memref<128xi32, #tpu.memory_space<vmem>>
        %dma_start3A_67 = arith.constant 0 : i32
        %dma_start3A_68 = arith.constant 0 : i32
        %dma_start3A_69 = tpu.memref_slice %arg10[%dma_start3A_67, %dma_start3A_68] : memref<10112x128xf32, #tpu.memory_space<vmem_shared>> -> memref<10112x128xf32, #tpu.memory_space<vmem_shared>>
        tpu.enqueue_indirect_dma source(%arg8 : memref<128x128xf32, #tpu.memory_space<vmem>>) target(%dma_start3A_69 : memref<10112x128xf32, #tpu.memory_space<vmem_shared>>) offsets(%dma_start3A_66 : memref<128xi32, #tpu.memory_space<vmem>>) semaphore(%run_scoped3A : memref<!tpu.dma_semaphore, #tpu.memory_space<semaphore_mem>>) {add = true}
        %dma_wait3A_70 = arith.constant 0 : i32
        %dma_wait3A_71 = tpu.memref_slice %arg7[%mul3A_37, %dma_wait3A_70] : memref<40x128xi32, #tpu.memory_space<vmem>> -> memref<1x128xi32, #tpu.memory_space<vmem>>
        %dma_wait3A_72 = tpu.memref_squeeze %dma_wait3A_71 : memref<1x128xi32, #tpu.memory_space<vmem>> -> memref<128xi32, #tpu.memory_space<vmem>>
        %dma_wait3A_73 = arith.constant 0 : i32
        %dma_wait3A_74 = arith.constant 0 : i32
        %dma_wait3A_75 = tpu.memref_slice %arg10[%dma_wait3A_73, %dma_wait3A_74] : memref<10112x128xf32, #tpu.memory_space<vmem_shared>> -> memref<10112x128xf32, #tpu.memory_space<vmem_shared>>
        tpu.wait_indirect_dma semaphore(%run_scoped3A : memref<!tpu.dma_semaphore, #tpu.memory_space<semaphore_mem>>) src(%arg8 : memref<128x128xf32, #tpu.memory_space<vmem>>) dst(%dma_wait3A_75 : memref<10112x128xf32, #tpu.memory_space<vmem_shared>>)
        tpu.yield
      }) : () -> ()
      %dma_wait3A_56 = arith.constant 0 : i32
      %dma_wait3A_57 = tpu.memref_slice %arg6[%add3A_44, %dma_wait3A_56] : memref<40x128xi32, #tpu.memory_space<vmem>> -> memref<1x128xi32, #tpu.memory_space<vmem>>
      %dma_wait3A_58 = tpu.memref_squeeze %dma_wait3A_57 : memref<1x128xi32, #tpu.memory_space<vmem>> -> memref<128xi32, #tpu.memory_space<vmem>>
      %dma_wait3A_59 = arith.constant 0 : i32
      %dma_wait3A_60 = arith.constant 0 : i32
      %dma_wait3A_61 = tpu.memref_slice %arg2[%dma_wait3A_59, %dma_wait3A_60] : memref<10240x128xf32, #tpu.memory_space<hbm>> -> memref<10240x128xf32, #tpu.memory_space<hbm>>
      tpu.wait_indirect_dma semaphore(%arg12 : memref<!tpu.dma_semaphore, #tpu.memory_space<semaphore_mem>>) src(%dma_wait3A_61 : memref<10240x128xf32, #tpu.memory_space<hbm>>) dst(%arg9 : memref<128x128xf32, #tpu.memory_space<vmem>>)
      %add3A_62 = arith.constant 1 : i32
      %add3A_63 = arith.addi %mul3A_37, %add3A_62 : i32
      "tpu.region"() ({
        %run_scoped3A = tpu.sem_alloc : memref<!tpu.dma_semaphore, #tpu.memory_space<semaphore_mem>>
        %dma_start3A_64 = arith.constant 0 : i32
        %dma_start3A_65 = tpu.memref_slice %arg7[%add3A_63, %dma_start3A_64] : memref<40x128xi32, #tpu.memory_space<vmem>> -> memref<1x128xi32, #tpu.memory_space<vmem>>
        %dma_start3A_66 = tpu.memref_squeeze %dma_start3A_65 : memref<1x128xi32, #tpu.memory_space<vmem>> -> memref<128xi32, #tpu.memory_space<vmem>>
        %dma_start3A_67 = arith.constant 0 : i32
        %dma_start3A_68 = arith.constant 0 : i32
        %dma_start3A_69 = tpu.memref_slice %arg10[%dma_start3A_67, %dma_start3A_68] : memref<10112x128xf32, #tpu.memory_space<vmem_shared>> -> memref<10112x128xf32, #tpu.memory_space<vmem_shared>>
        tpu.enqueue_indirect_dma source(%arg9 : memref<128x128xf32, #tpu.memory_space<vmem>>) target(%dma_start3A_69 : memref<10112x128xf32, #tpu.memory_space<vmem_shared>>) offsets(%dma_start3A_66 : memref<128xi32, #tpu.memory_space<vmem>>) semaphore(%run_scoped3A : memref<!tpu.dma_semaphore, #tpu.memory_space<semaphore_mem>>) {add = true}
        %dma_wait3A_70 = arith.constant 0 : i32
        %dma_wait3A_71 = tpu.memref_slice %arg7[%add3A_63, %dma_wait3A_70] : memref<40x128xi32, #tpu.memory_space<vmem>> -> memref<1x128xi32, #tpu.memory_space<vmem>>
        %dma_wait3A_72 = tpu.memref_squeeze %dma_wait3A_71 : memref<1x128xi32, #tpu.memory_space<vmem>> -> memref<128xi32, #tpu.memory_space<vmem>>
        %dma_wait3A_73 = arith.constant 0 : i32
        %dma_wait3A_74 = arith.constant 0 : i32
        %dma_wait3A_75 = tpu.memref_slice %arg10[%dma_wait3A_73, %dma_wait3A_74] : memref<10112x128xf32, #tpu.memory_space<vmem_shared>> -> memref<10112x128xf32, #tpu.memory_space<vmem_shared>>
        tpu.wait_indirect_dma semaphore(%run_scoped3A : memref<!tpu.dma_semaphore, #tpu.memory_space<semaphore_mem>>) src(%arg9 : memref<128x128xf32, #tpu.memory_space<vmem>>) dst(%dma_wait3A_75 : memref<10112x128xf32, #tpu.memory_space<vmem_shared>>)
        tpu.yield
      }) : () -> ()
    }
    %scan3A_29 = arith.constant 20 : i32
    %barrier3A_30 = arith.constant 0 : index
    tpu.barrier barrier_id(%barrier3A_30)
    "tpu.region"() ({
      %run_scoped3A = tpu.sem_alloc : memref<!tpu.dma_semaphore, #tpu.memory_space<semaphore_mem>>
      %dma_start3A = arith.constant 0 : i32
      %dma_start3A_31 = arith.constant 0 : i32
      %dma_start3A_32 = tpu.memref_slice %arg5[%arg0, %dma_start3A, %dma_start3A_31] : memref<2x10240x128xf32, #tpu.memory_space<hbm>> -> memref<1x10240x128xf32, #tpu.memory_space<hbm>>
      %dma_start3A_33 = tpu.memref_squeeze %dma_start3A_32 : memref<1x10240x128xf32, #tpu.memory_space<hbm>> -> memref<10240x128xf32, #tpu.memory_space<hbm>>
      %dma_start3A_34 = arith.constant 0 : i32
      %dma_start3A_35 = tpu.memref_slice %dma_start3A_33[%mul3A_2, %dma_start3A_34] : memref<10240x128xf32, #tpu.memory_space<hbm>> -> memref<632x128xf32, #tpu.memory_space<hbm>>
      %dma_start3A_36 = arith.constant 0 : i32
      %dma_start3A_37 = tpu.memref_slice %arg10[%mul3A_2, %dma_start3A_36] : memref<10112x128xf32, #tpu.memory_space<vmem_shared>> -> memref<632x128xf32, #tpu.memory_space<vmem_shared>>
      tpu.enqueue_dma source(%dma_start3A_37 : memref<632x128xf32, #tpu.memory_space<vmem_shared>>) target(%dma_start3A_35 : memref<632x128xf32, #tpu.memory_space<hbm>>) target_semaphore(%run_scoped3A : memref<!tpu.dma_semaphore, #tpu.memory_space<semaphore_mem>>)
      %dma_wait3A = arith.constant 0 : i32
      %dma_wait3A_38 = arith.constant 0 : i32
      %dma_wait3A_39 = tpu.memref_slice %arg5[%arg0, %dma_wait3A, %dma_wait3A_38] : memref<2x10240x128xf32, #tpu.memory_space<hbm>> -> memref<1x10240x128xf32, #tpu.memory_space<hbm>>
      %dma_wait3A_40 = tpu.memref_squeeze %dma_wait3A_39 : memref<1x10240x128xf32, #tpu.memory_space<hbm>> -> memref<10240x128xf32, #tpu.memory_space<hbm>>
      %dma_wait3A_41 = arith.constant 0 : i32
      %dma_wait3A_42 = tpu.memref_slice %dma_wait3A_40[%mul3A_2, %dma_wait3A_41] : memref<10240x128xf32, #tpu.memory_space<hbm>> -> memref<632x128xf32, #tpu.memory_space<hbm>>
      %dma_wait3A_43 = arith.constant 0 : i32
      %dma_wait3A_44 = tpu.memref_slice %arg10[%mul3A_2, %dma_wait3A_43] : memref<10112x128xf32, #tpu.memory_space<vmem_shared>> -> memref<632x128xf32, #tpu.memory_space<vmem_shared>>
      tpu.wait_dma2 semaphore(%run_scoped3A : memref<!tpu.dma_semaphore, #tpu.memory_space<semaphore_mem>>) src(%dma_wait3A_44 : memref<632x128xf32, #tpu.memory_space<vmem_shared>>) dst(%dma_wait3A_42 : memref<632x128xf32, #tpu.memory_space<hbm>>)
      tpu.yield
    }) : () -> ()
    return
  }
}

#map = affine_map<(d0, d1) -> (0, 0)>
#map1 = affine_map<(d0, d1) -> (0, 0, 0)>
module attributes {stable_mosaic.version = 14 : i64} {
  func.func @body(%arg0: i32, %arg1: i32, %arg2: memref<10240x128xf32, #tpu.memory_space<hbm>>, %arg3: memref<2560x128xi32, #tpu.memory_space<hbm>>, %arg4: memref<2560x128xi32, #tpu.memory_space<hbm>>, %arg5: memref<2x10240x128xf32, #tpu.memory_space<hbm>>, %arg6: memref<40x128xi32, #tpu.memory_space<vmem>>, %arg7: memref<40x128xi32, #tpu.memory_space<vmem>>, %arg8: memref<128x128xf32, #tpu.memory_space<vmem>>, %arg9: memref<128x128xf32, #tpu.memory_space<vmem>>, %arg10: memref<10112x128xf32, #tpu.memory_space<vmem_shared>>, %arg11: memref<!tpu.dma_semaphore, #tpu.memory_space<semaphore_mem>>, %arg12: memref<!tpu.dma_semaphore, #tpu.memory_space<semaphore_mem>>) attributes {dimension_semantics = [#tpu.dimension_semantics<core_parallel>, #tpu.dimension_semantics<subcore_parallel>], iteration_bounds = array<i64: 2, 16>, scalar_prefetch = 0 : i64, scratch_operands = 7 : i64, tpu.core_type = #tpu.core_type<sc_vector_subcore>, window_params = [{transform_indices = #map}, {transform_indices = #map}, {transform_indices = #map}, {transform_indices = #map1}]} {
    %mul3A = arith.constant 2 : i32
    %mul3A_0 = arith.muli %arg1, %mul3A : i32
    %add3A = arith.addi %mul3A_0, %arg0 : i32
    %mul3A_1 = arith.constant 632 : i32
    %mul3A_2 = arith.muli %arg1, %mul3A_1 : i32
    %scan3A = arith.constant 0 : i32
    %scan3A_3 = arith.constant 128 : i32
    %scan3A_4 = arith.addi %scan3A, %scan3A_3 : i32
    %scan3A_5 = arith.constant 1 : i32
    scf.for %scan3A_31 = %scan3A to %scan3A_4 step %scan3A_5  : i32 {
      %mul3A_32 = arith.constant 1 : i32
      %mul3A_33 = arith.muli %scan3A_31, %mul3A_32 : i32
      %add3A_34 = arith.constant 0 : i32
      %add3A_35 = arith.addi %add3A_34, %mul3A_33 : i32
      %broadcast_in_dim3A = arith.constant 0.000000e+00 : f32
      %broadcast_in_dim3A_36 = vector.broadcast %broadcast_in_dim3A : f32 to vector<16xf32>
      %swap3A = arith.index_cast %add3A_35 : i32 to index
      %swap3A_37 = arith.constant 0 : index
      %swap3A_38 = tpu.vector_load %arg8[%swap3A, %swap3A_37] {strides = array<i32>} : memref<128x128xf32, #tpu.memory_space<vmem>>, vector<1x16xf32>,
      %swap3A_39 = vector.shape_cast %swap3A_38 : vector<1x16xf32> to vector<16xf32>
      %swap3A_40 = vector.shape_cast %broadcast_in_dim3A_36 : vector<16xf32> to vector<1x16xf32>
      tpu.vector_store %arg8[%swap3A, %swap3A_37], %swap3A_40 {strides = array<i32>} : memref<128x128xf32, #tpu.memory_space<vmem>>, vector<1x16xf32>,
      %broadcast_in_dim3A_41 = arith.constant 0.000000e+00 : f32
      %broadcast_in_dim3A_42 = vector.broadcast %broadcast_in_dim3A_41 : f32 to vector<16xf32>
      %swap3A_43 = arith.index_cast %add3A_35 : i32 to index
      %swap3A_44 = arith.constant 16 : index
      %swap3A_45 = tpu.vector_load %arg8[%swap3A_43, %swap3A_44] {strides = array<i32>} : memref<128x128xf32, #tpu.memory_space<vmem>>, vector<1x16xf32>,
      %swap3A_46 = vector.shape_cast %swap3A_45 : vector<1x16xf32> to vector<16xf32>
      %swap3A_47 = vector.shape_cast %broadcast_in_dim3A_42 : vector<16xf32> to vector<1x16xf32>
      tpu.vector_store %arg8[%swap3A_43, %swap3A_44], %swap3A_47 {strides = array<i32>} : memref<128x128xf32, #tpu.memory_space<vmem>>, vector<1x16xf32>,
      %broadcast_in_dim3A_48 = arith.constant 0.000000e+00 : f32
      %broadcast_in_dim3A_49 = vector.broadcast %broadcast_in_dim3A_48 : f32 to vector<16xf32>
      %swap3A_50 = arith.index_cast %add3A_35 : i32 to index
      %swap3A_51 = arith.constant 32 : index
      %swap3A_52 = tpu.vector_load %arg8[%swap3A_50, %swap3A_51] {strides = array<i32>} : memref<128x128xf32, #tpu.memory_space<vmem>>, vector<1x16xf32>,
      %swap3A_53 = vector.shape_cast %swap3A_52 : vector<1x16xf32> to vector<16xf32>
      %swap3A_54 = vector.shape_cast %broadcast_in_dim3A_49 : vector<16xf32> to vector<1x16xf32>
      tpu.vector_store %arg8[%swap3A_50, %swap3A_51], %swap3A_54 {strides = array<i32>} : memref<128x128xf32, #tpu.memory_space<vmem>>, vector<1x16xf32>,
      %broadcast_in_dim3A_55 = arith.constant 0.000000e+00 : f32
      %broadcast_in_dim3A_56 = vector.broadcast %broadcast_in_dim3A_55 : f32 to vector<16xf32>
      %swap3A_57 = arith.index_cast %add3A_35 : i32 to index
      %swap3A_58 = arith.constant 48 : index
      %swap3A_59 = tpu.vector_load %arg8[%swap3A_57, %swap3A_58] {strides = array<i32>} : memref<128x128xf32, #tpu.memory_space<vmem>>, vector<1x16xf32>,
      %swap3A_60 = vector.shape_cast %swap3A_59 : vector<1x16xf32> to vector<16xf32>
      %swap3A_61 = vector.shape_cast %broadcast_in_dim3A_56 : vector<16xf32> to vector<1x16xf32>
      tpu.vector_store %arg8[%swap3A_57, %swap3A_58], %swap3A_61 {strides = array<i32>} : memref<128x128xf32, #tpu.memory_space<vmem>>, vector<1x16xf32>,
      %broadcast_in_dim3A_62 = arith.constant 0.000000e+00 : f32
      %broadcast_in_dim3A_63 = vector.broadcast %broadcast_in_dim3A_62 : f32 to vector<16xf32>
      %swap3A_64 = arith.index_cast %add3A_35 : i32 to index
      %swap3A_65 = arith.constant 64 : index
      %swap3A_66 = tpu.vector_load %arg8[%swap3A_64, %swap3A_65] {strides = array<i32>} : memref<128x128xf32, #tpu.memory_space<vmem>>, vector<1x16xf32>,
      %swap3A_67 = vector.shape_cast %swap3A_66 : vector<1x16xf32> to vector<16xf32>
      %swap3A_68 = vector.shape_cast %broadcast_in_dim3A_63 : vector<16xf32> to vector<1x16xf32>
      tpu.vector_store %arg8[%swap3A_64, %swap3A_65], %swap3A_68 {strides = array<i32>} : memref<128x128xf32, #tpu.memory_space<vmem>>, vector<1x16xf32>,
      %broadcast_in_dim3A_69 = arith.constant 0.000000e+00 : f32
      %broadcast_in_dim3A_70 = vector.broadcast %broadcast_in_dim3A_69 : f32 to vector<16xf32>
      %swap3A_71 = arith.index_cast %add3A_35 : i32 to index
      %swap3A_72 = arith.constant 80 : index
      %swap3A_73 = tpu.vector_load %arg8[%swap3A_71, %swap3A_72] {strides = array<i32>} : memref<128x128xf32, #tpu.memory_space<vmem>>, vector<1x16xf32>,
      %swap3A_74 = vector.shape_cast %swap3A_73 : vector<1x16xf32> to vector<16xf32>
      %swap3A_75 = vector.shape_cast %broadcast_in_dim3A_70 : vector<16xf32> to vector<1x16xf32>
      tpu.vector_store %arg8[%swap3A_71, %swap3A_72], %swap3A_75 {strides = array<i32>} : memref<128x128xf32, #tpu.memory_space<vmem>>, vector<1x16xf32>,
      %broadcast_in_dim3A_76 = arith.constant 0.000000e+00 : f32
      %broadcast_in_dim3A_77 = vector.broadcast %broadcast_in_dim3A_76 : f32 to vector<16xf32>
      %swap3A_78 = arith.index_cast %add3A_35 : i32 to index
      %swap3A_79 = arith.constant 96 : index
      %swap3A_80 = tpu.vector_load %arg8[%swap3A_78, %swap3A_79] {strides = array<i32>} : memref<128x128xf32, #tpu.memory_space<vmem>>, vector<1x16xf32>,
      %swap3A_81 = vector.shape_cast %swap3A_80 : vector<1x16xf32> to vector<16xf32>
      %swap3A_82 = vector.shape_cast %broadcast_in_dim3A_77 : vector<16xf32> to vector<1x16xf32>
      tpu.vector_store %arg8[%swap3A_78, %swap3A_79], %swap3A_82 {strides = array<i32>} : memref<128x128xf32, #tpu.memory_space<vmem>>, vector<1x16xf32>,
      %broadcast_in_dim3A_83 = arith.constant 0.000000e+00 : f32
      %broadcast_in_dim3A_84 = vector.broadcast %broadcast_in_dim3A_83 : f32 to vector<16xf32>
      %swap3A_85 = arith.index_cast %add3A_35 : i32 to index
      %swap3A_86 = arith.constant 112 : index
      %swap3A_87 = tpu.vector_load %arg8[%swap3A_85, %swap3A_86] {strides = array<i32>} : memref<128x128xf32, #tpu.memory_space<vmem>>, vector<1x16xf32>,
      %swap3A_88 = vector.shape_cast %swap3A_87 : vector<1x16xf32> to vector<16xf32>
      %swap3A_89 = vector.shape_cast %broadcast_in_dim3A_84 : vector<16xf32> to vector<1x16xf32>
      tpu.vector_store %arg8[%swap3A_85, %swap3A_86], %swap3A_89 {strides = array<i32>} : memref<128x128xf32, #tpu.memory_space<vmem>>, vector<1x16xf32>,
    }
    %scan3A_6 = arith.constant 128 : i32
    %add3A_7 = arith.constant 0 : i32
    %add3A_8 = arith.addi %mul3A_2, %add3A_7 : i32
    "tpu.region"() ({
      %run_scoped3A = tpu.sem_alloc : memref<!tpu.dma_semaphore, #tpu.memory_space<semaphore_mem>>
      %dma_start3A = arith.constant 0 : i32
      %dma_start3A_31 = tpu.memref_slice %arg10[%add3A_8, %dma_start3A] : memref<10112x128xf32, #tpu.memory_space<vmem_shared>> -> memref<128x128xf32, #tpu.memory_space<vmem_shared>>
      %dma_start3A_32 = arith.constant 0 : i32
      %dma_start3A_33 = tpu.memref_slice %arg10[%add3A_8, %dma_start3A_32] : memref<10112x128xf32, #tpu.memory_space<vmem_shared>> -> memref<128x128xf32, #tpu.memory_space<vmem_shared>>
      tpu.enqueue_dma source(%arg8 : memref<128x128xf32, #tpu.memory_space<vmem>>) target(%dma_start3A_33 : memref<128x128xf32, #tpu.memory_space<vmem_shared>>) target_semaphore(%run_scoped3A : memref<!tpu.dma_semaphore, #tpu.memory_space<semaphore_mem>>)
      %dma_wait3A = arith.constant 0 : i32
      %dma_wait3A_34 = tpu.memref_slice %arg10[%add3A_8, %dma_wait3A] : memref<10112x128xf32, #tpu.memory_space<vmem_shared>> -> memref<128x128xf32, #tpu.memory_space<vmem_shared>>
      %dma_wait3A_35 = arith.constant 0 : i32
      %dma_wait3A_36 = tpu.memref_slice %arg10[%add3A_8, %dma_wait3A_35] : memref<10112x128xf32, #tpu.memory_space<vmem_shared>> -> memref<128x128xf32, #tpu.memory_space<vmem_shared>>
      tpu.wait_dma2 semaphore(%run_scoped3A : memref<!tpu.dma_semaphore, #tpu.memory_space<semaphore_mem>>) src(%arg8 : memref<128x128xf32, #tpu.memory_space<vmem>>) dst(%dma_wait3A_36 : memref<128x128xf32, #tpu.memory_space<vmem_shared>>)
      tpu.yield
    }) : () -> ()
    %add3A_9 = arith.constant 128 : i32
    %add3A_10 = arith.addi %mul3A_2, %add3A_9 : i32
    "tpu.region"() ({
      %run_scoped3A = tpu.sem_alloc : memref<!tpu.dma_semaphore, #tpu.memory_space<semaphore_mem>>
      %dma_start3A = arith.constant 0 : i32
      %dma_start3A_31 = tpu.memref_slice %arg10[%add3A_10, %dma_start3A] : memref<10112x128xf32, #tpu.memory_space<vmem_shared>> -> memref<128x128xf32, #tpu.memory_space<vmem_shared>>
      %dma_start3A_32 = arith.constant 0 : i32
      %dma_start3A_33 = tpu.memref_slice %arg10[%add3A_10, %dma_start3A_32] : memref<10112x128xf32, #tpu.memory_space<vmem_shared>> -> memref<128x128xf32, #tpu.memory_space<vmem_shared>>
      tpu.enqueue_dma source(%arg8 : memref<128x128xf32, #tpu.memory_space<vmem>>) target(%dma_start3A_33 : memref<128x128xf32, #tpu.memory_space<vmem_shared>>) target_semaphore(%run_scoped3A : memref<!tpu.dma_semaphore, #tpu.memory_space<semaphore_mem>>)
      %dma_wait3A = arith.constant 0 : i32
      %dma_wait3A_34 = tpu.memref_slice %arg10[%add3A_10, %dma_wait3A] : memref<10112x128xf32, #tpu.memory_space<vmem_shared>> -> memref<128x128xf32, #tpu.memory_space<vmem_shared>>
      %dma_wait3A_35 = arith.constant 0 : i32
      %dma_wait3A_36 = tpu.memref_slice %arg10[%add3A_10, %dma_wait3A_35] : memref<10112x128xf32, #tpu.memory_space<vmem_shared>> -> memref<128x128xf32, #tpu.memory_space<vmem_shared>>
      tpu.wait_dma2 semaphore(%run_scoped3A : memref<!tpu.dma_semaphore, #tpu.memory_space<semaphore_mem>>) src(%arg8 : memref<128x128xf32, #tpu.memory_space<vmem>>) dst(%dma_wait3A_36 : memref<128x128xf32, #tpu.memory_space<vmem_shared>>)
      tpu.yield
    }) : () -> ()
    %add3A_11 = arith.constant 256 : i32
    %add3A_12 = arith.addi %mul3A_2, %add3A_11 : i32
    "tpu.region"() ({
      %run_scoped3A = tpu.sem_alloc : memref<!tpu.dma_semaphore, #tpu.memory_space<semaphore_mem>>
      %dma_start3A = arith.constant 0 : i32
      %dma_start3A_31 = tpu.memref_slice %arg10[%add3A_12, %dma_start3A] : memref<10112x128xf32, #tpu.memory_space<vmem_shared>> -> memref<128x128xf32, #tpu.memory_space<vmem_shared>>
      %dma_start3A_32 = arith.constant 0 : i32
      %dma_start3A_33 = tpu.memref_slice %arg10[%add3A_12, %dma_start3A_32] : memref<10112x128xf32, #tpu.memory_space<vmem_shared>> -> memref<128x128xf32, #tpu.memory_space<vmem_shared>>
      tpu.enqueue_dma source(%arg8 : memref<128x128xf32, #tpu.memory_space<vmem>>) target(%dma_start3A_33 : memref<128x128xf32, #tpu.memory_space<vmem_shared>>) target_semaphore(%run_scoped3A : memref<!tpu.dma_semaphore, #tpu.memory_space<semaphore_mem>>)
      %dma_wait3A = arith.constant 0 : i32
      %dma_wait3A_34 = tpu.memref_slice %arg10[%add3A_12, %dma_wait3A] : memref<10112x128xf32, #tpu.memory_space<vmem_shared>> -> memref<128x128xf32, #tpu.memory_space<vmem_shared>>
      %dma_wait3A_35 = arith.constant 0 : i32
      %dma_wait3A_36 = tpu.memref_slice %arg10[%add3A_12, %dma_wait3A_35] : memref<10112x128xf32, #tpu.memory_space<vmem_shared>> -> memref<128x128xf32, #tpu.memory_space<vmem_shared>>
      tpu.wait_dma2 semaphore(%run_scoped3A : memref<!tpu.dma_semaphore, #tpu.memory_space<semaphore_mem>>) src(%arg8 : memref<128x128xf32, #tpu.memory_space<vmem>>) dst(%dma_wait3A_36 : memref<128x128xf32, #tpu.memory_space<vmem_shared>>)
      tpu.yield
    }) : () -> ()
    %add3A_13 = arith.constant 384 : i32
    %add3A_14 = arith.addi %mul3A_2, %add3A_13 : i32
    "tpu.region"() ({
      %run_scoped3A = tpu.sem_alloc : memref<!tpu.dma_semaphore, #tpu.memory_space<semaphore_mem>>
      %dma_start3A = arith.constant 0 : i32
      %dma_start3A_31 = tpu.memref_slice %arg10[%add3A_14, %dma_start3A] : memref<10112x128xf32, #tpu.memory_space<vmem_shared>> -> memref<128x128xf32, #tpu.memory_space<vmem_shared>>
      %dma_start3A_32 = arith.constant 0 : i32
      %dma_start3A_33 = tpu.memref_slice %arg10[%add3A_14, %dma_start3A_32] : memref<10112x128xf32, #tpu.memory_space<vmem_shared>> -> memref<128x128xf32, #tpu.memory_space<vmem_shared>>
      tpu.enqueue_dma source(%arg8 : memref<128x128xf32, #tpu.memory_space<vmem>>) target(%dma_start3A_33 : memref<128x128xf32, #tpu.memory_space<vmem_shared>>) target_semaphore(%run_scoped3A : memref<!tpu.dma_semaphore, #tpu.memory_space<semaphore_mem>>)
      %dma_wait3A = arith.constant 0 : i32
      %dma_wait3A_34 = tpu.memref_slice %arg10[%add3A_14, %dma_wait3A] : memref<10112x128xf32, #tpu.memory_space<vmem_shared>> -> memref<128x128xf32, #tpu.memory_space<vmem_shared>>
      %dma_wait3A_35 = arith.constant 0 : i32
      %dma_wait3A_36 = tpu.memref_slice %arg10[%add3A_14, %dma_wait3A_35] : memref<10112x128xf32, #tpu.memory_space<vmem_shared>> -> memref<128x128xf32, #tpu.memory_space<vmem_shared>>
      tpu.wait_dma2 semaphore(%run_scoped3A : memref<!tpu.dma_semaphore, #tpu.memory_space<semaphore_mem>>) src(%arg8 : memref<128x128xf32, #tpu.memory_space<vmem>>) dst(%dma_wait3A_36 : memref<128x128xf32, #tpu.memory_space<vmem_shared>>)
      tpu.yield
    }) : () -> ()
    %add3A_15 = arith.constant 512 : i32
    %add3A_16 = arith.addi %mul3A_2, %add3A_15 : i32
    "tpu.region"() ({
      %run_scoped3A = tpu.sem_alloc : memref<!tpu.dma_semaphore, #tpu.memory_space<semaphore_mem>>
      %dma_start3A = arith.constant 0 : i32
      %dma_start3A_31 = arith.constant 0 : i32
      %dma_start3A_32 = tpu.memref_slice %arg8[%dma_start3A, %dma_start3A_31] : memref<128x128xf32, #tpu.memory_space<vmem>> -> memref<120x128xf32, #tpu.memory_space<vmem>>
      %dma_start3A_33 = arith.constant 0 : i32
      %dma_start3A_34 = tpu.memref_slice %arg10[%add3A_16, %dma_start3A_33] : memref<10112x128xf32, #tpu.memory_space<vmem_shared>> -> memref<120x128xf32, #tpu.memory_space<vmem_shared>>
      %dma_start3A_35 = arith.constant 0 : i32
      %dma_start3A_36 = tpu.memref_slice %arg10[%add3A_16, %dma_start3A_35] : memref<10112x128xf32, #tpu.memory_space<vmem_shared>> -> memref<120x128xf32, #tpu.memory_space<vmem_shared>>
      %dma_start3A_37 = arith.constant 0 : i32
      %dma_start3A_38 = arith.constant 0 : i32
      %dma_start3A_39 = tpu.memref_slice %arg8[%dma_start3A_37, %dma_start3A_38] : memref<128x128xf32, #tpu.memory_space<vmem>> -> memref<120x128xf32, #tpu.memory_space<vmem>>
      tpu.enqueue_dma source(%dma_start3A_39 : memref<120x128xf32, #tpu.memory_space<vmem>>) target(%dma_start3A_36 : memref<120x128xf32, #tpu.memory_space<vmem_shared>>) target_semaphore(%run_scoped3A : memref<!tpu.dma_semaphore, #tpu.memory_space<semaphore_mem>>)
      %dma_wait3A = arith.constant 0 : i32
      %dma_wait3A_40 = arith.constant 0 : i32
      %dma_wait3A_41 = tpu.memref_slice %arg8[%dma_wait3A, %dma_wait3A_40] : memref<128x128xf32, #tpu.memory_space<vmem>> -> memref<120x128xf32, #tpu.memory_space<vmem>>
      %dma_wait3A_42 = arith.constant 0 : i32
      %dma_wait3A_43 = tpu.memref_slice %arg10[%add3A_16, %dma_wait3A_42] : memref<10112x128xf32, #tpu.memory_space<vmem_shared>> -> memref<120x128xf32, #tpu.memory_space<vmem_shared>>
      %dma_wait3A_44 = arith.constant 0 : i32
      %dma_wait3A_45 = tpu.memref_slice %arg10[%add3A_16, %dma_wait3A_44] : memref<10112x128xf32, #tpu.memory_space<vmem_shared>> -> memref<120x128xf32, #tpu.memory_space<vmem_shared>>
      %dma_wait3A_46 = arith.constant 0 : i32
      %dma_wait3A_47 = arith.constant 0 : i32
      %dma_wait3A_48 = tpu.memref_slice %arg8[%dma_wait3A_46, %dma_wait3A_47] : memref<128x128xf32, #tpu.memory_space<vmem>> -> memref<120x128xf32, #tpu.memory_space<vmem>>
      tpu.wait_dma2 semaphore(%run_scoped3A : memref<!tpu.dma_semaphore, #tpu.memory_space<semaphore_mem>>) src(%dma_wait3A_48 : memref<120x128xf32, #tpu.memory_space<vmem>>) dst(%dma_wait3A_45 : memref<120x128xf32, #tpu.memory_space<vmem_shared>>)
      tpu.yield
    }) : () -> ()
    %mul3A_17 = arith.constant 40 : i32
    %mul3A_18 = arith.muli %add3A, %mul3A_17 : i32
    %add3A_19 = arith.constant 0 : i32
    %add3A_20 = arith.addi %add3A_19, %mul3A_18 : i32
    "tpu.region"() ({
      %run_scoped3A = tpu.sem_alloc : memref<!tpu.dma_semaphore, #tpu.memory_space<semaphore_mem>>
      %dma_start3A = arith.constant 0 : i32
      %dma_start3A_31 = tpu.memref_slice %arg3[%add3A_20, %dma_start3A] : memref<2560x128xi32, #tpu.memory_space<hbm>> -> memref<40x128xi32, #tpu.memory_space<hbm>>
      %dma_start3A_32 = arith.constant 0 : i32
      %dma_start3A_33 = tpu.memref_slice %arg3[%add3A_20, %dma_start3A_32] : memref<2560x128xi32, #tpu.memory_space<hbm>> -> memref<40x128xi32, #tpu.memory_space<hbm>>
      tpu.enqueue_dma source(%dma_start3A_33 : memref<40x128xi32, #tpu.memory_space<hbm>>) target(%arg6 : memref<40x128xi32, #tpu.memory_space<vmem>>) target_semaphore(%run_scoped3A : memref<!tpu.dma_semaphore, #tpu.memory_space<semaphore_mem>>)
      %dma_wait3A = arith.constant 0 : i32
      %dma_wait3A_34 = tpu.memref_slice %arg3[%add3A_20, %dma_wait3A] : memref<2560x128xi32, #tpu.memory_space<hbm>> -> memref<40x128xi32, #tpu.memory_space<hbm>>
      %dma_wait3A_35 = arith.constant 0 : i32
      %dma_wait3A_36 = tpu.memref_slice %arg3[%add3A_20, %dma_wait3A_35] : memref<2560x128xi32, #tpu.memory_space<hbm>> -> memref<40x128xi32, #tpu.memory_space<hbm>>
      tpu.wait_dma2 semaphore(%run_scoped3A : memref<!tpu.dma_semaphore, #tpu.memory_space<semaphore_mem>>) src(%dma_wait3A_36 : memref<40x128xi32, #tpu.memory_space<hbm>>) dst(%arg6 : memref<40x128xi32, #tpu.memory_space<vmem>>)
      tpu.yield
    }) : () -> ()
    %mul3A_21 = arith.constant 40 : i32
    %mul3A_22 = arith.muli %add3A, %mul3A_21 : i32
    %add3A_23 = arith.constant 0 : i32
    %add3A_24 = arith.addi %add3A_23, %mul3A_22 : i32
    "tpu.region"() ({
      %run_scoped3A = tpu.sem_alloc : memref<!tpu.dma_semaphore, #tpu.memory_space<semaphore_mem>>
      %dma_start3A = arith.constant 0 : i32
      %dma_start3A_31 = tpu.memref_slice %arg4[%add3A_24, %dma_start3A] : memref<2560x128xi32, #tpu.memory_space<hbm>> -> memref<40x128xi32, #tpu.memory_space<hbm>>
      %dma_start3A_32 = arith.constant 0 : i32
      %dma_start3A_33 = tpu.memref_slice %arg4[%add3A_24, %dma_start3A_32] : memref<2560x128xi32, #tpu.memory_space<hbm>> -> memref<40x128xi32, #tpu.memory_space<hbm>>
      tpu.enqueue_dma source(%dma_start3A_33 : memref<40x128xi32, #tpu.memory_space<hbm>>) target(%arg7 : memref<40x128xi32, #tpu.memory_space<vmem>>) target_semaphore(%run_scoped3A : memref<!tpu.dma_semaphore, #tpu.memory_space<semaphore_mem>>)
      %dma_wait3A = arith.constant 0 : i32
      %dma_wait3A_34 = tpu.memref_slice %arg4[%add3A_24, %dma_wait3A] : memref<2560x128xi32, #tpu.memory_space<hbm>> -> memref<40x128xi32, #tpu.memory_space<hbm>>
      %dma_wait3A_35 = arith.constant 0 : i32
      %dma_wait3A_36 = tpu.memref_slice %arg4[%add3A_24, %dma_wait3A_35] : memref<2560x128xi32, #tpu.memory_space<hbm>> -> memref<40x128xi32, #tpu.memory_space<hbm>>
      tpu.wait_dma2 semaphore(%run_scoped3A : memref<!tpu.dma_semaphore, #tpu.memory_space<semaphore_mem>>) src(%dma_wait3A_36 : memref<40x128xi32, #tpu.memory_space<hbm>>) dst(%arg7 : memref<40x128xi32, #tpu.memory_space<vmem>>)
      tpu.yield
    }) : () -> ()
    %barrier3A = arith.constant 0 : index
    tpu.barrier barrier_id(%barrier3A)
    %scan3A_25 = arith.constant 0 : i32
    %scan3A_26 = arith.constant 20 : i32
    %scan3A_27 = arith.addi %scan3A_25, %scan3A_26 : i32
    %scan3A_28 = arith.constant 1 : i32
    scf.for %scan3A_31 = %scan3A_25 to %scan3A_27 step %scan3A_28  : i32 {
      %mul3A_32 = arith.constant 1 : i32
      %mul3A_33 = arith.muli %scan3A_31, %mul3A_32 : i32
      %add3A_34 = arith.constant 0 : i32
      %add3A_35 = arith.addi %add3A_34, %mul3A_33 : i32
      %mul3A_36 = arith.constant 2 : i32
      %mul3A_37 = arith.muli %add3A_35, %mul3A_36 : i32
      %dma_start3A = arith.constant 0 : i32
      %dma_start3A_38 = tpu.memref_slice %arg6[%mul3A_37, %dma_start3A] : memref<40x128xi32, #tpu.memory_space<vmem>> -> memref<1x128xi32, #tpu.memory_space<vmem>>
      %dma_start3A_39 = tpu.memref_squeeze %dma_start3A_38 : memref<1x128xi32, #tpu.memory_space<vmem>> -> memref<128xi32, #tpu.memory_space<vmem>>
      %dma_start3A_40 = arith.constant 0 : i32
      %dma_start3A_41 = arith.constant 0 : i32
      %dma_start3A_42 = tpu.memref_slice %arg2[%dma_start3A_40, %dma_start3A_41] : memref<10240x128xf32, #tpu.memory_space<hbm>> -> memref<10240x128xf32, #tpu.memory_space<hbm>>
      tpu.enqueue_indirect_dma source(%dma_start3A_42 : memref<10240x128xf32, #tpu.memory_space<hbm>>) target(%arg8 : memref<128x128xf32, #tpu.memory_space<vmem>>) offsets(%dma_start3A_39 : memref<128xi32, #tpu.memory_space<vmem>>) semaphore(%arg11 : memref<!tpu.dma_semaphore, #tpu.memory_space<semaphore_mem>>)
      %add3A_43 = arith.constant 1 : i32
      %add3A_44 = arith.addi %mul3A_37, %add3A_43 : i32
      %dma_start3A_45 = arith.constant 0 : i32
      %dma_start3A_46 = tpu.memref_slice %arg6[%add3A_44, %dma_start3A_45] : memref<40x128xi32, #tpu.memory_space<vmem>> -> memref<1x128xi32, #tpu.memory_space<vmem>>
      %dma_start3A_47 = tpu.memref_squeeze %dma_start3A_46 : memref<1x128xi32, #tpu.memory_space<vmem>> -> memref<128xi32, #tpu.memory_space<vmem>>
      %dma_start3A_48 = arith.constant 0 : i32
      %dma_start3A_49 = arith.constant 0 : i32
      %dma_start3A_50 = tpu.memref_slice %arg2[%dma_start3A_48, %dma_start3A_49] : memref<10240x128xf32, #tpu.memory_space<hbm>> -> memref<10240x128xf32, #tpu.memory_space<hbm>>
      tpu.enqueue_indirect_dma source(%dma_start3A_50 : memref<10240x128xf32, #tpu.memory_space<hbm>>) target(%arg9 : memref<128x128xf32, #tpu.memory_space<vmem>>) offsets(%dma_start3A_47 : memref<128xi32, #tpu.memory_space<vmem>>) semaphore(%arg12 : memref<!tpu.dma_semaphore, #tpu.memory_space<semaphore_mem>>)
      %dma_wait3A = arith.constant 0 : i32
      %dma_wait3A_51 = tpu.memref_slice %arg6[%mul3A_37, %dma_wait3A] : memref<40x128xi32, #tpu.memory_space<vmem>> -> memref<1x128xi32, #tpu.memory_space<vmem>>
      %dma_wait3A_52 = tpu.memref_squeeze %dma_wait3A_51 : memref<1x128xi32, #tpu.memory_space<vmem>> -> memref<128xi32, #tpu.memory_space<vmem>>
      %dma_wait3A_53 = arith.constant 0 : i32
      %dma_wait3A_54 = arith.constant 0 : i32
      %dma_wait3A_55 = tpu.memref_slice %arg2[%dma_wait3A_53, %dma_wait3A_54] : memref<10240x128xf32, #tpu.memory_space<hbm>> -> memref<10240x128xf32, #tpu.memory_space<hbm>>
      tpu.wait_indirect_dma semaphore(%arg11 : memref<!tpu.dma_semaphore, #tpu.memory_space<semaphore_mem>>) src(%dma_wait3A_55 : memref<10240x128xf32, #tpu.memory_space<hbm>>) dst(%arg8 : memref<128x128xf32, #tpu.memory_space<vmem>>)
      "tpu.region"() ({
        %run_scoped3A = tpu.sem_alloc : memref<!tpu.dma_semaphore, #tpu.memory_space<semaphore_mem>>
        %dma_start3A_64 = arith.constant 0 : i32
        %dma_start3A_65 = tpu.memref_slice %arg7[%mul3A_37, %dma_start3A_64] : memref<40x128xi32, #tpu.memory_space<vmem>> -> memref<1x128xi32, #tpu.memory_space<vmem>>
        %dma_start3A_66 = tpu.memref_squeeze %dma_start3A_65 : memref<1x128xi32, #tpu.memory_space<vmem>> -> memref<128xi32, #tpu.memory_space<vmem>>
        %dma_start3A_67 = arith.constant 0 : i32
        %dma_start3A_68 = arith.constant 0 : i32
        %dma_start3A_69 = tpu.memref_slice %arg10[%dma_start3A_67, %dma_start3A_68] : memref<10112x128xf32, #tpu.memory_space<vmem_shared>> -> memref<10112x128xf32, #tpu.memory_space<vmem_shared>>
        tpu.enqueue_indirect_dma source(%arg8 : memref<128x128xf32, #tpu.memory_space<vmem>>) target(%dma_start3A_69 : memref<10112x128xf32, #tpu.memory_space<vmem_shared>>) offsets(%dma_start3A_66 : memref<128xi32, #tpu.memory_space<vmem>>) semaphore(%run_scoped3A : memref<!tpu.dma_semaphore, #tpu.memory_space<semaphore_mem>>) {add = true}
        %dma_wait3A_70 = arith.constant 0 : i32
        %dma_wait3A_71 = tpu.memref_slice %arg7[%mul3A_37, %dma_wait3A_70] : memref<40x128xi32, #tpu.memory_space<vmem>> -> memref<1x128xi32, #tpu.memory_space<vmem>>
        %dma_wait3A_72 = tpu.memref_squeeze %dma_wait3A_71 : memref<1x128xi32, #tpu.memory_space<vmem>> -> memref<128xi32, #tpu.memory_space<vmem>>
        %dma_wait3A_73 = arith.constant 0 : i32
        %dma_wait3A_74 = arith.constant 0 : i32
        %dma_wait3A_75 = tpu.memref_slice %arg10[%dma_wait3A_73, %dma_wait3A_74] : memref<10112x128xf32, #tpu.memory_space<vmem_shared>> -> memref<10112x128xf32, #tpu.memory_space<vmem_shared>>
        tpu.wait_indirect_dma semaphore(%run_scoped3A : memref<!tpu.dma_semaphore, #tpu.memory_space<semaphore_mem>>) src(%arg8 : memref<128x128xf32, #tpu.memory_space<vmem>>) dst(%dma_wait3A_75 : memref<10112x128xf32, #tpu.memory_space<vmem_shared>>)
        tpu.yield
      }) : () -> ()
      %dma_wait3A_56 = arith.constant 0 : i32
      %dma_wait3A_57 = tpu.memref_slice %arg6[%add3A_44, %dma_wait3A_56] : memref<40x128xi32, #tpu.memory_space<vmem>> -> memref<1x128xi32, #tpu.memory_space<vmem>>
      %dma_wait3A_58 = tpu.memref_squeeze %dma_wait3A_57 : memref<1x128xi32, #tpu.memory_space<vmem>> -> memref<128xi32, #tpu.memory_space<vmem>>
      %dma_wait3A_59 = arith.constant 0 : i32
      %dma_wait3A_60 = arith.constant 0 : i32
      %dma_wait3A_61 = tpu.memref_slice %arg2[%dma_wait3A_59, %dma_wait3A_60] : memref<10240x128xf32, #tpu.memory_space<hbm>> -> memref<10240x128xf32, #tpu.memory_space<hbm>>
      tpu.wait_indirect_dma semaphore(%arg12 : memref<!tpu.dma_semaphore, #tpu.memory_space<semaphore_mem>>) src(%dma_wait3A_61 : memref<10240x128xf32, #tpu.memory_space<hbm>>) dst(%arg9 : memref<128x128xf32, #tpu.memory_space<vmem>>)
      %add3A_62 = arith.constant 1 : i32
      %add3A_63 = arith.addi %mul3A_37, %add3A_62 : i32
      "tpu.region"() ({
        %run_scoped3A = tpu.sem_alloc : memref<!tpu.dma_semaphore, #tpu.memory_space<semaphore_mem>>
        %dma_start3A_64 = arith.constant 0 : i32
        %dma_start3A_65 = tpu.memref_slice %arg7[%add3A_63, %dma_start3A_64] : memref<40x128xi32, #tpu.memory_space<vmem>> -> memref<1x128xi32, #tpu.memory_space<vmem>>
        %dma_start3A_66 = tpu.memref_squeeze %dma_start3A_65 : memref<1x128xi32, #tpu.memory_space<vmem>> -> memref<128xi32, #tpu.memory_space<vmem>>
        %dma_start3A_67 = arith.constant 0 : i32
        %dma_start3A_68 = arith.constant 0 : i32
        %dma_start3A_69 = tpu.memref_slice %arg10[%dma_start3A_67, %dma_start3A_68] : memref<10112x128xf32, #tpu.memory_space<vmem_shared>> -> memref<10112x128xf32, #tpu.memory_space<vmem_shared>>
        tpu.enqueue_indirect_dma source(%arg9 : memref<128x128xf32, #tpu.memory_space<vmem>>) target(%dma_start3A_69 : memref<10112x128xf32, #tpu.memory_space<vmem_shared>>) offsets(%dma_start3A_66 : memref<128xi32, #tpu.memory_space<vmem>>) semaphore(%run_scoped3A : memref<!tpu.dma_semaphore, #tpu.memory_space<semaphore_mem>>) {add = true}
        %dma_wait3A_70 = arith.constant 0 : i32
        %dma_wait3A_71 = tpu.memref_slice %arg7[%add3A_63, %dma_wait3A_70] : memref<40x128xi32, #tpu.memory_space<vmem>> -> memref<1x128xi32, #tpu.memory_space<vmem>>
        %dma_wait3A_72 = tpu.memref_squeeze %dma_wait3A_71 : memref<1x128xi32, #tpu.memory_space<vmem>> -> memref<128xi32, #tpu.memory_space<vmem>>
        %dma_wait3A_73 = arith.constant 0 : i32
        %dma_wait3A_74 = arith.constant 0 : i32
        %dma_wait3A_75 = tpu.memref_slice %arg10[%dma_wait3A_73, %dma_wait3A_74] : memref<10112x128xf32, #tpu.memory_space<vmem_shared>> -> memref<10112x128xf32, #tpu.memory_space<vmem_shared>>
        tpu.wait_indirect_dma semaphore(%run_scoped3A : memref<!tpu.dma_semaphore, #tpu.memory_space<semaphore_mem>>) src(%arg9 : memref<128x128xf32, #tpu.memory_space<vmem>>) dst(%dma_wait3A_75 : memref<10112x128xf32, #tpu.memory_space<vmem_shared>>)
        tpu.yield
      }) : () -> ()
    }
    %scan3A_29 = arith.constant 20 : i32
    %barrier3A_30 = arith.constant 0 : index
    tpu.barrier barrier_id(%barrier3A_30)
    "tpu.region"() ({
      %run_scoped3A = tpu.sem_alloc : memref<!tpu.dma_semaphore, #tpu.memory_space<semaphore_mem>>
      %dma_start3A = arith.constant 0 : i32
      %dma_start3A_31 = arith.constant 0 : i32
      %dma_start3A_32 = tpu.memref_slice %arg5[%arg0, %dma_start3A, %dma_start3A_31] : memref<2x10240x128xf32, #tpu.memory_space<hbm>> -> memref<1x10240x128xf32, #tpu.memory_space<hbm>>
      %dma_start3A_33 = tpu.memref_squeeze %dma_start3A_32 : memref<1x10240x128xf32, #tpu.memory_space<hbm>> -> memref<10240x128xf32, #tpu.memory_space<hbm>>
      %dma_start3A_34 = arith.constant 0 : i32
      %dma_start3A_35 = tpu.memref_slice %dma_start3A_33[%mul3A_2, %dma_start3A_34] : memref<10240x128xf32, #tpu.memory_space<hbm>> -> memref<632x128xf32, #tpu.memory_space<hbm>>
      %dma_start3A_36 = arith.constant 0 : i32
      %dma_start3A_37 = tpu.memref_slice %arg10[%mul3A_2, %dma_start3A_36] : memref<10112x128xf32, #tpu.memory_space<vmem_shared>> -> memref<632x128xf32, #tpu.memory_space<vmem_shared>>
      tpu.enqueue_dma source(%dma_start3A_37 : memref<632x128xf32, #tpu.memory_space<vmem_shared>>) target(%dma_start3A_35 : memref<632x128xf32, #tpu.memory_space<hbm>>) target_semaphore(%run_scoped3A : memref<!tpu.dma_semaphore, #tpu.memory_space<semaphore_mem>>)
      %dma_wait3A = arith.constant 0 : i32
      %dma_wait3A_38 = arith.constant 0 : i32
      %dma_wait3A_39 = tpu.memref_slice %arg5[%arg0, %dma_wait3A, %dma_wait3A_38] : memref<2x10240x128xf32, #tpu.memory_space<hbm>> -> memref<1x10240x128xf32, #tpu.memory_space<hbm>>
      %dma_wait3A_40 = tpu.memref_squeeze %dma_wait3A_39 : memref<1x10240x128xf32, #tpu.memory_space<hbm>> -> memref<10240x128xf32, #tpu.memory_space<hbm>>
      %dma_wait3A_41 = arith.constant 0 : i32
      %dma_wait3A_42 = tpu.memref_slice %dma_wait3A_40[%mul3A_2, %dma_wait3A_41] : memref<10240x128xf32, #tpu.memory_space<hbm>> -> memref<632x128xf32, #tpu.memory_space<hbm>>
      %dma_wait3A_43 = arith.constant 0 : i32
      %dma_wait3A_44 = tpu.memref_slice %arg10[%mul3A_2, %dma_wait3A_43] : memref<10112x128xf32, #tpu.memory_space<vmem_shared>> -> memref<632x128xf32, #tpu.memory_space<vmem_shared>>
      tpu.wait_dma2 semaphore(%run_scoped3A : memref<!tpu.dma_semaphore, #tpu.memory_space<semaphore_mem>>) src(%dma_wait3A_44 : memref<632x128xf32, #tpu.memory_space<vmem_shared>>) dst(%dma_wait3A_42 : memref<632x128xf32, #tpu.memory_space<hbm>>)
      tpu.yield
    }) : () -> ()
    return
  }
}

module attributes {stable_mosaic.version = 14 : i64} {
  func.func @_mm_body(%arg0: i32, %arg1: memref<512x128xf32, #tpu.memory_space<vmem>>, %arg2: memref<128x128xf32, #tpu.memory_space<vmem>>, %arg3: memref<512x128xf32, #tpu.memory_space<vmem>>) attributes {dimension_semantics = [#tpu.dimension_semantics<arbitrary>], iteration_bounds = array<i64: 20>, scalar_prefetch = 0 : i64, scratch_operands = 0 : i64, tpu.core_type = #tpu.core_type<tc>, window_params = [{transform_indices = @transform_0, window_bounds = array<i64: 512, 128>}, {pipeline_mode = #tpu.pipeline_mode<synchronous>, transform_indices = @transform_1, window_bounds = array<i64: 128, 128>}, {transform_indices = @transform_2, window_bounds = array<i64: 512, 128>}]} {
    %get3A = arith.constant 0 : index
    %get3A_0 = arith.constant 0 : index
    %get3A_1 = vector.load %arg1[%get3A, %get3A_0] : memref<512x128xf32, #tpu.memory_space<vmem>>, vector<512x128xf32>
    %get3A_2 = arith.constant 0 : index
    %get3A_3 = arith.constant 0 : index
    %get3A_4 = vector.load %arg2[%get3A_2, %get3A_3] : memref<128x128xf32, #tpu.memory_space<vmem>>, vector<128x128xf32>
    %dot_general3A = arith.constant dense<0.000000e+00> : vector<512x128xf32>
    %dot_general3A_5 = tpu.matmul %get3A_1, %get3A_4, %dot_general3A {dimension_numbers = #tpu.dot_dimension_numbers<[1], [0], [0], [1], [0, 0, 1, 1], [], []>, transpose_lhs_hint = false} : vector<512x128xf32>, vector<128x128xf32>, vector<512x128xf32> -> vector<512x128xf32>
    %swap3A = arith.constant 0 : index
    %swap3A_6 = arith.constant 0 : index
    %swap3A_7 = vector.load %arg3[%swap3A, %swap3A_6] : memref<512x128xf32, #tpu.memory_space<vmem>>, vector<512x128xf32>
    tpu.vector_store %arg3[%swap3A, %swap3A_6], %dot_general3A_5 {strides = array<i32>} : memref<512x128xf32, #tpu.memory_space<vmem>>, vector<512x128xf32>,
    return
  }
  func.func @transform_0(%arg0: i32) -> (i32, i32) {
    %c0_i32 = arith.constant 0 : i32
    %c0_i32_0 = arith.constant 0 : i32
    return %arg0, %c0_i32 : i32, i32
  }
  func.func @transform_1(%arg0: i32) -> (i32, i32) {
    %c0_i32 = arith.constant 0 : i32
    %c0_i32_0 = arith.constant 0 : i32
    %c0_i32_1 = arith.constant 0 : i32
    return %c0_i32, %c0_i32_0 : i32, i32
  }
  func.func @transform_2(%arg0: i32) -> (i32, i32) {
    %c0_i32 = arith.constant 0 : i32
    %c0_i32_0 = arith.constant 0 : i32
    return %arg0, %c0_i32 : i32, i32
  }
}

module attributes {stable_mosaic.version = 14 : i64} {
  func.func @_prep_body(%arg0: i32, %arg1: memref<512x16xf32, #tpu.memory_space<vmem>>, %arg2: memref<512x16xf32, #tpu.memory_space<vmem>>, %arg3: memref<512x128xf32, #tpu.memory_space<vmem>>, %arg4: memref<512x128xf32, #tpu.memory_space<vmem>>, %arg5: memref<512x128xf32, #tpu.memory_space<vmem>>) attributes {dimension_semantics = [#tpu.dimension_semantics<arbitrary>], iteration_bounds = array<i64: 20>, scalar_prefetch = 0 : i64, scratch_operands = 0 : i64, tpu.core_type = #tpu.core_type<tc>, window_params = [{transform_indices = @transform_0, window_bounds = array<i64: 512, 16>}, {transform_indices = @transform_1, window_bounds = array<i64: 512, 16>}, {transform_indices = @transform_2, window_bounds = array<i64: 512, 128>}, {transform_indices = @transform_3, window_bounds = array<i64: 512, 128>}, {transform_indices = @transform_4, window_bounds = array<i64: 512, 128>}]} {
    %get3A = arith.constant 0 : index
    %get3A_0 = arith.constant 0 : index
    %get3A_1 = vector.load %arg1[%get3A, %get3A_0] : memref<512x16xf32, #tpu.memory_space<vmem>>, vector<512x16xf32>
    %slice3A = vector.extract_strided_slice %get3A_1 {offsets = [0, 0], sizes = [512, 1], strides = [1, 1]} : vector<512x16xf32> to vector<512x1xf32>
    %get3A_2 = arith.constant 0 : index
    %get3A_3 = arith.constant 0 : index
    %get3A_4 = vector.load %arg2[%get3A_2, %get3A_3] : memref<512x16xf32, #tpu.memory_space<vmem>>, vector<512x16xf32>
    %slice3A_5 = vector.extract_strided_slice %get3A_4 {offsets = [0, 0], sizes = [512, 1], strides = [1, 1]} : vector<512x16xf32> to vector<512x1xf32>
    %add3A = arith.addf %slice3A, %slice3A_5 : vector<512x1xf32>
    %add3A_6 = arith.constant 1.000000e+00 : f32
    %add3A_7 = vector.broadcast %add3A_6 : f32 to vector<512x1xf32>
    %add3A_8 = arith.addf %add3A, %add3A_7 : vector<512x1xf32>
    %rsqrt3A = math.rsqrt %add3A_8 : vector<512x1xf32>
    %broadcast_in_dim3A = vector.shape_cast %rsqrt3A : vector<512x1xf32> to vector<512x1xf32>
    %broadcast_in_dim3A_9 = vector.broadcast %broadcast_in_dim3A : vector<512x1xf32> to vector<512x128xf32>
    %swap3A = arith.constant 0 : index
    %swap3A_10 = arith.constant 0 : index
    %swap3A_11 = vector.load %arg4[%swap3A, %swap3A_10] : memref<512x128xf32, #tpu.memory_space<vmem>>, vector<512x128xf32>
    tpu.vector_store %arg4[%swap3A, %swap3A_10], %broadcast_in_dim3A_9 {strides = array<i32>} : memref<512x128xf32, #tpu.memory_space<vmem>>, vector<512x128xf32>,
    %get3A_12 = arith.constant 0 : index
    %get3A_13 = arith.constant 0 : index
    %get3A_14 = vector.load %arg3[%get3A_12, %get3A_13] : memref<512x128xf32, #tpu.memory_space<vmem>>, vector<512x128xf32>
    %mul3A = arith.mulf %get3A_14, %broadcast_in_dim3A_9 : vector<512x128xf32>
    %swap3A_15 = arith.constant 0 : index
    %swap3A_16 = arith.constant 0 : index
    %swap3A_17 = vector.load %arg5[%swap3A_15, %swap3A_16] : memref<512x128xf32, #tpu.memory_space<vmem>>, vector<512x128xf32>
    tpu.vector_store %arg5[%swap3A_15, %swap3A_16], %mul3A {strides = array<i32>} : memref<512x128xf32, #tpu.memory_space<vmem>>, vector<512x128xf32>,
    return
  }
  func.func @transform_0(%arg0: i32) -> (i32, i32) {
    %c0_i32 = arith.constant 0 : i32
    %c0_i32_0 = arith.constant 0 : i32
    return %arg0, %c0_i32 : i32, i32
  }
  func.func @transform_1(%arg0: i32) -> (i32, i32) {
    %c0_i32 = arith.constant 0 : i32
    %c0_i32_0 = arith.constant 0 : i32
    return %arg0, %c0_i32 : i32, i32
  }
  func.func @transform_2(%arg0: i32) -> (i32, i32) {
    %c0_i32 = arith.constant 0 : i32
    %c0_i32_0 = arith.constant 0 : i32
    return %arg0, %c0_i32 : i32, i32
  }
  func.func @transform_3(%arg0: i32) -> (i32, i32) {
    %c0_i32 = arith.constant 0 : i32
    %c0_i32_0 = arith.constant 0 : i32
    return %arg0, %c0_i32 : i32, i32
  }
  func.func @transform_4(%arg0: i32) -> (i32, i32) {
    %c0_i32 = arith.constant 0 : i32
    %c0_i32_0 = arith.constant 0 : i32
    return %arg0, %c0_i32 : i32, i32
  }
}

module attributes {stable_mosaic.version = 14 : i64} {
  func.func @_mid_body(%arg0: i32, %arg1: memref<512x128xf32, #tpu.memory_space<vmem>>, %arg2: memref<512x128xf32, #tpu.memory_space<vmem>>, %arg3: memref<512x128xf32, #tpu.memory_space<vmem>>, %arg4: memref<512x128xf32, #tpu.memory_space<vmem>>, %arg5: memref<512x128xf32, #tpu.memory_space<vmem>>, %arg6: memref<512x128xf32, #tpu.memory_space<vmem>>, %arg7: memref<1x128xf32, #tpu.memory_space<vmem>>, %arg8: memref<128x128xf32, #tpu.memory_space<vmem>>, %arg9: memref<512x128xf32, #tpu.memory_space<vmem>>) attributes {dimension_semantics = [#tpu.dimension_semantics<arbitrary>], iteration_bounds = array<i64: 20>, scalar_prefetch = 0 : i64, scratch_operands = 0 : i64, tpu.core_type = #tpu.core_type<tc>, window_params = [{transform_indices = @transform_0, window_bounds = array<i64: 512, 128>}, {transform_indices = @transform_1, window_bounds = array<i64: 512, 128>}, {transform_indices = @transform_2, window_bounds = array<i64: 512, 128>}, {transform_indices = @transform_3, window_bounds = array<i64: 512, 128>}, {transform_indices = @transform_4, window_bounds = array<i64: 512, 128>}, {transform_indices = @transform_5, window_bounds = array<i64: 512, 128>}, {pipeline_mode = #tpu.pipeline_mode<synchronous>, transform_indices = @transform_6, window_bounds = array<i64: 1, 128>}, {pipeline_mode = #tpu.pipeline_mode<synchronous>, transform_indices = @transform_7, window_bounds = array<i64: 128, 128>}, {transform_indices = @transform_8, window_bounds = array<i64: 512, 128>}]} {
    %get3A = arith.constant 0 : index
    %get3A_0 = arith.constant 0 : index
    %get3A_1 = vector.load %arg6[%get3A, %get3A_0] : memref<512x128xf32, #tpu.memory_space<vmem>>, vector<512x128xf32>
    %get3A_2 = arith.constant 0 : index
    %get3A_3 = arith.constant 0 : index
    %get3A_4 = vector.load %arg1[%get3A_2, %get3A_3] : memref<512x128xf32, #tpu.memory_space<vmem>>, vector<512x128xf32>
    %get3A_5 = arith.constant 0 : index
    %get3A_6 = arith.constant 0 : index
    %get3A_7 = vector.load %arg2[%get3A_5, %get3A_6] : memref<512x128xf32, #tpu.memory_space<vmem>>, vector<512x128xf32>
    %add3A = arith.addf %get3A_4, %get3A_7 : vector<512x128xf32>
    %get3A_8 = arith.constant 0 : index
    %get3A_9 = arith.constant 0 : index
    %get3A_10 = vector.load %arg3[%get3A_8, %get3A_9] : memref<512x128xf32, #tpu.memory_space<vmem>>, vector<512x128xf32>
    %add3A_11 = arith.addf %add3A, %get3A_10 : vector<512x128xf32>
    %get3A_12 = arith.constant 0 : index
    %get3A_13 = arith.constant 0 : index
    %get3A_14 = vector.load %arg4[%get3A_12, %get3A_13] : memref<512x128xf32, #tpu.memory_space<vmem>>, vector<512x128xf32>
    %add3A_15 = arith.addf %add3A_11, %get3A_14 : vector<512x128xf32>
    %get3A_16 = arith.constant 0 : index
    %get3A_17 = arith.constant 0 : index
    %get3A_18 = vector.load %arg5[%get3A_16, %get3A_17] : memref<512x128xf32, #tpu.memory_space<vmem>>, vector<512x128xf32>
    %add3A_19 = arith.addf %add3A_15, %get3A_18 : vector<512x128xf32>
    %mul3A = arith.mulf %add3A_19, %get3A_1 : vector<512x128xf32>
    %get3A_20 = arith.constant 0 : index
    %get3A_21 = arith.constant 0 : index
    %get3A_22 = vector.load %arg7[%get3A_20, %get3A_21] : memref<1x128xf32, #tpu.memory_space<vmem>>, vector<1x128xf32>
    %add3A_23 = vector.broadcast %get3A_22 : vector<1x128xf32> to vector<512x128xf32>
    %add3A_24 = arith.addf %mul3A, %add3A_23 : vector<512x128xf32>
    %max3A = arith.constant 0.000000e+00 : f32
    %max3A_25 = vector.broadcast %max3A : f32 to vector<512x128xf32>
    %max3A_26 = arith.maximumf %add3A_24, %max3A_25 : vector<512x128xf32>
    %get3A_27 = arith.constant 0 : index
    %get3A_28 = arith.constant 0 : index
    %get3A_29 = vector.load %arg8[%get3A_27, %get3A_28] : memref<128x128xf32, #tpu.memory_space<vmem>>, vector<128x128xf32>
    %dot_general3A = arith.constant dense<0.000000e+00> : vector<512x128xf32>
    %dot_general3A_30 = tpu.matmul %max3A_26, %get3A_29, %dot_general3A {dimension_numbers = #tpu.dot_dimension_numbers<[1], [0], [0], [1], [0, 0, 1, 1], [], []>, transpose_lhs_hint = false} : vector<512x128xf32>, vector<128x128xf32>, vector<512x128xf32> -> vector<512x128xf32>
    %mul3A_31 = arith.mulf %dot_general3A_30, %get3A_1 : vector<512x128xf32>
    %swap3A = arith.constant 0 : index
    %swap3A_32 = arith.constant 0 : index
    %swap3A_33 = vector.load %arg9[%swap3A, %swap3A_32] : memref<512x128xf32, #tpu.memory_space<vmem>>, vector<512x128xf32>
    tpu.vector_store %arg9[%swap3A, %swap3A_32], %mul3A_31 {strides = array<i32>} : memref<512x128xf32, #tpu.memory_space<vmem>>, vector<512x128xf32>,
    return
  }
  func.func @transform_0(%arg0: i32) -> (i32, i32) {
    %c0_i32 = arith.constant 0 : i32
    %c0_i32_0 = arith.constant 0 : i32
    return %arg0, %c0_i32 : i32, i32
  }
  func.func @transform_1(%arg0: i32) -> (i32, i32) {
    %c0_i32 = arith.constant 0 : i32
    %c0_i32_0 = arith.constant 0 : i32
    return %arg0, %c0_i32 : i32, i32
  }
  func.func @transform_2(%arg0: i32) -> (i32, i32) {
    %c0_i32 = arith.constant 0 : i32
    %c0_i32_0 = arith.constant 0 : i32
    return %arg0, %c0_i32 : i32, i32
  }
  func.func @transform_3(%arg0: i32) -> (i32, i32) {
    %c0_i32 = arith.constant 0 : i32
    %c0_i32_0 = arith.constant 0 : i32
    return %arg0, %c0_i32 : i32, i32
  }
  func.func @transform_4(%arg0: i32) -> (i32, i32) {
    %c0_i32 = arith.constant 0 : i32
    %c0_i32_0 = arith.constant 0 : i32
    return %arg0, %c0_i32 : i32, i32
  }
  func.func @transform_5(%arg0: i32) -> (i32, i32) {
    %c0_i32 = arith.constant 0 : i32
    %c0_i32_0 = arith.constant 0 : i32
    return %arg0, %c0_i32 : i32, i32
  }
  func.func @transform_6(%arg0: i32) -> (i32, i32) {
    %c0_i32 = arith.constant 0 : i32
    %c0_i32_0 = arith.constant 0 : i32
    %c0_i32_1 = arith.constant 0 : i32
    return %c0_i32, %c0_i32_0 : i32, i32
  }
  func.func @transform_7(%arg0: i32) -> (i32, i32) {
    %c0_i32 = arith.constant 0 : i32
    %c0_i32_0 = arith.constant 0 : i32
    %c0_i32_1 = arith.constant 0 : i32
    return %c0_i32, %c0_i32_0 : i32, i32
  }
  func.func @transform_8(%arg0: i32) -> (i32, i32) {
    %c0_i32 = arith.constant 0 : i32
    %c0_i32_0 = arith.constant 0 : i32
    return %arg0, %c0_i32 : i32, i32
  }
}

module attributes {stable_mosaic.version = 14 : i64} {
  func.func @_fin_body(%arg0: i32, %arg1: memref<512x128xf32, #tpu.memory_space<vmem>>, %arg2: memref<512x128xf32, #tpu.memory_space<vmem>>, %arg3: memref<512x128xf32, #tpu.memory_space<vmem>>, %arg4: memref<512x128xf32, #tpu.memory_space<vmem>>, %arg5: memref<512x128xf32, #tpu.memory_space<vmem>>, %arg6: memref<512x128xf32, #tpu.memory_space<vmem>>, %arg7: memref<1x128xf32, #tpu.memory_space<vmem>>, %arg8: memref<512x128xf32, #tpu.memory_space<vmem>>) attributes {dimension_semantics = [#tpu.dimension_semantics<arbitrary>], iteration_bounds = array<i64: 20>, scalar_prefetch = 0 : i64, scratch_operands = 0 : i64, tpu.core_type = #tpu.core_type<tc>, window_params = [{transform_indices = @transform_0, window_bounds = array<i64: 512, 128>}, {transform_indices = @transform_1, window_bounds = array<i64: 512, 128>}, {transform_indices = @transform_2, window_bounds = array<i64: 512, 128>}, {transform_indices = @transform_3, window_bounds = array<i64: 512, 128>}, {transform_indices = @transform_4, window_bounds = array<i64: 512, 128>}, {transform_indices = @transform_5, window_bounds = array<i64: 512, 128>}, {pipeline_mode = #tpu.pipeline_mode<synchronous>, transform_indices = @transform_6, window_bounds = array<i64: 1, 128>}, {transform_indices = @transform_7, window_bounds = array<i64: 512, 128>}]} {
    %get3A = arith.constant 0 : index
    %get3A_0 = arith.constant 0 : index
    %get3A_1 = vector.load %arg1[%get3A, %get3A_0] : memref<512x128xf32, #tpu.memory_space<vmem>>, vector<512x128xf32>
    %get3A_2 = arith.constant 0 : index
    %get3A_3 = arith.constant 0 : index
    %get3A_4 = vector.load %arg2[%get3A_2, %get3A_3] : memref<512x128xf32, #tpu.memory_space<vmem>>, vector<512x128xf32>
    %add3A = arith.addf %get3A_1, %get3A_4 : vector<512x128xf32>
    %get3A_5 = arith.constant 0 : index
    %get3A_6 = arith.constant 0 : index
    %get3A_7 = vector.load %arg3[%get3A_5, %get3A_6] : memref<512x128xf32, #tpu.memory_space<vmem>>, vector<512x128xf32>
    %add3A_8 = arith.addf %add3A, %get3A_7 : vector<512x128xf32>
    %get3A_9 = arith.constant 0 : index
    %get3A_10 = arith.constant 0 : index
    %get3A_11 = vector.load %arg4[%get3A_9, %get3A_10] : memref<512x128xf32, #tpu.memory_space<vmem>>, vector<512x128xf32>
    %add3A_12 = arith.addf %add3A_8, %get3A_11 : vector<512x128xf32>
    %get3A_13 = arith.constant 0 : index
    %get3A_14 = arith.constant 0 : index
    %get3A_15 = vector.load %arg5[%get3A_13, %get3A_14] : memref<512x128xf32, #tpu.memory_space<vmem>>, vector<512x128xf32>
    %add3A_16 = arith.addf %add3A_12, %get3A_15 : vector<512x128xf32>
    %get3A_17 = arith.constant 0 : index
    %get3A_18 = arith.constant 0 : index
    %get3A_19 = vector.load %arg6[%get3A_17, %get3A_18] : memref<512x128xf32, #tpu.memory_space<vmem>>, vector<512x128xf32>
    %mul3A = arith.mulf %add3A_16, %get3A_19 : vector<512x128xf32>
    %get3A_20 = arith.constant 0 : index
    %get3A_21 = arith.constant 0 : index
    %get3A_22 = vector.load %arg7[%get3A_20, %get3A_21] : memref<1x128xf32, #tpu.memory_space<vmem>>, vector<1x128xf32>
    %add3A_23 = vector.broadcast %get3A_22 : vector<1x128xf32> to vector<512x128xf32>
    %add3A_24 = arith.addf %mul3A, %add3A_23 : vector<512x128xf32>
    %swap3A = arith.constant 0 : index
    %swap3A_25 = arith.constant 0 : index
    %swap3A_26 = vector.load %arg8[%swap3A, %swap3A_25] : memref<512x128xf32, #tpu.memory_space<vmem>>, vector<512x128xf32>
    tpu.vector_store %arg8[%swap3A, %swap3A_25], %add3A_24 {strides = array<i32>} : memref<512x128xf32, #tpu.memory_space<vmem>>, vector<512x128xf32>,
    return
  }
  func.func @transform_0(%arg0: i32) -> (i32, i32) {
    %c0_i32 = arith.constant 0 : i32
    %c0_i32_0 = arith.constant 0 : i32
    return %arg0, %c0_i32 : i32, i32
  }
  func.func @transform_1(%arg0: i32) -> (i32, i32) {
    %c0_i32 = arith.constant 0 : i32
    %c0_i32_0 = arith.constant 0 : i32
    return %arg0, %c0_i32 : i32, i32
  }
  func.func @transform_2(%arg0: i32) -> (i32, i32) {
    %c0_i32 = arith.constant 0 : i32
    %c0_i32_0 = arith.constant 0 : i32
    return %arg0, %c0_i32 : i32, i32
  }
  func.func @transform_3(%arg0: i32) -> (i32, i32) {
    %c0_i32 = arith.constant 0 : i32
    %c0_i32_0 = arith.constant 0 : i32
    return %arg0, %c0_i32 : i32, i32
  }
  func.func @transform_4(%arg0: i32) -> (i32, i32) {
    %c0_i32 = arith.constant 0 : i32
    %c0_i32_0 = arith.constant 0 : i32
    return %arg0, %c0_i32 : i32, i32
  }
  func.func @transform_5(%arg0: i32) -> (i32, i32) {
    %c0_i32 = arith.constant 0 : i32
    %c0_i32_0 = arith.constant 0 : i32
    return %arg0, %c0_i32 : i32, i32
  }
  func.func @transform_6(%arg0: i32) -> (i32, i32) {
    %c0_i32 = arith.constant 0 : i32
    %c0_i32_0 = arith.constant 0 : i32
    %c0_i32_1 = arith.constant 0 : i32
    return %c0_i32, %c0_i32_0 : i32, i32
  }
  func.func @transform_7(%arg0: i32) -> (i32, i32) {
    %c0_i32 = arith.constant 0 : i32
    %c0_i32_0 = arith.constant 0 : i32
    return %arg0, %c0_i32 : i32, i32
  }
}

</mosaic_0001>

<sc_bundles>
// kernel: kernel.11.cloned.1.call-start
scs
__scs_entry_jumppad:
0x0: {  	(pc) =	sbr.rel $0x88, $3  }
0x1: {  	(tag) =	ssettag $0x0;
	lr =	simm.s32 $0x1  }
0x2: {  	[smem:$0x3F9B] =	sst lr;
	_ =	strace $0xD0000000  }
0x3: {  	_ = 	snop  }
0x4: {  	_ = 	snop  }
0x5: {  	_ = 	snop  }
0x6: {  	_ = 	snop  }
0x7: {  	_ = 	snop  }
__scs_overlays_trampoline_lowered:
0x8: {  	[smem:$0x3FAA] =	sst s0  }
0x9: {  	[smem:$0x3FAB] =	sst s1  }
0xa: {  	[smem:$0x3FAC] =	sst s2  }
0xb: {  	[smem:$0x3FAD] =	sst s3  }
0xc: {  	[smem:$0x3FAE] =	sst s4  }
0xd: {  	[smem:$0x3FAF] =	sst s5  }
0xe: {  	[smem:$0x3FB0] =	sst s6  }
0xf: {  	[smem:$0x3FB1] =	sst s7  }
0x10: {  	[smem:$0x3FB2] =	sst s8  }
0x11: {  	[smem:$0x3FB3] =	sst s9;
	s0 =	simm.s32 @!p0 $0x0  }
0x12: {  	s1 =	sld [smem:$0x3F99];
	s0 =	simm.s32 @p0 $0x1  }
0x13: {  	[smem:$0x3FB4] =	sst s0;
	s0 =	simm.s32 @!p1 $0x0  }
0x14: {  	s2 =	sld [smem:$0x3F98];
	s0 =	simm.s32 @p1 $0x1  }
0x15: {  	[smem:$0x3FB5] =	sst s0;
	s0 =	simm.s32 @!p2 $0x0  }
0x16: {  	s3 =	sld [smem:$0x3FDB];
	s0 =	simm.s32 @p2 $0x1  }
0x17: {  	s4 =	simm.s32 $0x1BF5;
	[smem:$0x3FB7] =	sst s0  }
0x18: {  	s0 =	sld [smem:$0x3F9A];
	_ =	swait.ge [sflag:s4], $0x0  }
0x19: {  	s7 =	sld [smem:$0x3F9B]  }
0x1a: {  	s8 =	sadd.s32 $0xFFFFE003, lr  }
0x1b: {  	s9 =	sadd.s32 $0xFFFFFEF7, lr;
	s5 =	simm.s32 $0xFFFFFFFF;
	p2 =	slt.u32 s8, $0xFFFFF086  }
0x1c: {  	p1 =	slt.u32 s9, $0xF7A;
	s5 =	simm.s32 @!p2 $0x0  }
0x1d: {  	s5 =	simm.s32 @p1 $0x1;
	p0 =	seq.s32 s7, s2  }
0x1e: {  	s7 =	smul.u32 @!p0 $0xF7A, s2;
	p2 =	seq.s32 @!p0 s5, $0x0  }
0x1f: {  	s9 =	smul.u32 $0xF7A, s1;
	s8 =	simm.s32 @!p0 $0x1BF5;
	p2 =	por !p2, p0  }
0x20: {  	[sflag:s8] =	ssyncset.s32 @!p0 $0xFFFFF086;
	s6 =	sadd.s32 @!p0 s3, s7;
	s7 =	simm.s32 @!p0 $0x108  }
0x21: {  	s3 =	sadd.s32 s3, s9;
	s6 =	sadd.s32 @!p0 $0x88, s6;
	s7 =	simm.s32 @p2 $0x1082  }
0x22: {  	[simem:s7], [sflag:s8] =	dma.local @!p0 [hbm:s6], $0xF7A  }
0x23: {  	s9 =	sor.u32 $0xD0000000, s2;
	s6 =	simm.s32 $0x108;
	_ =	swait.ge @!p0 [sflag:s8], $0x0  }
0x24: {  	s3 =	sadd.s32 $0x88, s3;
	s6 =	simm.s32 @!p1 $0x1082;
	[sflag:s4] =	ssyncset.s32 $0xFFFFF086  }
0x25: {  	[simem:s6], [sflag:s4] =	dma.local [hbm:s3], $0xF7A  }
0x26: {  	[smem:$0x3F9B] =	sst s1;
	(tag) =	ssettag s2;
	_ =	strace s9  }
0x27: {  	s1 =	sld [smem:$0x3FAB]  }
0x28: {  	s2 =	sld [smem:$0x3FAC]  }
0x29: {  	s4 =	sld [smem:$0x3FAE]  }
0x2a: {  	p0 =	seq.s32 s5, $0x0;
	s5 =	sld [smem:$0x3FAF]  }
0x2b: {  	s6 =	sld [smem:$0x3FB0]  }
0x2c: {  	s7 =	sld [smem:$0x3FB1]  }
0x2d: {  	s3 =	simm.s32 $0x108;
	s8 =	sld [smem:$0x3FB2]  }
0x2e: {  	s3 =	simm.s32 @!p0 $0x1082;
	s9 =	sld [smem:$0x3FB3]  }
0x2f: {  	lr =	sadd.s32 s0, s3;
	s0 =	sld [smem:$0x3FAA]  }
0x30: {  	s3 =	sld [smem:$0x3FAD]  }
0x31: {  	[smem:$0x3FB6] =	sst s10  }
0x32: {  	s10 =	sld [smem:$0x3FB4];
	_ =	sdelay $0x3  }
0x33: {  	p0 =	seq.s32 s10, $0x1;
	s10 =	sld [smem:$0x3FB6];
	_ =	sdelay $0x3  }
0x34: {  	[smem:$0x3FB6] =	sst s10  }
0x35: {  	s10 =	sld [smem:$0x3FB5];
	_ =	sdelay $0x3  }
0x36: {  	p1 =	seq.s32 s10, $0x1;
	s10 =	sld [smem:$0x3FB6];
	_ =	sdelay $0x3  }
0x37: {  	[smem:$0x3FB6] =	sst s10  }
0x38: {  	s10 =	sld [smem:$0x3FB7]  }
0x39: {  	_ = 	snop;
	(pc) =	sbr.ind lr, $3  }
0x3a: {  	_ = 	snop  }
0x3b: {  	_ = 	snop  }
0x3c: {  	p2 =	seq.s32 s10, $0x1;
	s10 =	sld [smem:$0x3FB6]  }
0x3d: {  	_ =	shalt  }
0x3e: {  	_ =	shalt  }
0x3f: {  	_ =	shalt  }
0x40: {  	_ =	shalt  }
0x41: {  	_ =	shalt  }
0x42: {  	_ =	shalt  }
0x43: {  	_ =	shalt  }
0x44: {  	_ =	shalt  }
0x45: {  	_ =	shalt  }
0x46: {  	_ =	shalt  }
0x47: {  	_ =	shalt  }
0x48: {  	_ =	shalt  }
0x49: {  	_ =	shalt  }
0x4a: {  	_ =	shalt  }
0x4b: {  	_ =	shalt  }
0x4c: {  	_ =	shalt  }
0x4d: {  	_ =	shalt  }
0x4e: {  	_ =	shalt  }
0x4f: {  	_ =	shalt  }
0x50: {  	_ =	shalt  }
0x51: {  	_ =	shalt  }
0x52: {  	_ =	shalt  }
0x53: {  	_ =	shalt  }
0x54: {  	_ =	shalt  }
0x55: {  	_ =	shalt  }
0x56: {  	_ =	shalt  }
0x57: {  	_ =	shalt  }
0x58: {  	_ =	shalt  }
0x59: {  	_ =	shalt  }
0x5a: {  	_ =	shalt  }
0x5b: {  	_ =	shalt  }
0x5c: {  	_ =	shalt  }
0x5d: {  	_ =	shalt  }
0x5e: {  	_ =	shalt  }
0x5f: {  	_ =	shalt  }
0x60: {  	_ =	shalt  }
0x61: {  	_ =	shalt  }
0x62: {  	_ =	shalt  }
0x63: {  	_ =	shalt  }
0x64: {  	_ =	shalt  }
0x65: {  	_ =	shalt  }
0x66: {  	_ =	shalt  }
0x67: {  	_ =	shalt  }
0x68: {  	_ =	shalt  }
0x69: {  	_ =	shalt  }
0x6a: {  	_ =	shalt  }
0x6b: {  	_ =	shalt  }
0x6c: {  	_ =	shalt  }
0x6d: {  	_ =	shalt  }
0x6e: {  	_ =	shalt  }
0x6f: {  	_ =	shalt  }
0x70: {  	_ =	shalt  }
0x71: {  	_ =	shalt  }
0x72: {  	_ =	shalt  }
0x73: {  	_ =	shalt  }
0x74: {  	_ =	shalt  }
0x75: {  	_ =	shalt  }
0x76: {  	_ =	shalt  }
0x77: {  	_ =	shalt  }
0x78: {  	_ =	shalt  }
0x79: {  	_ =	shalt  }
0x7a: {  	_ =	shalt  }
0x7b: {  	_ =	shalt  }
0x7c: {  	_ =	shalt  }
0x7d: {  	_ =	shalt  }
0x7e: {  	_ =	shalt  }
0x7f: {  	_ =	shalt  }
0x80: {  	_ =	shalt  }
0x81: {  	_ =	shalt  }
0x82: {  	_ =	shalt  }
0x83: {  	_ =	shalt  }
0x84: {  	_ =	shalt  }
0x85: {  	_ =	shalt  }
0x86: {  	_ =	shalt  }
0x87: {  	_ =	shalt  }
.Lfunc_end0:
.L_simem_size_0:
called_computation_lowered:
.L_overlay_start_0:
0x88: {  	s2 =	sld [smem:$0x3FD9]  }
0x89: {  	s3 =	sld [smem:$0x3FFE];
	_ =	sdelay $0x1  }
0x8a: {  	s1 =	srdreg.scid  }
0x8b: {  	s0 =	sand.u32 $0x1, s1  }
0x8c: {  	s17 =	sshll.u32 s0, $0xA;
	s2 =	sadd.s32 s3, s2  }
0x8d: {  	s2 =	sadd.s32 s2, s17  }
0x8e: {  	[smem:$0x3FC2] =	sst s2  }
0x8f: {  	_ = 	snop  }
0x90: {  	s2 =	sld [smem:$0x3FD0];
	(tm) =	ssettm $0x1  }
0x91: {  	s18 =	sld [smem:$0x3FFB];
	_ =	sdelay $0x3  }
0x92: {  	_ =	strace s18  }
0x93: {  	s3 =	sld [smem:$0x3FFC];
	_ =	sdelay $0x3  }
0x94: {  	_ =	strace s3  }
0x95: {  	s3 =	sld [smem:$0x3FFD];
	_ =	sdelay $0x3  }
0x96: {  	_ =	strace s3  }
0x97: {  	_ =	strace $0x8FFFFFFF  }
0x98: {  	s19 =	sld [smem:$0x3FDB];
	_ =	sdelay $0x1  }
0x99: {  	s4 =	simm.s32 $_scs_section_size  }
0x9a: {  	s5 =	simm.s32 $_size__tile_overlayer_lowered;
	s6 =	simm.s32 $_tile_overlayer_lowered  }
0x9b: {  	s22 =	simm.s32 $0x1BFF;
	s21 =	sshll.u32 s6, $0x1;
	s3 =	sadd.s32 s4, s19  }
0x9c: {  	s7 =	simm.s32 $0x0;
	s20 =	sshll.u32 s5, $0x1;
	s5 =	sadd.s32 s21, s3  }
0x9d: {  	[timem:s7], [sflag:s22] =	dma.local [hbm:s5], s20  }
0x9e: {  	_ =	swait.ge [sflag:s22], s20  }
0x9f: {  	s4 =	ssub.s32 $0x0, s20;
	[sflag:s22] =	ssyncset.done $0x0  }
0xa0: {  	[sflag:s22] =	ssyncadd.s32 s4;
	_ =	sdelay $0x1  }
0xa1: {  	s23 =	simm.s32 $0x1B8B  }
0xa2: {  	_ =	swait.ge [sflag:s23], $0x1  }
0xa3: {  	[sflag:s23] =	ssyncset.done $0x0  }
0xa4: {  	s25 =	simm.s32 $0x1B8E;
	s24 =	sld [smem:$0x3FFE];
	[sflag:s23] =	ssyncadd.s32 $0xFFFFFFFF  }
0xa5: {  	s26 =	simm.s32 $execute0_lowered;
	[smem:$0x3FD2] =	sst s25  }
0xa6: {  	s5 =	sshll.u32 s26, $0x1;
	_ =	strace $0x80000046;
	[dreg:$0x1] =	wrdreg $0xFFFFFFFF  }
0xa7: {  	s28 =	simm.s32 $_size_execute0_lowered;
	s3 =	sadd.s32 s3, s5;
	[dreg:$0x0] =	wrdreg $0x0  }
0xa8: {  	s5 =	sshll.u32 s28, $0x1;
	[dreg:$0x2] =	wrdreg s3  }
0xa9: {  	[dreg:$0x3] =	wrdreg s5  }
0xaa: {  	[dreg:$0x4] =	wrdreg $0xC0  }
0xab: {  	_ =	task [dreg:s7], $0x5FFFF  }
0xac: {  	[dreg:$0x1] =	wrdreg $0xFFFFFFFF  }
0xad: {  	[dreg:$0x0] =	wrdreg $0x60  }
0xae: {  	[dreg:$0x2] =	wrdreg s2  }
0xaf: {  	[dreg:$0x3] =	wrdreg s24  }
0xb0: {  	[dreg:$0x4] =	wrdreg $0x68000  }
0xb1: {  	[dreg:$0x5] =	wrdreg $0x9  }
0xb2: {  	_ =	task.clear_ibuf [dreg:s7], $0x6FFFF;
	_ =	strace $0x90000046  }
0xb3: {  	s29 =	simm.s32 $0x9;
	_ =	strace $0x80000048  }
0xb4: {  	_ =	swait.ge [sflag:s29], $0x1  }
0xb5: {  	[sflag:s29] =	ssyncadd.s32 $0xFFFFFFFF  }
0xb6: {  	_ =	strace $0x90000048  }
0xb7: {  	_ =	sfence  }
0xb8: {  	s30 =	sld [smem:$0x0];
	_ =	sdelay $0x2  }
0xb9: {  	s31 =	sshll.u32 s1, $0xD;
	s1 =	sshrl.u32 s1, $0x2  }
0xba: {  	s3 =	sand.u32 $0x4000, s31;
	s1 =	sadd.s32 s1, s30  }
0xbb: {  	s0 =	sor.u32 s3, s0;
	s1 =	sshll.u32 s1, $0x11  }
0xbc: {  	s0 =	sor.u32 s1, s0  }
0xbd: {  	s0 =	sadd.s32 $0x8F2B, s0  }
0xbe: {  	[sflag:s0] =	ssyncadd.remote.s32 $0x1  }
0xbf: {  	_ =	sfence.sel $0xFFFF  }
0xc0: {  	[dreg:$0x0] =	wrdreg $0xFFFFFFFF;
	(pc) =	sbr.abs _section_cstart, $3  }
0xc1: {  	[dreg:$0x1] =	wrdreg $0xFFFFFFFF  }
0xc2: {  	_ =	task.clear_ibuf [dreg:s7], $0x2FFFF;
	_ =	strace $0x9FFFFFFF  }
0xc3: {  	(tm) =	ssettm $0x7FFFFFFF  }
tec
execute0_lowered:
.L_overlay_start_1:
0x0: {  	(tag) =	ssettag $0x1  }
0x1: {  	s9 =	rddreg [dreg:$0x0]  }
0x2: {  	s4 =	rddreg [dreg:$0x1]  }
0x3: {  	s1 =	rddreg [dreg:$0x2]  }
0x4: {  	s0 =	rddreg [dreg:$0x3];
	s2 =	simm.s32 $0x0;
	s3 =	srdreg.scid  }
0x5: {  	s13 =	simm.s32 $0x80;
	[smem:$0x7FF] =	sst s2;
	s5 =	sand.u32 $0x1, s3  }
0x6: {  	s3 =	stileid.u32;
	s6 =	smul.u32 $0x28000, s5;
	_ =	strace $0x80000047  }
0x7: {  	s7 =	smul.u32 $0x50000, s3;
	s29 =	ssub.s32 $0x2, s5;
	s30 =	sshll.u32 s3, $0x1  }
0x8: {  	s15 =	smul.u32 $0x2800, s3;
	s16 =	sshll.u32 s3, $0x6;
	s8 =	sshrl.u32 s29, $0x1  }
0x9: {  	s5 =	sor.u32 s5, s30;
	s10 =	sadd.s32 s6, s4;
	s31 =	sshrl.u32 s7, $0x2  }
0xa: {  	s11 =	ssub.s32 s29, s8;
	s12 =	smul.u32 $0x500, s5;
	s4 =	sadd.s32 s31, s1  }
0xb: {  	s14 =	sadd.s32 $0xD200, s10;
	s10 =	smax.u32 s11, $0x1;
	s11 =	simm.s32 $0x2800  }
0xc: {  	s5 =	sadd.s32 $0x4000, s4;
	s6 =	sadd.s32 $0x8000, s4;
	s7 =	sadd.s32 $0xC000, s4  }
0xd: {  	s8 =	sadd.s32 $0x10000, s4;
	s9 =	sadd.s32 s9, s12;
	s12 =	simm.s32 $0x1  }
0xe: {  	v0 =	vimm.f32 $0.0e+00;
	v1 =	vimm.f32 $1.000000000e+00;
	s14 =	sadd.s32 s15, s14;
	s15 =	sor.u32 $0x1C01, s16;
	s16 =	sshrl.u32 s4, $0x3  }
.LBB2_1:
0xf: {  	s17 =	simm.s32 $0x200;
	s18 =	simm.s32 $0x0  }
.LBB2_2:
0x10: {  	p0 =	sne.s32 s17, $0xFE00;
	[tilespmem:s18+$0x2800] =	vst v0;
	s18 =	smov.u32 s17;
	s17 =	sadd.s32 $0x200, s17  }
.Ltmp0:
0x11: {  	(pc) =	sbr.rel @p0 .LBB2_2-.Ltmp0, $2  }
0x12: {  	_ =	sdelay $0x2  }
0x13: {  	s18 =	sshra.s32 s18, $0x2  }
0x14: {  	[tilespmem:s18+$0x2800] =	vst v0  }
0x15: {  	[spmem:s4] =	stream.linear.scatter [tilespmem:s11], [sflag:$0x1], $0x4000, $0x38;
	[tilespmem:$0x9000] =	vst v63  }
0x16: {  	_ =	swait.ge [sflag:s12], $0x4000  }
0x17: {  	[sflag:s12] =	ssyncset.done $0x0  }
0x18: {  	[sflag:s12] =	ssyncadd.s32 $0xFFFFC000  }
0x19: {  	[spmem:s5] =	stream.linear.scatter [tilespmem:s11], [sflag:$0x1], $0x4000, $0x38;
	[tilespmem:$0x9000] =	vst v63  }
0x1a: {  	_ =	swait.ge [sflag:s12], $0x4000  }
0x1b: {  	[sflag:s12] =	ssyncset.done $0x0  }
0x1c: {  	[sflag:s12] =	ssyncadd.s32 $0xFFFFC000  }
0x1d: {  	[spmem:s6] =	stream.linear.scatter [tilespmem:s11], [sflag:$0x1], $0x4000, $0x38;
	[tilespmem:$0x9000] =	vst v63  }
0x1e: {  	_ =	swait.ge [sflag:s12], $0x4000  }
0x1f: {  	[sflag:s12] =	ssyncset.done $0x0  }
0x20: {  	[sflag:s12] =	ssyncadd.s32 $0xFFFFC000  }
0x21: {  	[spmem:s7] =	stream.linear.scatter [tilespmem:s11], [sflag:$0x1], $0x4000, $0x38;
	[tilespmem:$0x9000] =	vst v63  }
0x22: {  	_ =	swait.ge [sflag:s12], $0x4000  }
0x23: {  	[sflag:s12] =	ssyncset.done $0x0  }
0x24: {  	[sflag:s12] =	ssyncadd.s32 $0xFFFFC000  }
0x25: {  	[spmem:s8] =	stream.linear.scatter [tilespmem:s11], [sflag:$0x1], $0x4000, $0x38;
	[tilespmem:$0x9000] =	vst v63  }
0x26: {  	_ =	swait.ge [sflag:s12], $0x4000  }
0x27: {  	[sflag:s12] =	ssyncset.done $0x0  }
0x28: {  	s17 =	simm.s32 $0x0;
	[sflag:s12] =	ssyncadd.s32 $0xFFFFC000  }
0x29: {  	[tilespmem:s17], [sflag:$0x1] =	stream.linear.gather [hbm4b:s9+s17], $0x2800, $0x38;
	[tilespmem:$0x9000] =	vst v63  }
0x2a: {  	_ =	swait.ge [sflag:s12], $0x2800  }
0x2b: {  	[sflag:s12] =	ssyncset.done $0x0  }
0x2c: {  	s18 =	simm.s32 $0x0;
	s17 =	simm.s32 $0x200;
	[sflag:s12] =	ssyncadd.s32 $0xFFFFD800  }
.LBB2_4:
0x2d: {  	p0 =	sne.s32 s17, $0xFE00;
	[tilespmem:s18+$0x2800] =	vst v1;
	s18 =	smov.u32 s17;
	s17 =	sadd.s32 $0x200, s17  }
.Ltmp1:
0x2e: {  	(pc) =	sbr.rel @p0 .LBB2_4-.Ltmp1, $2  }
0x2f: {  	_ =	sdelay $0x2  }
0x30: {  	s18 =	sshra.s32 s18, $0x2  }
0x31: {  	[tilespmem:s18+$0x2800] =	vst v1  }
0x32: {  	s17 =	simm.s32 $0x0;
	[bflag:$0x0] =	sbarrier.arrive $0xFFFF  }
0x33: {  	[spmem:s1] =	stream.indirect.scatter.add.f32 [tilespmem:s11], [sflag:$0x1], $0x10, s17, s13, $0xb8;
	[tilespmem:$0x9000] =	vst v63  }
0x34: {  	_ =	swait.ge [sflag:s12], $0x800  }
0x35: {  	s17 =	simm.s32 $0x200;
	[sflag:s12] =	ssyncset.done $0x0  }
.LBB2_6:
0x36: {  	s18 =	sshra.s32 s17, $0x2;
	[sflag:s12] =	ssyncadd.s32 $0xFFFFF800;
	p0 =	sne.s32 s17, $0x9E00  }
0x37: {  	[spmem:s1] =	stream.indirect.scatter.add.f32 [tilespmem:s11], [sflag:$0x1], $0x10, s18, s13, $0xb8;
	[tilespmem:$0x9000] =	vst v63  }
.Ltmp2:
0x38: {  	_ = 	snop;
	(pc) =	sbr.rel @p0 .LBB2_6-.Ltmp2, $4  }
0x39: {  	_ = 	snop  }
0x3a: {  	s17 =	sadd.s32 $0x200, s17  }
0x3b: {  	_ =	swait.ge [sflag:s12], $0x800  }
0x3c: {  	[sflag:s12] =	ssyncset.done $0x0  }
0x3d: {  	s2 =	sadd.s32 $0x1, s2  }
0x3e: {  	[sflag:s12] =	ssyncadd.s32 $0xFFFFF800;
	p0 =	sne.s32 s2, s10  }
.Ltmp3:
0x3f: {  	[bflag:$0x0] =	sbarrier.arrive $0xFFFF;
	(pc) =	sbr.rel @p0 .LBB2_1-.Ltmp3, $4  }
0x40: {  	[hbm:s14], [sflag:s15] =	dma.local [spmem:s16], $0x2800  }
0x41: {  	_ =	swait.ge [sflag:s12], $0x2800  }
0x42: {  	[sflag:s12] =	ssyncset.done $0x0  }
0x43: {  	[sflag:s12] =	ssyncadd.s32 $0xFFFFD800  }
0x44: {  	_ =	sfence.sel $0x180000  }
0x45: {  	[bflag:$0x0] =	sbarrier.arrive $0xFFFF  }
0x46: {  	p0 =	sne.s32 s3, $0x0;
	_ =	strace $0x90000047  }
0x47: {  	s0 =	sadd.s32 @!p0 $0x100000, s0;
	[bflag:$0x2] =	sbarrier.arrive $0xFFFF  }
0x48: {  	[sflag:s0] =	ssyncadd.tile.s32 @!p0 $0x1;
	_ =	shalt  }
.Lfunc_end2:
_tile_overlayer_lowered:
.L_overlay_start_2:
0x49: {  	(tag) =	ssettag $0x2  }
0x4a: {  	s0 =	rddreg [dreg:$0x0];
	s2 =	stileid.u32  }
0x4b: {  	s1 =	rddreg [dreg:$0x1];
	p0 =	sne.s32 s2, $0x0  }
0x4c: {  	s3 =	rddreg [dreg:$0x2];
	[bflag:$0x3] =	sbarrier.arrive $0xFFFF;
	s2 =	simm.s32 @!p0 $0x1C01  }
0x4d: {  	[timem:s3], [sflag:s2] =	dma.local @!p0 [hbm:s0], s1  }
0x4e: {  	s0 =	simm.s32 @!p0 $0x1  }
0x4f: {  	_ =	swait.ge @!p0 [sflag:s0], s1  }
0x50: {  	s1 =	ssub.s32 @!p0 $0x0, s1;
	[sflag:s0] =	ssyncset.done @!p0 $0x0  }
0x51: {  	[sflag:s0] =	ssyncadd.s32 @!p0 s1  }
0x52: {  	[bflag:$0x3] =	sbarrier.arrive $0xFFFF  }
0x53: {  	_ =	shalt  }

// kernel: kernel.14.cloned.1.call-start
scs
__scs_entry_jumppad:
0x0: {  	(pc) =	sbr.rel $0x88, $3  }
0x1: {  	(tag) =	ssettag $0x0;
	lr =	simm.s32 $0x1  }
0x2: {  	[smem:$0x3F9B] =	sst lr;
	_ =	strace $0xD0000000  }
0x3: {  	_ = 	snop  }
0x4: {  	_ = 	snop  }
0x5: {  	_ = 	snop  }
0x6: {  	_ = 	snop  }
0x7: {  	_ = 	snop  }
__scs_overlays_trampoline_lowered:
0x8: {  	[smem:$0x3FAA] =	sst s0  }
0x9: {  	[smem:$0x3FAB] =	sst s1  }
0xa: {  	[smem:$0x3FAC] =	sst s2  }
0xb: {  	[smem:$0x3FAD] =	sst s3  }
0xc: {  	[smem:$0x3FAE] =	sst s4  }
0xd: {  	[smem:$0x3FAF] =	sst s5  }
0xe: {  	[smem:$0x3FB0] =	sst s6  }
0xf: {  	[smem:$0x3FB1] =	sst s7  }
0x10: {  	[smem:$0x3FB2] =	sst s8  }
0x11: {  	[smem:$0x3FB3] =	sst s9;
	s0 =	simm.s32 @!p0 $0x0  }
0x12: {  	s1 =	sld [smem:$0x3F99];
	s0 =	simm.s32 @p0 $0x1  }
0x13: {  	[smem:$0x3FB4] =	sst s0;
	s0 =	simm.s32 @!p1 $0x0  }
0x14: {  	s2 =	sld [smem:$0x3F98];
	s0 =	simm.s32 @p1 $0x1  }
0x15: {  	[smem:$0x3FB5] =	sst s0;
	s0 =	simm.s32 @!p2 $0x0  }
0x16: {  	s3 =	sld [smem:$0x3FDB];
	s0 =	simm.s32 @p2 $0x1  }
0x17: {  	s4 =	simm.s32 $0x1BF5;
	[smem:$0x3FB7] =	sst s0  }
0x18: {  	s0 =	sld [smem:$0x3F9A];
	_ =	swait.ge [sflag:s4], $0x0  }
0x19: {  	s7 =	sld [smem:$0x3F9B]  }
0x1a: {  	s8 =	sadd.s32 $0xFFFFE003, lr  }
0x1b: {  	s9 =	sadd.s32 $0xFFFFFEF7, lr;
	s5 =	simm.s32 $0xFFFFFFFF;
	p2 =	slt.u32 s8, $0xFFFFF086  }
0x1c: {  	p1 =	slt.u32 s9, $0xF7A;
	s5 =	simm.s32 @!p2 $0x0  }
0x1d: {  	s5 =	simm.s32 @p1 $0x1;
	p0 =	seq.s32 s7, s2  }
0x1e: {  	s7 =	smul.u32 @!p0 $0xF7A, s2;
	p2 =	seq.s32 @!p0 s5, $0x0  }
0x1f: {  	s9 =	smul.u32 $0xF7A, s1;
	s8 =	simm.s32 @!p0 $0x1BF5;
	p2 =	por !p2, p0  }
0x20: {  	[sflag:s8] =	ssyncset.s32 @!p0 $0xFFFFF086;
	s6 =	sadd.s32 @!p0 s3, s7;
	s7 =	simm.s32 @!p0 $0x108  }
0x21: {  	s3 =	sadd.s32 s3, s9;
	s6 =	sadd.s32 @!p0 $0x88, s6;
	s7 =	simm.s32 @p2 $0x1082  }
0x22: {  	[simem:s7], [sflag:s8] =	dma.local @!p0 [hbm:s6], $0xF7A  }
0x23: {  	s9 =	sor.u32 $0xD0000000, s2;
	s6 =	simm.s32 $0x108;
	_ =	swait.ge @!p0 [sflag:s8], $0x0  }
0x24: {  	s3 =	sadd.s32 $0x88, s3;
	s6 =	simm.s32 @!p1 $0x1082;
	[sflag:s4] =	ssyncset.s32 $0xFFFFF086  }
0x25: {  	[simem:s6], [sflag:s4] =	dma.local [hbm:s3], $0xF7A  }
0x26: {  	[smem:$0x3F9B] =	sst s1;
	(tag) =	ssettag s2;
	_ =	strace s9  }
0x27: {  	s1 =	sld [smem:$0x3FAB]  }
0x28: {  	s2 =	sld [smem:$0x3FAC]  }
0x29: {  	s4 =	sld [smem:$0x3FAE]  }
0x2a: {  	p0 =	seq.s32 s5, $0x0;
	s5 =	sld [smem:$0x3FAF]  }
0x2b: {  	s6 =	sld [smem:$0x3FB0]  }
0x2c: {  	s7 =	sld [smem:$0x3FB1]  }
0x2d: {  	s3 =	simm.s32 $0x108;
	s8 =	sld [smem:$0x3FB2]  }
0x2e: {  	s3 =	simm.s32 @!p0 $0x1082;
	s9 =	sld [smem:$0x3FB3]  }
0x2f: {  	lr =	sadd.s32 s0, s3;
	s0 =	sld [smem:$0x3FAA]  }
0x30: {  	s3 =	sld [smem:$0x3FAD]  }
0x31: {  	[smem:$0x3FB6] =	sst s10  }
0x32: {  	s10 =	sld [smem:$0x3FB4];
	_ =	sdelay $0x3  }
0x33: {  	p0 =	seq.s32 s10, $0x1;
	s10 =	sld [smem:$0x3FB6];
	_ =	sdelay $0x3  }
0x34: {  	[smem:$0x3FB6] =	sst s10  }
0x35: {  	s10 =	sld [smem:$0x3FB5];
	_ =	sdelay $0x3  }
0x36: {  	p1 =	seq.s32 s10, $0x1;
	s10 =	sld [smem:$0x3FB6];
	_ =	sdelay $0x3  }
0x37: {  	[smem:$0x3FB6] =	sst s10  }
0x38: {  	s10 =	sld [smem:$0x3FB7]  }
0x39: {  	_ = 	snop;
	(pc) =	sbr.ind lr, $3  }
0x3a: {  	_ = 	snop  }
0x3b: {  	_ = 	snop  }
0x3c: {  	p2 =	seq.s32 s10, $0x1;
	s10 =	sld [smem:$0x3FB6]  }
0x3d: {  	_ =	shalt  }
0x3e: {  	_ =	shalt  }
0x3f: {  	_ =	shalt  }
0x40: {  	_ =	shalt  }
0x41: {  	_ =	shalt  }
0x42: {  	_ =	shalt  }
0x43: {  	_ =	shalt  }
0x44: {  	_ =	shalt  }
0x45: {  	_ =	shalt  }
0x46: {  	_ =	shalt  }
0x47: {  	_ =	shalt  }
0x48: {  	_ =	shalt  }
0x49: {  	_ =	shalt  }
0x4a: {  	_ =	shalt  }
0x4b: {  	_ =	shalt  }
0x4c: {  	_ =	shalt  }
0x4d: {  	_ =	shalt  }
0x4e: {  	_ =	shalt  }
0x4f: {  	_ =	shalt  }
0x50: {  	_ =	shalt  }
0x51: {  	_ =	shalt  }
0x52: {  	_ =	shalt  }
0x53: {  	_ =	shalt  }
0x54: {  	_ =	shalt  }
0x55: {  	_ =	shalt  }
0x56: {  	_ =	shalt  }
0x57: {  	_ =	shalt  }
0x58: {  	_ =	shalt  }
0x59: {  	_ =	shalt  }
0x5a: {  	_ =	shalt  }
0x5b: {  	_ =	shalt  }
0x5c: {  	_ =	shalt  }
0x5d: {  	_ =	shalt  }
0x5e: {  	_ =	shalt  }
0x5f: {  	_ =	shalt  }
0x60: {  	_ =	shalt  }
0x61: {  	_ =	shalt  }
0x62: {  	_ =	shalt  }
0x63: {  	_ =	shalt  }
0x64: {  	_ =	shalt  }
0x65: {  	_ =	shalt  }
0x66: {  	_ =	shalt  }
0x67: {  	_ =	shalt  }
0x68: {  	_ =	shalt  }
0x69: {  	_ =	shalt  }
0x6a: {  	_ =	shalt  }
0x6b: {  	_ =	shalt  }
0x6c: {  	_ =	shalt  }
0x6d: {  	_ =	shalt  }
0x6e: {  	_ =	shalt  }
0x6f: {  	_ =	shalt  }
0x70: {  	_ =	shalt  }
0x71: {  	_ =	shalt  }
0x72: {  	_ =	shalt  }
0x73: {  	_ =	shalt  }
0x74: {  	_ =	shalt  }
0x75: {  	_ =	shalt  }
0x76: {  	_ =	shalt  }
0x77: {  	_ =	shalt  }
0x78: {  	_ =	shalt  }
0x79: {  	_ =	shalt  }
0x7a: {  	_ =	shalt  }
0x7b: {  	_ =	shalt  }
0x7c: {  	_ =	shalt  }
0x7d: {  	_ =	shalt  }
0x7e: {  	_ =	shalt  }
0x7f: {  	_ =	shalt  }
0x80: {  	_ =	shalt  }
0x81: {  	_ =	shalt  }
0x82: {  	_ =	shalt  }
0x83: {  	_ =	shalt  }
0x84: {  	_ =	shalt  }
0x85: {  	_ =	shalt  }
0x86: {  	_ =	shalt  }
0x87: {  	_ =	shalt  }
.Lfunc_end0:
.L_simem_size_0:
called_computation.1_lowered:
.L_overlay_start_0:
0x88: {  	s2 =	sld [smem:$0x3FD9]  }
0x89: {  	s3 =	sld [smem:$0x3FFE];
	_ =	sdelay $0x1  }
0x8a: {  	s1 =	srdreg.scid  }
0x8b: {  	s0 =	sand.u32 $0x1, s1  }
0x8c: {  	s17 =	sshll.u32 s0, $0xA;
	s2 =	sadd.s32 s3, s2  }
0x8d: {  	s2 =	sadd.s32 s2, s17  }
0x8e: {  	[smem:$0x3FC2] =	sst s2  }
0x8f: {  	_ = 	snop  }
0x90: {  	s18 =	sld [smem:$0x3FD0];
	(tm) =	ssettm $0x1  }
0x91: {  	s19 =	sld [smem:$0x3FFB];
	_ =	sdelay $0x3  }
0x92: {  	_ =	strace s19  }
0x93: {  	s2 =	sld [smem:$0x3FFC];
	_ =	sdelay $0x3  }
0x94: {  	_ =	strace s2  }
0x95: {  	s2 =	sld [smem:$0x3FFD];
	_ =	sdelay $0x3  }
0x96: {  	_ =	strace s2  }
0x97: {  	_ =	strace $0x8FFFFFFF  }
0x98: {  	s20 =	sld [smem:$0x3FDB];
	_ =	sdelay $0x1  }
0x99: {  	s4 =	simm.s32 $_scs_section_size  }
0x9a: {  	s5 =	simm.s32 $_size__tile_overlayer_lowered;
	s6 =	simm.s32 $_tile_overlayer_lowered  }
0x9b: {  	s7 =	simm.s32 $0x1BFF;
	s21 =	sshll.u32 s6, $0x1;
	s4 =	sadd.s32 s4, s20  }
0x9c: {  	s22 =	simm.s32 $0x0;
	s5 =	sshll.u32 s5, $0x1;
	s6 =	sadd.s32 s21, s4  }
0x9d: {  	[timem:s22], [sflag:s7] =	dma.local [hbm:s6], s5  }
0x9e: {  	_ =	swait.ge [sflag:s7], s5  }
0x9f: {  	s5 =	ssub.s32 $0x0, s5;
	[sflag:s7] =	ssyncset.done $0x0  }
0xa0: {  	[sflag:s7] =	ssyncadd.s32 s5;
	_ =	sdelay $0x1  }
0xa1: {  	s23 =	simm.s32 $0x1B8B  }
0xa2: {  	_ =	swait.ge [sflag:s23], $0x1  }
0xa3: {  	[sflag:s23] =	ssyncset.done $0x0  }
0xa4: {  	[sflag:s23] =	ssyncadd.s32 $0xFFFFFFFF  }
0xa5: {  	s5 =	sld [smem:$0x0]  }
0xa6: {  	s6 =	sand.u32 $0xFFFFFFFE, s1  }
0xa7: {  	p0 =	sne.s32 s1, s6  }
0xa8: {  	s6 =	sshll.u32 @p0 s6, $0xE  }
0xa9: {  	s6 =	sadd.s32 @p0 $0x11B8D, s6;
	s7 =	sshll.u32 @p0 s5, $0x11  }
0xaa: {  	s6 =	sor.u32 @p0 s7, s6  }
0xab: {  	[sflag:s6] =	ssyncadd.remote.s32 @p0 $0x1;
	_ =	sdelay $0x1  }
0xac: {  	s6 =	simm.s32 @p0 $0x1B8D  }
0xad: {  	_ =	swait.eq @p0 [sflag:s6], $0x1  }
0xae: {  	[sflag:s6] =	ssyncadd.s32 @p0 $0xFFFFFFFF  }
0xaf: {  	s7 =	sshll.u32 @!p0 s1, $0xE  }
0xb0: {  	s7 =	sor.u32 @!p0 $0x4000, s7;
	s6 =	simm.s32 @!p0 $0x1B8D  }
0xb1: {  	s5 =	sshll.u32 @!p0 s5, $0x11;
	s7 =	sadd.s32 @!p0 $0x11B8D, s7;
	_ =	swait.eq @!p0 [sflag:s6], $0x1  }
0xb2: {  	s5 =	sor.u32 @!p0 s5, s7;
	[sflag:s6] =	ssyncadd.s32 @!p0 $0xFFFFFFFF  }
0xb3: {  	s25 =	simm.s32 $0x1B8E;
	s24 =	sld [smem:$0x3FFE];
	[sflag:s5] =	ssyncadd.remote.s32 @!p0 $0x1  }
0xb4: {  	s26 =	simm.s32 $execute0_lowered;
	[smem:$0x3FD2] =	sst s25  }
0xb5: {  	s6 =	sshll.u32 s26, $0x1;
	_ =	strace $0x8000004C;
	[dreg:$0x1] =	wrdreg $0xFFFFFFFF  }
0xb6: {  	s28 =	simm.s32 $_size_execute0_lowered;
	s4 =	sadd.s32 s4, s6;
	[dreg:$0x0] =	wrdreg $0x0  }
0xb7: {  	s6 =	sshll.u32 s28, $0x1;
	[dreg:$0x2] =	wrdreg s4  }
0xb8: {  	[dreg:$0x3] =	wrdreg s6  }
0xb9: {  	[dreg:$0x4] =	wrdreg $0xC0  }
0xba: {  	_ =	task [dreg:s22], $0x5FFFF  }
0xbb: {  	[dreg:$0x1] =	wrdreg $0xFFFFFFFF  }
0xbc: {  	[dreg:$0x0] =	wrdreg $0x60  }
0xbd: {  	[dreg:$0x2] =	wrdreg s24  }
0xbe: {  	[dreg:$0x3] =	wrdreg s18  }
0xbf: {  	[dreg:$0x4] =	wrdreg $0xA8000  }
0xc0: {  	[dreg:$0x5] =	wrdreg $0x9  }
0xc1: {  	_ =	task.clear_ibuf [dreg:s22], $0x6FFFF;
	_ =	strace $0x9000004C  }
0xc2: {  	s29 =	simm.s32 $0x9;
	_ =	strace $0x8000004E  }
0xc3: {  	_ =	swait.ge [sflag:s29], $0x1  }
0xc4: {  	[sflag:s29] =	ssyncadd.s32 $0xFFFFFFFF  }
0xc5: {  	_ =	strace $0x9000004E  }
0xc6: {  	_ =	sfence  }
0xc7: {  	s30 =	sld [smem:$0x0];
	_ =	sdelay $0x2  }
0xc8: {  	s31 =	sshll.u32 s1, $0xD;
	s1 =	sshrl.u32 s1, $0x2  }
0xc9: {  	s4 =	sand.u32 $0x4000, s31;
	s1 =	sadd.s32 s1, s30  }
0xca: {  	s0 =	sor.u32 s4, s0;
	s1 =	sshll.u32 s1, $0x11  }
0xcb: {  	s0 =	sor.u32 s1, s0  }
0xcc: {  	s0 =	sadd.s32 $0x8F2B, s0  }
0xcd: {  	[sflag:s0] =	ssyncadd.remote.s32 $0x1  }
0xce: {  	_ =	sfence.sel $0xFFFF  }
0xcf: {  	[dreg:$0x0] =	wrdreg $0xFFFFFFFF;
	(pc) =	sbr.abs _section_cstart, $3  }
0xd0: {  	[dreg:$0x1] =	wrdreg $0xFFFFFFFF  }
0xd1: {  	_ =	task.clear_ibuf [dreg:s22], $0x2FFFF;
	_ =	strace $0x9FFFFFFF  }
0xd2: {  	(tm) =	ssettm $0x7FFFFFFF  }
0xd3: {  	_ =	shalt  }
tec
execute0_lowered:
.L_overlay_start_1:
0x0: {  	(tag) =	ssettag $0x1  }
0x1: {  	s6 =	rddreg [dreg:$0x0]  }
0x2: {  	s11 =	rddreg [dreg:$0x1]  }
0x3: {  	s2 =	rddreg [dreg:$0x2]  }
0x4: {  	s0 =	rddreg [dreg:$0x3]  }
0x5: {  	s4 =	srdreg.scid;
	s1 =	stileid.u32  }
0x6: {  	s3 =	simm.s32 $0x0;
	s15 =	simm.s32 $0x1400;
	s16 =	simm.s32 $0x80  }
0x7: {  	s17 =	simm.s32 $0x6800;
	s18 =	simm.s32 $0x1;
	s5 =	sand.u32 $0x1, s4  }
0x8: {  	s28 =	sshll.u32 s1, $0x1;
	[smem:$0x7FF] =	sst s3;
	s8 =	smul.u32 $0x4F000, s1  }
0x9: {  	s4 =	sadd.s32 $0xD200, s6;
	s20 =	smul.u32 $0x2780, s1;
	s21 =	sshll.u32 s1, $0x6  }
0xa: {  	s7 =	sor.u32 s5, s28;
	_ =	strace $0x8000004D;
	s29 =	smul.u32 $0x28000, s5  }
0xb: {  	s9 =	ssub.s32 $0x2, s5;
	s12 =	smul.u32 $0x280, s7;
	s30 =	sshrl.u32 s8, $0x2  }
0xc: {  	s21 =	sor.u32 $0x1C03, s21;
	s31 =	sshrl.u32 s9, $0x1;
	s5 =	sadd.s32 s30, s2  }
0xd: {  	s13 =	sadd.s32 s29, s6;
	s14 =	ssub.s32 s9, s31;
	s10 =	sadd.s32 s12, s6  }
0xe: {  	s6 =	sadd.s32 $0x4000, s5;
	s7 =	sadd.s32 $0x8000, s5;
	s8 =	sadd.s32 $0xC000, s5  }
0xf: {  	s9 =	sadd.s32 $0x10000, s5;
	s11 =	sadd.s32 s11, s12;
	s19 =	sadd.s32 $0xAD200, s13  }
0x10: {  	s12 =	smax.u32 s14, $0x1;
	s13 =	simm.s32 $0x2800;
	s14 =	simm.s32 $0x3  }
0x11: {  	v0 =	vimm.f32 $0.0e+00;
	s10 =	sadd.s32 $0x3200, s10;
	s19 =	sadd.s32 s20, s19;
	s20 =	simm.s32 $0x2  }
.LBB2_1:
0x12: {  	s22 =	simm.s32 $0x0;
	s23 =	simm.s32 $0x200  }
.LBB2_2:
0x13: {  	p0 =	sne.s32 s23, $0xFE00;
	[tilespmem:s22+$0x2870] =	vst v0  }
0x14: {  	[tilespmem:s22+$0x2800] =	vst v0  }
0x15: {  	[tilespmem:s22+$0x2810] =	vst v0  }
.Ltmp0:
0x16: {  	[tilespmem:s22+$0x2820] =	vst v0;
	(pc) =	sbr.rel @p0 .LBB2_2-.Ltmp0, $4  }
0x17: {  	[tilespmem:s22+$0x2830] =	vst v0  }
0x18: {  	[tilespmem:s22+$0x2840] =	vst v0  }
0x19: {  	[tilespmem:s22+$0x2850] =	vst v0  }
0x1a: {  	[tilespmem:s22+$0x2860] =	vst v0;
	s22 =	sshra.s32 s23, $0x2;
	s23 =	sadd.s32 $0x200, s23  }
0x1b: {  	[tilespmem:s22+$0x2870] =	vst v0  }
0x1c: {  	[tilespmem:s22+$0x2800] =	vst v0  }
0x1d: {  	[tilespmem:s22+$0x2810] =	vst v0  }
0x1e: {  	[tilespmem:s22+$0x2820] =	vst v0  }
0x1f: {  	[tilespmem:s22+$0x2830] =	vst v0  }
0x20: {  	[tilespmem:s22+$0x2840] =	vst v0  }
0x21: {  	[tilespmem:s22+$0x2850] =	vst v0  }
0x22: {  	[tilespmem:s22+$0x2860] =	vst v0  }
0x23: {  	[spmem:s5] =	stream.linear.scatter [tilespmem:s13], [sflag:$0x3], $0x4000, $0x38;
	[tilespmem:$0x1E400] =	vst v63  }
0x24: {  	_ =	swait.ge [sflag:s14], $0x4000  }
0x25: {  	[sflag:s14] =	ssyncset.done $0x0  }
0x26: {  	[sflag:s14] =	ssyncadd.s32 $0xFFFFC000  }
0x27: {  	[spmem:s6] =	stream.linear.scatter [tilespmem:s13], [sflag:$0x3], $0x4000, $0x38;
	[tilespmem:$0x1E400] =	vst v63  }
0x28: {  	_ =	swait.ge [sflag:s14], $0x4000  }
0x29: {  	[sflag:s14] =	ssyncset.done $0x0  }
0x2a: {  	[sflag:s14] =	ssyncadd.s32 $0xFFFFC000  }
0x2b: {  	[spmem:s7] =	stream.linear.scatter [tilespmem:s13], [sflag:$0x3], $0x4000, $0x38;
	[tilespmem:$0x1E400] =	vst v63  }
0x2c: {  	_ =	swait.ge [sflag:s14], $0x4000  }
0x2d: {  	[sflag:s14] =	ssyncset.done $0x0  }
0x2e: {  	[sflag:s14] =	ssyncadd.s32 $0xFFFFC000  }
0x2f: {  	[spmem:s8] =	stream.linear.scatter [tilespmem:s13], [sflag:$0x3], $0x4000, $0x38;
	[tilespmem:$0x1E400] =	vst v63  }
0x30: {  	_ =	swait.ge [sflag:s14], $0x4000  }
0x31: {  	[sflag:s14] =	ssyncset.done $0x0  }
0x32: {  	[sflag:s14] =	ssyncadd.s32 $0xFFFFC000  }
0x33: {  	[spmem:s9] =	stream.linear.scatter [tilespmem:s13], [sflag:$0x3], $0x3C00, $0x38;
	[tilespmem:$0x1E400] =	vst v63  }
0x34: {  	_ =	swait.ge [sflag:s14], $0x3C00  }
0x35: {  	[sflag:s14] =	ssyncset.done $0x0  }
0x36: {  	s26 =	simm.s32 $0x0;
	[sflag:s14] =	ssyncadd.s32 $0xFFFFC400  }
0x37: {  	[tilespmem:s26], [sflag:$0x3] =	stream.linear.gather [hbm4b:s10+s26], $0x1400, $0x38;
	[tilespmem:$0x1E400] =	vst v63  }
0x38: {  	_ =	swait.ge [sflag:s14], $0x1400  }
0x39: {  	[sflag:s14] =	ssyncset.done $0x0  }
0x3a: {  	[sflag:s14] =	ssyncadd.s32 $0xFFFFEC00  }
0x3b: {  	[tilespmem:s15], [sflag:$0x3] =	stream.linear.gather [hbm4b:s11+s26], $0x1400, $0x38;
	[tilespmem:$0x1E400] =	vst v63  }
0x3c: {  	_ =	swait.ge [sflag:s14], $0x1400  }
0x3d: {  	[sflag:s14] =	ssyncset.done $0x0  }
0x3e: {  	[sflag:s14] =	ssyncadd.s32 $0xFFFFEC00  }
0x3f: {  	s28 =	simm.s32 $0x0;
	[bflag:$0x0] =	sbarrier.arrive $0xFFFF  }
0x40: {  	[tilespmem:s13], [sflag:$0x1] =	stream.indirect.gather [hbm4b:s4+s16], $0x80, s28, s16, $0xb8;
	[tilespmem:$0x1E400] =	vst v63  }
0x41: {  	s29 =	simm.s32 $0x80  }
0x42: {  	[tilespmem:s17], [sflag:$0x2] =	stream.indirect.gather [hbm4b:s4+s16], $0x80, s29, s16, $0xb8;
	[tilespmem:$0x1E400] =	vst v63  }
0x43: {  	_ =	swait.ge [sflag:s18], $0x4000  }
0x44: {  	[sflag:s18] =	ssyncset.done $0x0  }
0x45: {  	s30 =	simm.s32 $0x1400;
	[sflag:s18] =	ssyncadd.s32 $0xFFFFC000  }
0x46: {  	[spmem:s2] =	stream.indirect.scatter.add.f32 [tilespmem:s13], [sflag:$0x3], $0x80, s30, s16, $0xb8;
	[tilespmem:$0x1E400] =	vst v63  }
0x47: {  	_ =	swait.ge [sflag:s14], $0x4000  }
0x48: {  	[sflag:s14] =	ssyncset.done $0x0  }
0x49: {  	[sflag:s14] =	ssyncadd.s32 $0xFFFFC000  }
0x4a: {  	_ =	swait.ge [sflag:s20], $0x4000  }
0x4b: {  	[sflag:s20] =	ssyncset.done $0x0  }
0x4c: {  	s31 =	simm.s32 $0x1480;
	[sflag:s20] =	ssyncadd.s32 $0xFFFFC000  }
0x4d: {  	[spmem:s2] =	stream.indirect.scatter.add.f32 [tilespmem:s17], [sflag:$0x3], $0x80, s31, s16, $0xb8;
	[tilespmem:$0x1E400] =	vst v63  }
0x4e: {  	_ =	swait.ge [sflag:s14], $0x4000  }
0x4f: {  	s22 =	simm.s32 $0x400;
	s23 =	simm.s32 $0x800;
	[sflag:s14] =	ssyncset.done $0x0  }
.LBB2_4:
0x50: {  	s24 =	sshra.s32 s22, $0x2  }
0x51: {  	[sflag:s14] =	ssyncadd.s32 $0xFFFFC000;
	s22 =	smov.u32 s23;
	s25 =	sadd.s32 $0x400, s23  }
0x52: {  	[tilespmem:s13], [sflag:$0x1] =	stream.indirect.gather [hbm4b:s4+s16], $0x80, s24, s16, $0xb8;
	[tilespmem:$0x1E400] =	vst v63  }
0x53: {  	p0 =	sne.s32 s23, $0x4C00;
	s23 =	sadd.s32 $0x80, s24  }
0x54: {  	[tilespmem:s17], [sflag:$0x2] =	stream.indirect.gather [hbm4b:s4+s16], $0x80, s23, s16, $0xb8;
	[tilespmem:$0x1E400] =	vst v63  }
0x55: {  	_ =	swait.ge [sflag:s18], $0x4000  }
0x56: {  	[sflag:s18] =	ssyncset.done $0x0  }
0x57: {  	s23 =	sadd.s32 $0x1400, s24;
	[sflag:s18] =	ssyncadd.s32 $0xFFFFC000  }
0x58: {  	[spmem:s2] =	stream.indirect.scatter.add.f32 [tilespmem:s13], [sflag:$0x3], $0x80, s23, s16, $0xb8;
	[tilespmem:$0x1E400] =	vst v63  }
0x59: {  	_ =	swait.ge [sflag:s14], $0x4000  }
0x5a: {  	[sflag:s14] =	ssyncset.done $0x0  }
0x5b: {  	[sflag:s14] =	ssyncadd.s32 $0xFFFFC000  }
0x5c: {  	_ =	swait.ge [sflag:s20], $0x4000  }
.Ltmp1:
0x5d: {  	[sflag:s20] =	ssyncset.done $0x0;
	(pc) =	sbr.rel @p0 .LBB2_4-.Ltmp1, $4  }
0x5e: {  	s23 =	sadd.s32 $0x1480, s24;
	[sflag:s20] =	ssyncadd.s32 $0xFFFFC000  }
0x5f: {  	[spmem:s2] =	stream.indirect.scatter.add.f32 [tilespmem:s17], [sflag:$0x3], $0x80, s23, s16, $0xb8;
	[tilespmem:$0x1E400] =	vst v63  }
0x60: {  	_ =	swait.ge [sflag:s14], $0x4000  }
0x61: {  	s23 =	smov.u32 s25;
	[sflag:s14] =	ssyncset.done $0x0  }
0x62: {  	s22 =	sshra.s32 s22, $0x2;
	[sflag:s14] =	ssyncadd.s32 $0xFFFFC000  }
0x63: {  	[tilespmem:s13], [sflag:$0x1] =	stream.indirect.gather [hbm4b:s4+s16], $0x80, s22, s16, $0xb8;
	[tilespmem:$0x1E400] =	vst v63  }
0x64: {  	s23 =	sadd.s32 $0x80, s22  }
0x65: {  	[tilespmem:s17], [sflag:$0x2] =	stream.indirect.gather [hbm4b:s4+s16], $0x80, s23, s16, $0xb8;
	[tilespmem:$0x1E400] =	vst v63  }
0x66: {  	_ =	swait.ge [sflag:s18], $0x4000  }
0x67: {  	[sflag:s18] =	ssyncset.done $0x0  }
0x68: {  	s30 =	sadd.s32 $0x1400, s22;
	[sflag:s18] =	ssyncadd.s32 $0xFFFFC000  }
0x69: {  	[spmem:s2] =	stream.indirect.scatter.add.f32 [tilespmem:s13], [sflag:$0x3], $0x80, s30, s16, $0xb8;
	[tilespmem:$0x1E400] =	vst v63  }
0x6a: {  	_ =	swait.ge [sflag:s14], $0x4000  }
0x6b: {  	[sflag:s14] =	ssyncset.done $0x0  }
0x6c: {  	[sflag:s14] =	ssyncadd.s32 $0xFFFFC000  }
0x6d: {  	_ =	swait.ge [sflag:s20], $0x4000  }
0x6e: {  	[sflag:s20] =	ssyncset.done $0x0  }
0x6f: {  	s22 =	sadd.s32 $0x1480, s22;
	[sflag:s20] =	ssyncadd.s32 $0xFFFFC000  }
0x70: {  	[spmem:s2] =	stream.indirect.scatter.add.f32 [tilespmem:s17], [sflag:$0x3], $0x80, s22, s16, $0xb8;
	[tilespmem:$0x1E400] =	vst v63  }
0x71: {  	_ =	swait.ge [sflag:s14], $0x4000  }
0x72: {  	s3 =	sadd.s32 $0x1, s3;
	[sflag:s14] =	ssyncset.done $0x0  }
0x73: {  	p0 =	sne.s32 s3, s12;
	[sflag:s14] =	ssyncadd.s32 $0xFFFFC000  }
.Ltmp2:
0x74: {  	s31 =	sshrl.u32 s5, $0x3;
	[bflag:$0x0] =	sbarrier.arrive $0xFFFF;
	(pc) =	sbr.rel @p0 .LBB2_1-.Ltmp2, $4  }
0x75: {  	[hbm:s19], [sflag:s21] =	dma.local [spmem:s31], $0x2780  }
0x76: {  	_ =	swait.ge [sflag:s14], $0x2780  }
0x77: {  	[sflag:s14] =	ssyncset.done $0x0  }
0x78: {  	[sflag:s14] =	ssyncadd.s32 $0xFFFFD880  }
0x79: {  	_ =	sfence.sel $0x180000  }
0x7a: {  	[bflag:$0x0] =	sbarrier.arrive $0xFFFF  }
0x7b: {  	p0 =	sne.s32 s1, $0x0;
	_ =	strace $0x9000004D  }
0x7c: {  	s0 =	sadd.s32 @!p0 $0x100000, s0;
	[bflag:$0x2] =	sbarrier.arrive $0xFFFF  }
0x7d: {  	[sflag:s0] =	ssyncadd.tile.s32 @!p0 $0x1;
	_ =	shalt  }
.Lfunc_end2:
_tile_overlayer_lowered:
.L_overlay_start_2:
0x7e: {  	(tag) =	ssettag $0x2  }
0x7f: {  	s0 =	rddreg [dreg:$0x0];
	s2 =	stileid.u32  }
0x80: {  	s1 =	rddreg [dreg:$0x1];
	p0 =	sne.s32 s2, $0x0  }
0x81: {  	s3 =	rddreg [dreg:$0x2];
	[bflag:$0x3] =	sbarrier.arrive $0xFFFF;
	s2 =	simm.s32 @!p0 $0x1C03  }
0x82: {  	[timem:s3], [sflag:s2] =	dma.local @!p0 [hbm:s0], s1  }
0x83: {  	s0 =	simm.s32 @!p0 $0x3  }
0x84: {  	_ =	swait.ge @!p0 [sflag:s0], s1  }
0x85: {  	s1 =	ssub.s32 @!p0 $0x0, s1;
	[sflag:s0] =	ssyncset.done @!p0 $0x0  }
0x86: {  	[sflag:s0] =	ssyncadd.s32 @!p0 s1  }
0x87: {  	[bflag:$0x3] =	sbarrier.arrive $0xFFFF  }
0x88: {  	_ =	shalt  }

// kernel: kernel.17.cloned.1.call-start
scs
__scs_entry_jumppad:
0x0: {  	(pc) =	sbr.rel $0x88, $3  }
0x1: {  	(tag) =	ssettag $0x0;
	lr =	simm.s32 $0x1  }
0x2: {  	[smem:$0x3F9B] =	sst lr;
	_ =	strace $0xD0000000  }
0x3: {  	_ = 	snop  }
0x4: {  	_ = 	snop  }
0x5: {  	_ = 	snop  }
0x6: {  	_ = 	snop  }
0x7: {  	_ = 	snop  }
__scs_overlays_trampoline_lowered:
0x8: {  	[smem:$0x3FAA] =	sst s0  }
0x9: {  	[smem:$0x3FAB] =	sst s1  }
0xa: {  	[smem:$0x3FAC] =	sst s2  }
0xb: {  	[smem:$0x3FAD] =	sst s3  }
0xc: {  	[smem:$0x3FAE] =	sst s4  }
0xd: {  	[smem:$0x3FAF] =	sst s5  }
0xe: {  	[smem:$0x3FB0] =	sst s6  }
0xf: {  	[smem:$0x3FB1] =	sst s7  }
0x10: {  	[smem:$0x3FB2] =	sst s8  }
0x11: {  	[smem:$0x3FB3] =	sst s9;
	s0 =	simm.s32 @!p0 $0x0  }
0x12: {  	s1 =	sld [smem:$0x3F99];
	s0 =	simm.s32 @p0 $0x1  }
0x13: {  	[smem:$0x3FB4] =	sst s0;
	s0 =	simm.s32 @!p1 $0x0  }
0x14: {  	s2 =	sld [smem:$0x3F98];
	s0 =	simm.s32 @p1 $0x1  }
0x15: {  	[smem:$0x3FB5] =	sst s0;
	s0 =	simm.s32 @!p2 $0x0  }
0x16: {  	s3 =	sld [smem:$0x3FDB];
	s0 =	simm.s32 @p2 $0x1  }
0x17: {  	s4 =	simm.s32 $0x1BF5;
	[smem:$0x3FB7] =	sst s0  }
0x18: {  	s0 =	sld [smem:$0x3F9A];
	_ =	swait.ge [sflag:s4], $0x0  }
0x19: {  	s7 =	sld [smem:$0x3F9B]  }
0x1a: {  	s8 =	sadd.s32 $0xFFFFE003, lr  }
0x1b: {  	s9 =	sadd.s32 $0xFFFFFEF7, lr;
	s5 =	simm.s32 $0xFFFFFFFF;
	p2 =	slt.u32 s8, $0xFFFFF086  }
0x1c: {  	p1 =	slt.u32 s9, $0xF7A;
	s5 =	simm.s32 @!p2 $0x0  }
0x1d: {  	s5 =	simm.s32 @p1 $0x1;
	p0 =	seq.s32 s7, s2  }
0x1e: {  	s7 =	smul.u32 @!p0 $0xF7A, s2;
	p2 =	seq.s32 @!p0 s5, $0x0  }
0x1f: {  	s9 =	smul.u32 $0xF7A, s1;
	s8 =	simm.s32 @!p0 $0x1BF5;
	p2 =	por !p2, p0  }
0x20: {  	[sflag:s8] =	ssyncset.s32 @!p0 $0xFFFFF086;
	s6 =	sadd.s32 @!p0 s3, s7;
	s7 =	simm.s32 @!p0 $0x108  }
0x21: {  	s3 =	sadd.s32 s3, s9;
	s6 =	sadd.s32 @!p0 $0x88, s6;
	s7 =	simm.s32 @p2 $0x1082  }
0x22: {  	[simem:s7], [sflag:s8] =	dma.local @!p0 [hbm:s6], $0xF7A  }
0x23: {  	s9 =	sor.u32 $0xD0000000, s2;
	s6 =	simm.s32 $0x108;
	_ =	swait.ge @!p0 [sflag:s8], $0x0  }
0x24: {  	s3 =	sadd.s32 $0x88, s3;
	s6 =	simm.s32 @!p1 $0x1082;
	[sflag:s4] =	ssyncset.s32 $0xFFFFF086  }
0x25: {  	[simem:s6], [sflag:s4] =	dma.local [hbm:s3], $0xF7A  }
0x26: {  	[smem:$0x3F9B] =	sst s1;
	(tag) =	ssettag s2;
	_ =	strace s9  }
0x27: {  	s1 =	sld [smem:$0x3FAB]  }
0x28: {  	s2 =	sld [smem:$0x3FAC]  }
0x29: {  	s4 =	sld [smem:$0x3FAE]  }
0x2a: {  	p0 =	seq.s32 s5, $0x0;
	s5 =	sld [smem:$0x3FAF]  }
0x2b: {  	s6 =	sld [smem:$0x3FB0]  }
0x2c: {  	s7 =	sld [smem:$0x3FB1]  }
0x2d: {  	s3 =	simm.s32 $0x108;
	s8 =	sld [smem:$0x3FB2]  }
0x2e: {  	s3 =	simm.s32 @!p0 $0x1082;
	s9 =	sld [smem:$0x3FB3]  }
0x2f: {  	lr =	sadd.s32 s0, s3;
	s0 =	sld [smem:$0x3FAA]  }
0x30: {  	s3 =	sld [smem:$0x3FAD]  }
0x31: {  	[smem:$0x3FB6] =	sst s10  }
0x32: {  	s10 =	sld [smem:$0x3FB4];
	_ =	sdelay $0x3  }
0x33: {  	p0 =	seq.s32 s10, $0x1;
	s10 =	sld [smem:$0x3FB6];
	_ =	sdelay $0x3  }
0x34: {  	[smem:$0x3FB6] =	sst s10  }
0x35: {  	s10 =	sld [smem:$0x3FB5];
	_ =	sdelay $0x3  }
0x36: {  	p1 =	seq.s32 s10, $0x1;
	s10 =	sld [smem:$0x3FB6];
	_ =	sdelay $0x3  }
0x37: {  	[smem:$0x3FB6] =	sst s10  }
0x38: {  	s10 =	sld [smem:$0x3FB7]  }
0x39: {  	_ = 	snop;
	(pc) =	sbr.ind lr, $3  }
0x3a: {  	_ = 	snop  }
0x3b: {  	_ = 	snop  }
0x3c: {  	p2 =	seq.s32 s10, $0x1;
	s10 =	sld [smem:$0x3FB6]  }
0x3d: {  	_ =	shalt  }
0x3e: {  	_ =	shalt  }
0x3f: {  	_ =	shalt  }
0x40: {  	_ =	shalt  }
0x41: {  	_ =	shalt  }
0x42: {  	_ =	shalt  }
0x43: {  	_ =	shalt  }
0x44: {  	_ =	shalt  }
0x45: {  	_ =	shalt  }
0x46: {  	_ =	shalt  }
0x47: {  	_ =	shalt  }
0x48: {  	_ =	shalt  }
0x49: {  	_ =	shalt  }
0x4a: {  	_ =	shalt  }
0x4b: {  	_ =	shalt  }
0x4c: {  	_ =	shalt  }
0x4d: {  	_ =	shalt  }
0x4e: {  	_ =	shalt  }
0x4f: {  	_ =	shalt  }
0x50: {  	_ =	shalt  }
0x51: {  	_ =	shalt  }
0x52: {  	_ =	shalt  }
0x53: {  	_ =	shalt  }
0x54: {  	_ =	shalt  }
0x55: {  	_ =	shalt  }
0x56: {  	_ =	shalt  }
0x57: {  	_ =	shalt  }
0x58: {  	_ =	shalt  }
0x59: {  	_ =	shalt  }
0x5a: {  	_ =	shalt  }
0x5b: {  	_ =	shalt  }
0x5c: {  	_ =	shalt  }
0x5d: {  	_ =	shalt  }
0x5e: {  	_ =	shalt  }
0x5f: {  	_ =	shalt  }
0x60: {  	_ =	shalt  }
0x61: {  	_ =	shalt  }
0x62: {  	_ =	shalt  }
0x63: {  	_ =	shalt  }
0x64: {  	_ =	shalt  }
0x65: {  	_ =	shalt  }
0x66: {  	_ =	shalt  }
0x67: {  	_ =	shalt  }
0x68: {  	_ =	shalt  }
0x69: {  	_ =	shalt  }
0x6a: {  	_ =	shalt  }
0x6b: {  	_ =	shalt  }
0x6c: {  	_ =	shalt  }
0x6d: {  	_ =	shalt  }
0x6e: {  	_ =	shalt  }
0x6f: {  	_ =	shalt  }
0x70: {  	_ =	shalt  }
0x71: {  	_ =	shalt  }
0x72: {  	_ =	shalt  }
0x73: {  	_ =	shalt  }
0x74: {  	_ =	shalt  }
0x75: {  	_ =	shalt  }
0x76: {  	_ =	shalt  }
0x77: {  	_ =	shalt  }
0x78: {  	_ =	shalt  }
0x79: {  	_ =	shalt  }
0x7a: {  	_ =	shalt  }
0x7b: {  	_ =	shalt  }
0x7c: {  	_ =	shalt  }
0x7d: {  	_ =	shalt  }
0x7e: {  	_ =	shalt  }
0x7f: {  	_ =	shalt  }
0x80: {  	_ =	shalt  }
0x81: {  	_ =	shalt  }
0x82: {  	_ =	shalt  }
0x83: {  	_ =	shalt  }
0x84: {  	_ =	shalt  }
0x85: {  	_ =	shalt  }
0x86: {  	_ =	shalt  }
0x87: {  	_ =	shalt  }
.Lfunc_end0:
.L_simem_size_0:
called_computation.2_lowered:
.L_overlay_start_0:
0x88: {  	s2 =	sld [smem:$0x3FD9]  }
0x89: {  	s3 =	sld [smem:$0x3FFE];
	_ =	sdelay $0x1  }
0x8a: {  	s1 =	srdreg.scid  }
0x8b: {  	s0 =	sand.u32 $0x1, s1  }
0x8c: {  	s17 =	sshll.u32 s0, $0xA;
	s2 =	sadd.s32 s3, s2  }
0x8d: {  	s2 =	sadd.s32 s2, s17  }
0x8e: {  	[smem:$0x3FC2] =	sst s2  }
0x8f: {  	_ = 	snop  }
0x90: {  	s2 =	sld [smem:$0x3FD0];
	(tm) =	ssettm $0x1  }
0x91: {  	s18 =	sld [smem:$0x3FFB];
	_ =	sdelay $0x3  }
0x92: {  	_ =	strace s18  }
0x93: {  	s3 =	sld [smem:$0x3FFC];
	_ =	sdelay $0x3  }
0x94: {  	_ =	strace s3  }
0x95: {  	s3 =	sld [smem:$0x3FFD];
	_ =	sdelay $0x3  }
0x96: {  	_ =	strace s3  }
0x97: {  	_ =	strace $0x8FFFFFFF  }
0x98: {  	s19 =	sld [smem:$0x3FDB];
	_ =	sdelay $0x1  }
0x99: {  	s4 =	simm.s32 $_scs_section_size  }
0x9a: {  	s5 =	simm.s32 $_size__tile_overlayer_lowered;
	s6 =	simm.s32 $_tile_overlayer_lowered  }
0x9b: {  	s22 =	simm.s32 $0x1BFF;
	s21 =	sshll.u32 s6, $0x1;
	s3 =	sadd.s32 s4, s19  }
0x9c: {  	s7 =	simm.s32 $0x0;
	s20 =	sshll.u32 s5, $0x1;
	s5 =	sadd.s32 s21, s3  }
0x9d: {  	[timem:s7], [sflag:s22] =	dma.local [hbm:s5], s20  }
0x9e: {  	_ =	swait.ge [sflag:s22], s20  }
0x9f: {  	s4 =	ssub.s32 $0x0, s20;
	[sflag:s22] =	ssyncset.done $0x0  }
0xa0: {  	[sflag:s22] =	ssyncadd.s32 s4;
	_ =	sdelay $0x1  }
0xa1: {  	s23 =	simm.s32 $0x1B8B  }
0xa2: {  	_ =	swait.ge [sflag:s23], $0x1  }
0xa3: {  	[sflag:s23] =	ssyncset.done $0x0  }
0xa4: {  	s25 =	simm.s32 $0x1B8E;
	s24 =	sld [smem:$0x3FFE];
	[sflag:s23] =	ssyncadd.s32 $0xFFFFFFFF  }
0xa5: {  	s26 =	simm.s32 $execute0_lowered;
	[smem:$0x3FD2] =	sst s25  }
0xa6: {  	s5 =	sshll.u32 s26, $0x1;
	_ =	strace $0x80000049;
	[dreg:$0x1] =	wrdreg $0xFFFFFFFF  }
0xa7: {  	s28 =	simm.s32 $_size_execute0_lowered;
	s3 =	sadd.s32 s3, s5;
	[dreg:$0x0] =	wrdreg $0x0  }
0xa8: {  	s5 =	sshll.u32 s28, $0x1;
	[dreg:$0x2] =	wrdreg s3  }
0xa9: {  	[dreg:$0x3] =	wrdreg s5  }
0xaa: {  	[dreg:$0x4] =	wrdreg $0xC0  }
0xab: {  	_ =	task [dreg:s7], $0x5FFFF  }
0xac: {  	[dreg:$0x1] =	wrdreg $0xFFFFFFFF  }
0xad: {  	[dreg:$0x0] =	wrdreg $0x60  }
0xae: {  	[dreg:$0x2] =	wrdreg s24  }
0xaf: {  	[dreg:$0x3] =	wrdreg s2  }
0xb0: {  	[dreg:$0x4] =	wrdreg $0xA8000  }
0xb1: {  	[dreg:$0x5] =	wrdreg $0xA  }
0xb2: {  	_ =	task.clear_ibuf [dreg:s7], $0x6FFFF;
	_ =	strace $0x90000049  }
0xb3: {  	s29 =	simm.s32 $0xA;
	_ =	strace $0x8000004B  }
0xb4: {  	_ =	swait.ge [sflag:s29], $0x1  }
0xb5: {  	[sflag:s29] =	ssyncadd.s32 $0xFFFFFFFF  }
0xb6: {  	_ =	strace $0x9000004B  }
0xb7: {  	_ =	sfence  }
0xb8: {  	s30 =	sld [smem:$0x0];
	_ =	sdelay $0x2  }
0xb9: {  	s31 =	sshll.u32 s1, $0xD;
	s1 =	sshrl.u32 s1, $0x2  }
0xba: {  	s3 =	sand.u32 $0x4000, s31;
	s1 =	sadd.s32 s1, s30  }
0xbb: {  	s0 =	sor.u32 s3, s0;
	s1 =	sshll.u32 s1, $0x11  }
0xbc: {  	s0 =	sor.u32 s1, s0  }
0xbd: {  	s0 =	sadd.s32 $0x8F2B, s0  }
0xbe: {  	[sflag:s0] =	ssyncadd.remote.s32 $0x1  }
0xbf: {  	_ =	sfence.sel $0xFFFF  }
0xc0: {  	[dreg:$0x0] =	wrdreg $0xFFFFFFFF;
	(pc) =	sbr.abs _section_cstart, $3  }
0xc1: {  	[dreg:$0x1] =	wrdreg $0xFFFFFFFF  }
0xc2: {  	_ =	task.clear_ibuf [dreg:s7], $0x2FFFF;
	_ =	strace $0x9FFFFFFF  }
0xc3: {  	(tm) =	ssettm $0x7FFFFFFF  }
tec
execute0_lowered:
.L_overlay_start_1:
0x0: {  	(tag) =	ssettag $0x1  }
0x1: {  	s6 =	rddreg [dreg:$0x0]  }
0x2: {  	s1 =	srdreg.scid;
	s11 =	rddreg [dreg:$0x1]  }
0x3: {  	s0 =	stileid.u32;
	s2 =	rddreg [dreg:$0x2]  }
0x4: {  	s3 =	simm.s32 $0x0;
	s15 =	simm.s32 $0x1400;
	s16 =	simm.s32 $0x80  }
0x5: {  	s17 =	simm.s32 $0x6800;
	s18 =	simm.s32 $0x1;
	s5 =	sand.u32 $0x1, s1  }
0x6: {  	s28 =	sshll.u32 s0, $0x1;
	[smem:$0x7FF] =	sst s3;
	s8 =	smul.u32 $0x4F000, s0  }
0x7: {  	s20 =	smul.u32 $0x2780, s0;
	s21 =	sshll.u32 s0, $0x6;
	s1 =	sor.u32 s5, s28  }
0x8: {  	s29 =	smul.u32 $0x28000, s5;
	s9 =	ssub.s32 $0x2, s5;
	s21 =	sor.u32 $0x1C03, s21  }
0x9: {  	s4 =	smul.u32 $0x1400, s1;
	s1 =	rddreg [dreg:$0x3];
	s30 =	sshrl.u32 s8, $0x2  }
0xa: {  	_ =	strace $0x8000004A;
	s31 =	sshrl.u32 s9, $0x1;
	s5 =	sadd.s32 s30, s2  }
0xb: {  	s13 =	sadd.s32 s29, s6;
	s14 =	ssub.s32 s9, s31;
	s7 =	sshrl.u32 s4, $0x3  }
0xc: {  	s4 =	sadd.s32 $0xD200, s6;
	s8 =	sadd.s32 $0xC000, s5;
	s9 =	sadd.s32 $0x10000, s5  }
0xd: {  	s19 =	sadd.s32 $0x5D200, s13;
	s13 =	simm.s32 $0x2800;
	s12 =	sadd.s32 $0x5000, s7  }
0xe: {  	s7 =	sadd.s32 $0x8000, s5;
	s19 =	sadd.s32 s20, s19;
	s20 =	simm.s32 $0x2  }
0xf: {  	s10 =	sadd.s32 s12, s6;
	s6 =	sadd.s32 $0x4000, s5;
	s11 =	sadd.s32 s11, s12  }
0x10: {  	v0 =	vimm.f32 $0.0e+00;
	s12 =	smax.u32 s14, $0x1;
	s14 =	simm.s32 $0x3;
	s10 =	sadd.s32 $0x3200, s10  }
.LBB2_1:
0x11: {  	s22 =	simm.s32 $0x0;
	s23 =	simm.s32 $0x200  }
.LBB2_2:
0x12: {  	p0 =	sne.s32 s23, $0xFE00;
	[tilespmem:s22+$0x2870] =	vst v0  }
0x13: {  	[tilespmem:s22+$0x2800] =	vst v0  }
0x14: {  	[tilespmem:s22+$0x2810] =	vst v0  }
.Ltmp0:
0x15: {  	[tilespmem:s22+$0x2820] =	vst v0;
	(pc) =	sbr.rel @p0 .LBB2_2-.Ltmp0, $4  }
0x16: {  	[tilespmem:s22+$0x2830] =	vst v0  }
0x17: {  	[tilespmem:s22+$0x2840] =	vst v0  }
0x18: {  	[tilespmem:s22+$0x2850] =	vst v0  }
0x19: {  	[tilespmem:s22+$0x2860] =	vst v0;
	s22 =	sshra.s32 s23, $0x2;
	s23 =	sadd.s32 $0x200, s23  }
0x1a: {  	[tilespmem:s22+$0x2870] =	vst v0  }
0x1b: {  	[tilespmem:s22+$0x2800] =	vst v0  }
0x1c: {  	[tilespmem:s22+$0x2810] =	vst v0  }
0x1d: {  	[tilespmem:s22+$0x2820] =	vst v0  }
0x1e: {  	[tilespmem:s22+$0x2830] =	vst v0  }
0x1f: {  	[tilespmem:s22+$0x2840] =	vst v0  }
0x20: {  	[tilespmem:s22+$0x2850] =	vst v0  }
0x21: {  	[tilespmem:s22+$0x2860] =	vst v0  }
0x22: {  	[spmem:s5] =	stream.linear.scatter [tilespmem:s13], [sflag:$0x3], $0x4000, $0x38;
	[tilespmem:$0x1E400] =	vst v63  }
0x23: {  	_ =	swait.ge [sflag:s14], $0x4000  }
0x24: {  	[sflag:s14] =	ssyncset.done $0x0  }
0x25: {  	[sflag:s14] =	ssyncadd.s32 $0xFFFFC000  }
0x26: {  	[spmem:s6] =	stream.linear.scatter [tilespmem:s13], [sflag:$0x3], $0x4000, $0x38;
	[tilespmem:$0x1E400] =	vst v63  }
0x27: {  	_ =	swait.ge [sflag:s14], $0x4000  }
0x28: {  	[sflag:s14] =	ssyncset.done $0x0  }
0x29: {  	[sflag:s14] =	ssyncadd.s32 $0xFFFFC000  }
0x2a: {  	[spmem:s7] =	stream.linear.scatter [tilespmem:s13], [sflag:$0x3], $0x4000, $0x38;
	[tilespmem:$0x1E400] =	vst v63  }
0x2b: {  	_ =	swait.ge [sflag:s14], $0x4000  }
0x2c: {  	[sflag:s14] =	ssyncset.done $0x0  }
0x2d: {  	[sflag:s14] =	ssyncadd.s32 $0xFFFFC000  }
0x2e: {  	[spmem:s8] =	stream.linear.scatter [tilespmem:s13], [sflag:$0x3], $0x4000, $0x38;
	[tilespmem:$0x1E400] =	vst v63  }
0x2f: {  	_ =	swait.ge [sflag:s14], $0x4000  }
0x30: {  	[sflag:s14] =	ssyncset.done $0x0  }
0x31: {  	[sflag:s14] =	ssyncadd.s32 $0xFFFFC000  }
0x32: {  	[spmem:s9] =	stream.linear.scatter [tilespmem:s13], [sflag:$0x3], $0x3C00, $0x38;
	[tilespmem:$0x1E400] =	vst v63  }
0x33: {  	_ =	swait.ge [sflag:s14], $0x3C00  }
0x34: {  	[sflag:s14] =	ssyncset.done $0x0  }
0x35: {  	s26 =	simm.s32 $0x0;
	[sflag:s14] =	ssyncadd.s32 $0xFFFFC400  }
0x36: {  	[tilespmem:s26], [sflag:$0x3] =	stream.linear.gather [hbm4b:s10+s26], $0x1400, $0x38;
	[tilespmem:$0x1E400] =	vst v63  }
0x37: {  	_ =	swait.ge [sflag:s14], $0x1400  }
0x38: {  	[sflag:s14] =	ssyncset.done $0x0  }
0x39: {  	[sflag:s14] =	ssyncadd.s32 $0xFFFFEC00  }
0x3a: {  	[tilespmem:s15], [sflag:$0x3] =	stream.linear.gather [hbm4b:s11+s26], $0x1400, $0x38;
	[tilespmem:$0x1E400] =	vst v63  }
0x3b: {  	_ =	swait.ge [sflag:s14], $0x1400  }
0x3c: {  	[sflag:s14] =	ssyncset.done $0x0  }
0x3d: {  	[sflag:s14] =	ssyncadd.s32 $0xFFFFEC00  }
0x3e: {  	s28 =	simm.s32 $0x0;
	[bflag:$0x0] =	sbarrier.arrive $0xFFFF  }
0x3f: {  	[tilespmem:s13], [sflag:$0x1] =	stream.indirect.gather [hbm4b:s4+s16], $0x80, s28, s16, $0xb8;
	[tilespmem:$0x1E400] =	vst v63  }
0x40: {  	s29 =	simm.s32 $0x80  }
0x41: {  	[tilespmem:s17], [sflag:$0x2] =	stream.indirect.gather [hbm4b:s4+s16], $0x80, s29, s16, $0xb8;
	[tilespmem:$0x1E400] =	vst v63  }
0x42: {  	_ =	swait.ge [sflag:s18], $0x4000  }
0x43: {  	[sflag:s18] =	ssyncset.done $0x0  }
0x44: {  	s30 =	simm.s32 $0x1400;
	[sflag:s18] =	ssyncadd.s32 $0xFFFFC000  }
0x45: {  	[spmem:s2] =	stream.indirect.scatter.add.f32 [tilespmem:s13], [sflag:$0x3], $0x80, s30, s16, $0xb8;
	[tilespmem:$0x1E400] =	vst v63  }
0x46: {  	_ =	swait.ge [sflag:s14], $0x4000  }
0x47: {  	[sflag:s14] =	ssyncset.done $0x0  }
0x48: {  	[sflag:s14] =	ssyncadd.s32 $0xFFFFC000  }
0x49: {  	_ =	swait.ge [sflag:s20], $0x4000  }
0x4a: {  	[sflag:s20] =	ssyncset.done $0x0  }
0x4b: {  	s31 =	simm.s32 $0x1480;
	[sflag:s20] =	ssyncadd.s32 $0xFFFFC000  }
0x4c: {  	[spmem:s2] =	stream.indirect.scatter.add.f32 [tilespmem:s17], [sflag:$0x3], $0x80, s31, s16, $0xb8;
	[tilespmem:$0x1E400] =	vst v63  }
0x4d: {  	_ =	swait.ge [sflag:s14], $0x4000  }
0x4e: {  	s22 =	simm.s32 $0x400;
	s23 =	simm.s32 $0x800;
	[sflag:s14] =	ssyncset.done $0x0  }
.LBB2_4:
0x4f: {  	s24 =	sshra.s32 s22, $0x2  }
0x50: {  	[sflag:s14] =	ssyncadd.s32 $0xFFFFC000;
	s22 =	smov.u32 s23;
	s25 =	sadd.s32 $0x400, s23  }
0x51: {  	[tilespmem:s13], [sflag:$0x1] =	stream.indirect.gather [hbm4b:s4+s16], $0x80, s24, s16, $0xb8;
	[tilespmem:$0x1E400] =	vst v63  }
0x52: {  	p0 =	sne.s32 s23, $0x4C00;
	s23 =	sadd.s32 $0x80, s24  }
0x53: {  	[tilespmem:s17], [sflag:$0x2] =	stream.indirect.gather [hbm4b:s4+s16], $0x80, s23, s16, $0xb8;
	[tilespmem:$0x1E400] =	vst v63  }
0x54: {  	_ =	swait.ge [sflag:s18], $0x4000  }
0x55: {  	[sflag:s18] =	ssyncset.done $0x0  }
0x56: {  	s23 =	sadd.s32 $0x1400, s24;
	[sflag:s18] =	ssyncadd.s32 $0xFFFFC000  }
0x57: {  	[spmem:s2] =	stream.indirect.scatter.add.f32 [tilespmem:s13], [sflag:$0x3], $0x80, s23, s16, $0xb8;
	[tilespmem:$0x1E400] =	vst v63  }
0x58: {  	_ =	swait.ge [sflag:s14], $0x4000  }
0x59: {  	[sflag:s14] =	ssyncset.done $0x0  }
0x5a: {  	[sflag:s14] =	ssyncadd.s32 $0xFFFFC000  }
0x5b: {  	_ =	swait.ge [sflag:s20], $0x4000  }
.Ltmp1:
0x5c: {  	[sflag:s20] =	ssyncset.done $0x0;
	(pc) =	sbr.rel @p0 .LBB2_4-.Ltmp1, $4  }
0x5d: {  	s23 =	sadd.s32 $0x1480, s24;
	[sflag:s20] =	ssyncadd.s32 $0xFFFFC000  }
0x5e: {  	[spmem:s2] =	stream.indirect.scatter.add.f32 [tilespmem:s17], [sflag:$0x3], $0x80, s23, s16, $0xb8;
	[tilespmem:$0x1E400] =	vst v63  }
0x5f: {  	_ =	swait.ge [sflag:s14], $0x4000  }
0x60: {  	s23 =	smov.u32 s25;
	[sflag:s14] =	ssyncset.done $0x0  }
0x61: {  	s22 =	sshra.s32 s22, $0x2;
	[sflag:s14] =	ssyncadd.s32 $0xFFFFC000  }
0x62: {  	[tilespmem:s13], [sflag:$0x1] =	stream.indirect.gather [hbm4b:s4+s16], $0x80, s22, s16, $0xb8;
	[tilespmem:$0x1E400] =	vst v63  }
0x63: {  	s23 =	sadd.s32 $0x80, s22  }
0x64: {  	[tilespmem:s17], [sflag:$0x2] =	stream.indirect.gather [hbm4b:s4+s16], $0x80, s23, s16, $0xb8;
	[tilespmem:$0x1E400] =	vst v63  }
0x65: {  	_ =	swait.ge [sflag:s18], $0x4000  }
0x66: {  	[sflag:s18] =	ssyncset.done $0x0  }
0x67: {  	s30 =	sadd.s32 $0x1400, s22;
	[sflag:s18] =	ssyncadd.s32 $0xFFFFC000  }
0x68: {  	[spmem:s2] =	stream.indirect.scatter.add.f32 [tilespmem:s13], [sflag:$0x3], $0x80, s30, s16, $0xb8;
	[tilespmem:$0x1E400] =	vst v63  }
0x69: {  	_ =	swait.ge [sflag:s14], $0x4000  }
0x6a: {  	[sflag:s14] =	ssyncset.done $0x0  }
0x6b: {  	[sflag:s14] =	ssyncadd.s32 $0xFFFFC000  }
0x6c: {  	_ =	swait.ge [sflag:s20], $0x4000  }
0x6d: {  	[sflag:s20] =	ssyncset.done $0x0  }
0x6e: {  	s22 =	sadd.s32 $0x1480, s22;
	[sflag:s20] =	ssyncadd.s32 $0xFFFFC000  }
0x6f: {  	[spmem:s2] =	stream.indirect.scatter.add.f32 [tilespmem:s17], [sflag:$0x3], $0x80, s22, s16, $0xb8;
	[tilespmem:$0x1E400] =	vst v63  }
0x70: {  	_ =	swait.ge [sflag:s14], $0x4000  }
0x71: {  	s3 =	sadd.s32 $0x1, s3;
	[sflag:s14] =	ssyncset.done $0x0  }
0x72: {  	p0 =	sne.s32 s3, s12;
	[sflag:s14] =	ssyncadd.s32 $0xFFFFC000  }
.Ltmp2:
0x73: {  	s31 =	sshrl.u32 s5, $0x3;
	[bflag:$0x0] =	sbarrier.arrive $0xFFFF;
	(pc) =	sbr.rel @p0 .LBB2_1-.Ltmp2, $4  }
0x74: {  	[hbm:s19], [sflag:s21] =	dma.local [spmem:s31], $0x2780  }
0x75: {  	_ =	swait.ge [sflag:s14], $0x2780  }
0x76: {  	[sflag:s14] =	ssyncset.done $0x0  }
0x77: {  	[sflag:s14] =	ssyncadd.s32 $0xFFFFD880  }
0x78: {  	_ =	sfence.sel $0x180000  }
0x79: {  	[bflag:$0x0] =	sbarrier.arrive $0xFFFF  }
0x7a: {  	p0 =	sne.s32 s0, $0x0;
	_ =	strace $0x9000004A  }
0x7b: {  	s0 =	sadd.s32 @!p0 $0x100000, s1;
	[bflag:$0x2] =	sbarrier.arrive $0xFFFF  }
0x7c: {  	[sflag:s0] =	ssyncadd.tile.s32 @!p0 $0x1;
	_ =	shalt  }
.Lfunc_end2:
_tile_overlayer_lowered:
.L_overlay_start_2:
0x7d: {  	(tag) =	ssettag $0x2  }
0x7e: {  	s0 =	rddreg [dreg:$0x0];
	s2 =	stileid.u32  }
0x7f: {  	s1 =	rddreg [dreg:$0x1];
	p0 =	sne.s32 s2, $0x0  }
0x80: {  	s3 =	rddreg [dreg:$0x2];
	[bflag:$0x3] =	sbarrier.arrive $0xFFFF;
	s2 =	simm.s32 @!p0 $0x1C03  }
0x81: {  	[timem:s3], [sflag:s2] =	dma.local @!p0 [hbm:s0], s1  }
0x82: {  	s0 =	simm.s32 @!p0 $0x3  }
0x83: {  	_ =	swait.ge @!p0 [sflag:s0], s1  }
0x84: {  	s1 =	ssub.s32 @!p0 $0x0, s1;
	[sflag:s0] =	ssyncset.done @!p0 $0x0  }
0x85: {  	[sflag:s0] =	ssyncadd.s32 @!p0 s1  }
0x86: {  	[bflag:$0x3] =	sbarrier.arrive $0xFFFF  }
0x87: {  	_ =	shalt  }

// kernel: kernel.20.cloned.1.call-start
scs
__scs_entry_jumppad:
0x0: {  	(pc) =	sbr.rel $0x88, $3  }
0x1: {  	(tag) =	ssettag $0x0;
	lr =	simm.s32 $0x1  }
0x2: {  	[smem:$0x3F9B] =	sst lr;
	_ =	strace $0xD0000000  }
0x3: {  	_ = 	snop  }
0x4: {  	_ = 	snop  }
0x5: {  	_ = 	snop  }
0x6: {  	_ = 	snop  }
0x7: {  	_ = 	snop  }
__scs_overlays_trampoline_lowered:
0x8: {  	[smem:$0x3FAA] =	sst s0  }
0x9: {  	[smem:$0x3FAB] =	sst s1  }
0xa: {  	[smem:$0x3FAC] =	sst s2  }
0xb: {  	[smem:$0x3FAD] =	sst s3  }
0xc: {  	[smem:$0x3FAE] =	sst s4  }
0xd: {  	[smem:$0x3FAF] =	sst s5  }
0xe: {  	[smem:$0x3FB0] =	sst s6  }
0xf: {  	[smem:$0x3FB1] =	sst s7  }
0x10: {  	[smem:$0x3FB2] =	sst s8  }
0x11: {  	[smem:$0x3FB3] =	sst s9;
	s0 =	simm.s32 @!p0 $0x0  }
0x12: {  	s1 =	sld [smem:$0x3F99];
	s0 =	simm.s32 @p0 $0x1  }
0x13: {  	[smem:$0x3FB4] =	sst s0;
	s0 =	simm.s32 @!p1 $0x0  }
0x14: {  	s2 =	sld [smem:$0x3F98];
	s0 =	simm.s32 @p1 $0x1  }
0x15: {  	[smem:$0x3FB5] =	sst s0;
	s0 =	simm.s32 @!p2 $0x0  }
0x16: {  	s3 =	sld [smem:$0x3FDB];
	s0 =	simm.s32 @p2 $0x1  }
0x17: {  	s4 =	simm.s32 $0x1BF5;
	[smem:$0x3FB7] =	sst s0  }
0x18: {  	s0 =	sld [smem:$0x3F9A];
	_ =	swait.ge [sflag:s4], $0x0  }
0x19: {  	s7 =	sld [smem:$0x3F9B]  }
0x1a: {  	s8 =	sadd.s32 $0xFFFFE003, lr  }
0x1b: {  	s9 =	sadd.s32 $0xFFFFFEF7, lr;
	s5 =	simm.s32 $0xFFFFFFFF;
	p2 =	slt.u32 s8, $0xFFFFF086  }
0x1c: {  	p1 =	slt.u32 s9, $0xF7A;
	s5 =	simm.s32 @!p2 $0x0  }
0x1d: {  	s5 =	simm.s32 @p1 $0x1;
	p0 =	seq.s32 s7, s2  }
0x1e: {  	s7 =	smul.u32 @!p0 $0xF7A, s2;
	p2 =	seq.s32 @!p0 s5, $0x0  }
0x1f: {  	s9 =	smul.u32 $0xF7A, s1;
	s8 =	simm.s32 @!p0 $0x1BF5;
	p2 =	por !p2, p0  }
0x20: {  	[sflag:s8] =	ssyncset.s32 @!p0 $0xFFFFF086;
	s6 =	sadd.s32 @!p0 s3, s7;
	s7 =	simm.s32 @!p0 $0x108  }
0x21: {  	s3 =	sadd.s32 s3, s9;
	s6 =	sadd.s32 @!p0 $0x88, s6;
	s7 =	simm.s32 @p2 $0x1082  }
0x22: {  	[simem:s7], [sflag:s8] =	dma.local @!p0 [hbm:s6], $0xF7A  }
0x23: {  	s9 =	sor.u32 $0xD0000000, s2;
	s6 =	simm.s32 $0x108;
	_ =	swait.ge @!p0 [sflag:s8], $0x0  }
0x24: {  	s3 =	sadd.s32 $0x88, s3;
	s6 =	simm.s32 @!p1 $0x1082;
	[sflag:s4] =	ssyncset.s32 $0xFFFFF086  }
0x25: {  	[simem:s6], [sflag:s4] =	dma.local [hbm:s3], $0xF7A  }
0x26: {  	[smem:$0x3F9B] =	sst s1;
	(tag) =	ssettag s2;
	_ =	strace s9  }
0x27: {  	s1 =	sld [smem:$0x3FAB]  }
0x28: {  	s2 =	sld [smem:$0x3FAC]  }
0x29: {  	s4 =	sld [smem:$0x3FAE]  }
0x2a: {  	p0 =	seq.s32 s5, $0x0;
	s5 =	sld [smem:$0x3FAF]  }
0x2b: {  	s6 =	sld [smem:$0x3FB0]  }
0x2c: {  	s7 =	sld [smem:$0x3FB1]  }
0x2d: {  	s3 =	simm.s32 $0x108;
	s8 =	sld [smem:$0x3FB2]  }
0x2e: {  	s3 =	simm.s32 @!p0 $0x1082;
	s9 =	sld [smem:$0x3FB3]  }
0x2f: {  	lr =	sadd.s32 s0, s3;
	s0 =	sld [smem:$0x3FAA]  }
0x30: {  	s3 =	sld [smem:$0x3FAD]  }
0x31: {  	[smem:$0x3FB6] =	sst s10  }
0x32: {  	s10 =	sld [smem:$0x3FB4];
	_ =	sdelay $0x3  }
0x33: {  	p0 =	seq.s32 s10, $0x1;
	s10 =	sld [smem:$0x3FB6];
	_ =	sdelay $0x3  }
0x34: {  	[smem:$0x3FB6] =	sst s10  }
0x35: {  	s10 =	sld [smem:$0x3FB5];
	_ =	sdelay $0x3  }
0x36: {  	p1 =	seq.s32 s10, $0x1;
	s10 =	sld [smem:$0x3FB6];
	_ =	sdelay $0x3  }
0x37: {  	[smem:$0x3FB6] =	sst s10  }
0x38: {  	s10 =	sld [smem:$0x3FB7]  }
0x39: {  	_ = 	snop;
	(pc) =	sbr.ind lr, $3  }
0x3a: {  	_ = 	snop  }
0x3b: {  	_ = 	snop  }
0x3c: {  	p2 =	seq.s32 s10, $0x1;
	s10 =	sld [smem:$0x3FB6]  }
0x3d: {  	_ =	shalt  }
0x3e: {  	_ =	shalt  }
0x3f: {  	_ =	shalt  }
0x40: {  	_ =	shalt  }
0x41: {  	_ =	shalt  }
0x42: {  	_ =	shalt  }
0x43: {  	_ =	shalt  }
0x44: {  	_ =	shalt  }
0x45: {  	_ =	shalt  }
0x46: {  	_ =	shalt  }
0x47: {  	_ =	shalt  }
0x48: {  	_ =	shalt  }
0x49: {  	_ =	shalt  }
0x4a: {  	_ =	shalt  }
0x4b: {  	_ =	shalt  }
0x4c: {  	_ =	shalt  }
0x4d: {  	_ =	shalt  }
0x4e: {  	_ =	shalt  }
0x4f: {  	_ =	shalt  }
0x50: {  	_ =	shalt  }
0x51: {  	_ =	shalt  }
0x52: {  	_ =	shalt  }
0x53: {  	_ =	shalt  }
0x54: {  	_ =	shalt  }
0x55: {  	_ =	shalt  }
0x56: {  	_ =	shalt  }
0x57: {  	_ =	shalt  }
0x58: {  	_ =	shalt  }
0x59: {  	_ =	shalt  }
0x5a: {  	_ =	shalt  }
0x5b: {  	_ =	shalt  }
0x5c: {  	_ =	shalt  }
0x5d: {  	_ =	shalt  }
0x5e: {  	_ =	shalt  }
0x5f: {  	_ =	shalt  }
0x60: {  	_ =	shalt  }
0x61: {  	_ =	shalt  }
0x62: {  	_ =	shalt  }
0x63: {  	_ =	shalt  }
0x64: {  	_ =	shalt  }
0x65: {  	_ =	shalt  }
0x66: {  	_ =	shalt  }
0x67: {  	_ =	shalt  }
0x68: {  	_ =	shalt  }
0x69: {  	_ =	shalt  }
0x6a: {  	_ =	shalt  }
0x6b: {  	_ =	shalt  }
0x6c: {  	_ =	shalt  }
0x6d: {  	_ =	shalt  }
0x6e: {  	_ =	shalt  }
0x6f: {  	_ =	shalt  }
0x70: {  	_ =	shalt  }
0x71: {  	_ =	shalt  }
0x72: {  	_ =	shalt  }
0x73: {  	_ =	shalt  }
0x74: {  	_ =	shalt  }
0x75: {  	_ =	shalt  }
0x76: {  	_ =	shalt  }
0x77: {  	_ =	shalt  }
0x78: {  	_ =	shalt  }
0x79: {  	_ =	shalt  }
0x7a: {  	_ =	shalt  }
0x7b: {  	_ =	shalt  }
0x7c: {  	_ =	shalt  }
0x7d: {  	_ =	shalt  }
0x7e: {  	_ =	shalt  }
0x7f: {  	_ =	shalt  }
0x80: {  	_ =	shalt  }
0x81: {  	_ =	shalt  }
0x82: {  	_ =	shalt  }
0x83: {  	_ =	shalt  }
0x84: {  	_ =	shalt  }
0x85: {  	_ =	shalt  }
0x86: {  	_ =	shalt  }
0x87: {  	_ =	shalt  }
.Lfunc_end0:
.L_simem_size_0:
called_computation.3_lowered:
.L_overlay_start_0:
0x88: {  	s2 =	sld [smem:$0x3FD9]  }
0x89: {  	s3 =	sld [smem:$0x3FFE];
	_ =	sdelay $0x1  }
0x8a: {  	s1 =	srdreg.scid  }
0x8b: {  	s0 =	sand.u32 $0x1, s1  }
0x8c: {  	s17 =	sshll.u32 s0, $0xA;
	s2 =	sadd.s32 s3, s2  }
0x8d: {  	s2 =	sadd.s32 s2, s17  }
0x8e: {  	[smem:$0x3FC2] =	sst s2  }
0x8f: {  	_ = 	snop  }
0x90: {  	s18 =	sld [smem:$0x3FD0];
	(tm) =	ssettm $0x1  }
0x91: {  	s19 =	sld [smem:$0x3FFB];
	_ =	sdelay $0x3  }
0x92: {  	_ =	strace s19  }
0x93: {  	s2 =	sld [smem:$0x3FFC];
	_ =	sdelay $0x3  }
0x94: {  	_ =	strace s2  }
0x95: {  	s2 =	sld [smem:$0x3FFD];
	_ =	sdelay $0x3  }
0x96: {  	_ =	strace s2  }
0x97: {  	_ =	strace $0x8FFFFFFF  }
0x98: {  	s20 =	sld [smem:$0x3FDB];
	_ =	sdelay $0x1  }
0x99: {  	s4 =	simm.s32 $_scs_section_size  }
0x9a: {  	s5 =	simm.s32 $_size__tile_overlayer_lowered;
	s6 =	simm.s32 $_tile_overlayer_lowered  }
0x9b: {  	s7 =	simm.s32 $0x1BFF;
	s21 =	sshll.u32 s6, $0x1;
	s4 =	sadd.s32 s4, s20  }
0x9c: {  	s22 =	simm.s32 $0x0;
	s5 =	sshll.u32 s5, $0x1;
	s6 =	sadd.s32 s21, s4  }
0x9d: {  	[timem:s22], [sflag:s7] =	dma.local [hbm:s6], s5  }
0x9e: {  	_ =	swait.ge [sflag:s7], s5  }
0x9f: {  	s5 =	ssub.s32 $0x0, s5;
	[sflag:s7] =	ssyncset.done $0x0  }
0xa0: {  	[sflag:s7] =	ssyncadd.s32 s5;
	_ =	sdelay $0x1  }
0xa1: {  	s23 =	simm.s32 $0x1B8B  }
0xa2: {  	_ =	swait.ge [sflag:s23], $0x1  }
0xa3: {  	[sflag:s23] =	ssyncset.done $0x0  }
0xa4: {  	[sflag:s23] =	ssyncadd.s32 $0xFFFFFFFF  }
0xa5: {  	s5 =	sld [smem:$0x0]  }
0xa6: {  	s6 =	sand.u32 $0xFFFFFFFE, s1  }
0xa7: {  	p0 =	sne.s32 s1, s6  }
0xa8: {  	s6 =	sshll.u32 @p0 s6, $0xE  }
0xa9: {  	s6 =	sadd.s32 @p0 $0x11B8D, s6;
	s7 =	sshll.u32 @p0 s5, $0x11  }
0xaa: {  	s6 =	sor.u32 @p0 s7, s6  }
0xab: {  	[sflag:s6] =	ssyncadd.remote.s32 @p0 $0x1;
	_ =	sdelay $0x1  }
0xac: {  	s6 =	simm.s32 @p0 $0x1B8D  }
0xad: {  	_ =	swait.eq @p0 [sflag:s6], $0x1  }
0xae: {  	[sflag:s6] =	ssyncadd.s32 @p0 $0xFFFFFFFF  }
0xaf: {  	s7 =	sshll.u32 @!p0 s1, $0xE  }
0xb0: {  	s7 =	sor.u32 @!p0 $0x4000, s7;
	s6 =	simm.s32 @!p0 $0x1B8D  }
0xb1: {  	s5 =	sshll.u32 @!p0 s5, $0x11;
	s7 =	sadd.s32 @!p0 $0x11B8D, s7;
	_ =	swait.eq @!p0 [sflag:s6], $0x1  }
0xb2: {  	s5 =	sor.u32 @!p0 s5, s7;
	[sflag:s6] =	ssyncadd.s32 @!p0 $0xFFFFFFFF  }
0xb3: {  	s25 =	simm.s32 $0x1B8E;
	s24 =	sld [smem:$0x3FFE];
	[sflag:s5] =	ssyncadd.remote.s32 @!p0 $0x1  }
0xb4: {  	s26 =	simm.s32 $execute0_lowered;
	[smem:$0x3FD2] =	sst s25  }
0xb5: {  	s6 =	sshll.u32 s26, $0x1;
	_ =	strace $0x80000052;
	[dreg:$0x1] =	wrdreg $0xFFFFFFFF  }
0xb6: {  	s28 =	simm.s32 $_size_execute0_lowered;
	s4 =	sadd.s32 s4, s6;
	[dreg:$0x0] =	wrdreg $0x0  }
0xb7: {  	s6 =	sshll.u32 s28, $0x1;
	[dreg:$0x2] =	wrdreg s4  }
0xb8: {  	[dreg:$0x3] =	wrdreg s6  }
0xb9: {  	[dreg:$0x4] =	wrdreg $0xC0  }
0xba: {  	_ =	task [dreg:s22], $0x5FFFF  }
0xbb: {  	[dreg:$0x1] =	wrdreg $0xFFFFFFFF  }
0xbc: {  	[dreg:$0x0] =	wrdreg $0x60  }
0xbd: {  	[dreg:$0x2] =	wrdreg s24  }
0xbe: {  	[dreg:$0x3] =	wrdreg s18  }
0xbf: {  	[dreg:$0x4] =	wrdreg $0xA8000  }
0xc0: {  	[dreg:$0x5] =	wrdreg $0x9  }
0xc1: {  	_ =	task.clear_ibuf [dreg:s22], $0x6FFFF;
	_ =	strace $0x90000052  }
0xc2: {  	s29 =	simm.s32 $0x9;
	_ =	strace $0x80000054  }
0xc3: {  	_ =	swait.ge [sflag:s29], $0x1  }
0xc4: {  	[sflag:s29] =	ssyncadd.s32 $0xFFFFFFFF  }
0xc5: {  	_ =	strace $0x90000054  }
0xc6: {  	_ =	sfence  }
0xc7: {  	s30 =	sld [smem:$0x0];
	_ =	sdelay $0x2  }
0xc8: {  	s31 =	sshll.u32 s1, $0xD;
	s1 =	sshrl.u32 s1, $0x2  }
0xc9: {  	s4 =	sand.u32 $0x4000, s31;
	s1 =	sadd.s32 s1, s30  }
0xca: {  	s0 =	sor.u32 s4, s0;
	s1 =	sshll.u32 s1, $0x11  }
0xcb: {  	s0 =	sor.u32 s1, s0  }
0xcc: {  	s0 =	sadd.s32 $0x8F2B, s0  }
0xcd: {  	[sflag:s0] =	ssyncadd.remote.s32 $0x1  }
0xce: {  	_ =	sfence.sel $0xFFFF  }
0xcf: {  	[dreg:$0x0] =	wrdreg $0xFFFFFFFF;
	(pc) =	sbr.abs _section_cstart, $3  }
0xd0: {  	[dreg:$0x1] =	wrdreg $0xFFFFFFFF  }
0xd1: {  	_ =	task.clear_ibuf [dreg:s22], $0x2FFFF;
	_ =	strace $0x9FFFFFFF  }
0xd2: {  	(tm) =	ssettm $0x7FFFFFFF  }
0xd3: {  	_ =	shalt  }
tec
execute0_lowered:
.L_overlay_start_1:
0x0: {  	(tag) =	ssettag $0x1  }
0x1: {  	s6 =	rddreg [dreg:$0x0]  }
0x2: {  	s11 =	rddreg [dreg:$0x1]  }
0x3: {  	s2 =	rddreg [dreg:$0x2]  }
0x4: {  	s0 =	rddreg [dreg:$0x3]  }
0x5: {  	s4 =	srdreg.scid;
	s1 =	stileid.u32  }
0x6: {  	s3 =	simm.s32 $0x0;
	s15 =	simm.s32 $0x1400;
	s16 =	simm.s32 $0x80  }
0x7: {  	s17 =	simm.s32 $0x6800;
	s18 =	simm.s32 $0x1;
	s5 =	sand.u32 $0x1, s4  }
0x8: {  	s28 =	sshll.u32 s1, $0x1;
	[smem:$0x7FF] =	sst s3;
	s8 =	smul.u32 $0x4F000, s1  }
0x9: {  	s4 =	sadd.s32 $0xD200, s6;
	s20 =	smul.u32 $0x2780, s1;
	s21 =	sshll.u32 s1, $0x6  }
0xa: {  	s7 =	sor.u32 s5, s28;
	_ =	strace $0x80000053;
	s29 =	smul.u32 $0x28000, s5  }
0xb: {  	s9 =	ssub.s32 $0x2, s5;
	s12 =	smul.u32 $0x280, s7;
	s30 =	sshrl.u32 s8, $0x2  }
0xc: {  	s21 =	sor.u32 $0x1C03, s21;
	s31 =	sshrl.u32 s9, $0x1;
	s5 =	sadd.s32 s30, s2  }
0xd: {  	s13 =	sadd.s32 s29, s6;
	s14 =	ssub.s32 s9, s31;
	s10 =	sadd.s32 s12, s6  }
0xe: {  	s6 =	sadd.s32 $0x4000, s5;
	s7 =	sadd.s32 $0x8000, s5;
	s8 =	sadd.s32 $0xC000, s5  }
0xf: {  	s9 =	sadd.s32 $0x10000, s5;
	s11 =	sadd.s32 s11, s12;
	s19 =	sadd.s32 $0xAD200, s13  }
0x10: {  	s12 =	smax.u32 s14, $0x1;
	s13 =	simm.s32 $0x2800;
	s14 =	simm.s32 $0x3  }
0x11: {  	v0 =	vimm.f32 $0.0e+00;
	s10 =	sadd.s32 $0x3200, s10;
	s19 =	sadd.s32 s20, s19;
	s20 =	simm.s32 $0x2  }
.LBB2_1:
0x12: {  	s22 =	simm.s32 $0x0;
	s23 =	simm.s32 $0x200  }
.LBB2_2:
0x13: {  	p0 =	sne.s32 s23, $0xFE00;
	[tilespmem:s22+$0x2870] =	vst v0  }
0x14: {  	[tilespmem:s22+$0x2800] =	vst v0  }
0x15: {  	[tilespmem:s22+$0x2810] =	vst v0  }
.Ltmp0:
0x16: {  	[tilespmem:s22+$0x2820] =	vst v0;
	(pc) =	sbr.rel @p0 .LBB2_2-.Ltmp0, $4  }
0x17: {  	[tilespmem:s22+$0x2830] =	vst v0  }
0x18: {  	[tilespmem:s22+$0x2840] =	vst v0  }
0x19: {  	[tilespmem:s22+$0x2850] =	vst v0  }
0x1a: {  	[tilespmem:s22+$0x2860] =	vst v0;
	s22 =	sshra.s32 s23, $0x2;
	s23 =	sadd.s32 $0x200, s23  }
0x1b: {  	[tilespmem:s22+$0x2870] =	vst v0  }
0x1c: {  	[tilespmem:s22+$0x2800] =	vst v0  }
0x1d: {  	[tilespmem:s22+$0x2810] =	vst v0  }
0x1e: {  	[tilespmem:s22+$0x2820] =	vst v0  }
0x1f: {  	[tilespmem:s22+$0x2830] =	vst v0  }
0x20: {  	[tilespmem:s22+$0x2840] =	vst v0  }
0x21: {  	[tilespmem:s22+$0x2850] =	vst v0  }
0x22: {  	[tilespmem:s22+$0x2860] =	vst v0  }
0x23: {  	[spmem:s5] =	stream.linear.scatter [tilespmem:s13], [sflag:$0x3], $0x4000, $0x38;
	[tilespmem:$0x1E400] =	vst v63  }
0x24: {  	_ =	swait.ge [sflag:s14], $0x4000  }
0x25: {  	[sflag:s14] =	ssyncset.done $0x0  }
0x26: {  	[sflag:s14] =	ssyncadd.s32 $0xFFFFC000  }
0x27: {  	[spmem:s6] =	stream.linear.scatter [tilespmem:s13], [sflag:$0x3], $0x4000, $0x38;
	[tilespmem:$0x1E400] =	vst v63  }
0x28: {  	_ =	swait.ge [sflag:s14], $0x4000  }
0x29: {  	[sflag:s14] =	ssyncset.done $0x0  }
0x2a: {  	[sflag:s14] =	ssyncadd.s32 $0xFFFFC000  }
0x2b: {  	[spmem:s7] =	stream.linear.scatter [tilespmem:s13], [sflag:$0x3], $0x4000, $0x38;
	[tilespmem:$0x1E400] =	vst v63  }
0x2c: {  	_ =	swait.ge [sflag:s14], $0x4000  }
0x2d: {  	[sflag:s14] =	ssyncset.done $0x0  }
0x2e: {  	[sflag:s14] =	ssyncadd.s32 $0xFFFFC000  }
0x2f: {  	[spmem:s8] =	stream.linear.scatter [tilespmem:s13], [sflag:$0x3], $0x4000, $0x38;
	[tilespmem:$0x1E400] =	vst v63  }
0x30: {  	_ =	swait.ge [sflag:s14], $0x4000  }
0x31: {  	[sflag:s14] =	ssyncset.done $0x0  }
0x32: {  	[sflag:s14] =	ssyncadd.s32 $0xFFFFC000  }
0x33: {  	[spmem:s9] =	stream.linear.scatter [tilespmem:s13], [sflag:$0x3], $0x3C00, $0x38;
	[tilespmem:$0x1E400] =	vst v63  }
0x34: {  	_ =	swait.ge [sflag:s14], $0x3C00  }
0x35: {  	[sflag:s14] =	ssyncset.done $0x0  }
0x36: {  	s26 =	simm.s32 $0x0;
	[sflag:s14] =	ssyncadd.s32 $0xFFFFC400  }
0x37: {  	[tilespmem:s26], [sflag:$0x3] =	stream.linear.gather [hbm4b:s10+s26], $0x1400, $0x38;
	[tilespmem:$0x1E400] =	vst v63  }
0x38: {  	_ =	swait.ge [sflag:s14], $0x1400  }
0x39: {  	[sflag:s14] =	ssyncset.done $0x0  }
0x3a: {  	[sflag:s14] =	ssyncadd.s32 $0xFFFFEC00  }
0x3b: {  	[tilespmem:s15], [sflag:$0x3] =	stream.linear.gather [hbm4b:s11+s26], $0x1400, $0x38;
	[tilespmem:$0x1E400] =	vst v63  }
0x3c: {  	_ =	swait.ge [sflag:s14], $0x1400  }
0x3d: {  	[sflag:s14] =	ssyncset.done $0x0  }
0x3e: {  	[sflag:s14] =	ssyncadd.s32 $0xFFFFEC00  }
0x3f: {  	s28 =	simm.s32 $0x0;
	[bflag:$0x0] =	sbarrier.arrive $0xFFFF  }
0x40: {  	[tilespmem:s13], [sflag:$0x1] =	stream.indirect.gather [hbm4b:s4+s16], $0x80, s28, s16, $0xb8;
	[tilespmem:$0x1E400] =	vst v63  }
0x41: {  	s29 =	simm.s32 $0x80  }
0x42: {  	[tilespmem:s17], [sflag:$0x2] =	stream.indirect.gather [hbm4b:s4+s16], $0x80, s29, s16, $0xb8;
	[tilespmem:$0x1E400] =	vst v63  }
0x43: {  	_ =	swait.ge [sflag:s18], $0x4000  }
0x44: {  	[sflag:s18] =	ssyncset.done $0x0  }
0x45: {  	s30 =	simm.s32 $0x1400;
	[sflag:s18] =	ssyncadd.s32 $0xFFFFC000  }
0x46: {  	[spmem:s2] =	stream.indirect.scatter.add.f32 [tilespmem:s13], [sflag:$0x3], $0x80, s30, s16, $0xb8;
	[tilespmem:$0x1E400] =	vst v63  }
0x47: {  	_ =	swait.ge [sflag:s14], $0x4000  }
0x48: {  	[sflag:s14] =	ssyncset.done $0x0  }
0x49: {  	[sflag:s14] =	ssyncadd.s32 $0xFFFFC000  }
0x4a: {  	_ =	swait.ge [sflag:s20], $0x4000  }
0x4b: {  	[sflag:s20] =	ssyncset.done $0x0  }
0x4c: {  	s31 =	simm.s32 $0x1480;
	[sflag:s20] =	ssyncadd.s32 $0xFFFFC000  }
0x4d: {  	[spmem:s2] =	stream.indirect.scatter.add.f32 [tilespmem:s17], [sflag:$0x3], $0x80, s31, s16, $0xb8;
	[tilespmem:$0x1E400] =	vst v63  }
0x4e: {  	_ =	swait.ge [sflag:s14], $0x4000  }
0x4f: {  	s22 =	simm.s32 $0x400;
	s23 =	simm.s32 $0x800;
	[sflag:s14] =	ssyncset.done $0x0  }
.LBB2_4:
0x50: {  	s24 =	sshra.s32 s22, $0x2  }
0x51: {  	[sflag:s14] =	ssyncadd.s32 $0xFFFFC000;
	s22 =	smov.u32 s23;
	s25 =	sadd.s32 $0x400, s23  }
0x52: {  	[tilespmem:s13], [sflag:$0x1] =	stream.indirect.gather [hbm4b:s4+s16], $0x80, s24, s16, $0xb8;
	[tilespmem:$0x1E400] =	vst v63  }
0x53: {  	p0 =	sne.s32 s23, $0x4C00;
	s23 =	sadd.s32 $0x80, s24  }
0x54: {  	[tilespmem:s17], [sflag:$0x2] =	stream.indirect.gather [hbm4b:s4+s16], $0x80, s23, s16, $0xb8;
	[tilespmem:$0x1E400] =	vst v63  }
0x55: {  	_ =	swait.ge [sflag:s18], $0x4000  }
0x56: {  	[sflag:s18] =	ssyncset.done $0x0  }
0x57: {  	s23 =	sadd.s32 $0x1400, s24;
	[sflag:s18] =	ssyncadd.s32 $0xFFFFC000  }
0x58: {  	[spmem:s2] =	stream.indirect.scatter.add.f32 [tilespmem:s13], [sflag:$0x3], $0x80, s23, s16, $0xb8;
	[tilespmem:$0x1E400] =	vst v63  }
0x59: {  	_ =	swait.ge [sflag:s14], $0x4000  }
0x5a: {  	[sflag:s14] =	ssyncset.done $0x0  }
0x5b: {  	[sflag:s14] =	ssyncadd.s32 $0xFFFFC000  }
0x5c: {  	_ =	swait.ge [sflag:s20], $0x4000  }
.Ltmp1:
0x5d: {  	[sflag:s20] =	ssyncset.done $0x0;
	(pc) =	sbr.rel @p0 .LBB2_4-.Ltmp1, $4  }
0x5e: {  	s23 =	sadd.s32 $0x1480, s24;
	[sflag:s20] =	ssyncadd.s32 $0xFFFFC000  }
0x5f: {  	[spmem:s2] =	stream.indirect.scatter.add.f32 [tilespmem:s17], [sflag:$0x3], $0x80, s23, s16, $0xb8;
	[tilespmem:$0x1E400] =	vst v63  }
0x60: {  	_ =	swait.ge [sflag:s14], $0x4000  }
0x61: {  	s23 =	smov.u32 s25;
	[sflag:s14] =	ssyncset.done $0x0  }
0x62: {  	s22 =	sshra.s32 s22, $0x2;
	[sflag:s14] =	ssyncadd.s32 $0xFFFFC000  }
0x63: {  	[tilespmem:s13], [sflag:$0x1] =	stream.indirect.gather [hbm4b:s4+s16], $0x80, s22, s16, $0xb8;
	[tilespmem:$0x1E400] =	vst v63  }
0x64: {  	s23 =	sadd.s32 $0x80, s22  }
0x65: {  	[tilespmem:s17], [sflag:$0x2] =	stream.indirect.gather [hbm4b:s4+s16], $0x80, s23, s16, $0xb8;
	[tilespmem:$0x1E400] =	vst v63  }
0x66: {  	_ =	swait.ge [sflag:s18], $0x4000  }
0x67: {  	[sflag:s18] =	ssyncset.done $0x0  }
0x68: {  	s30 =	sadd.s32 $0x1400, s22;
	[sflag:s18] =	ssyncadd.s32 $0xFFFFC000  }
0x69: {  	[spmem:s2] =	stream.indirect.scatter.add.f32 [tilespmem:s13], [sflag:$0x3], $0x80, s30, s16, $0xb8;
	[tilespmem:$0x1E400] =	vst v63  }
0x6a: {  	_ =	swait.ge [sflag:s14], $0x4000  }
0x6b: {  	[sflag:s14] =	ssyncset.done $0x0  }
0x6c: {  	[sflag:s14] =	ssyncadd.s32 $0xFFFFC000  }
0x6d: {  	_ =	swait.ge [sflag:s20], $0x4000  }
0x6e: {  	[sflag:s20] =	ssyncset.done $0x0  }
0x6f: {  	s22 =	sadd.s32 $0x1480, s22;
	[sflag:s20] =	ssyncadd.s32 $0xFFFFC000  }
0x70: {  	[spmem:s2] =	stream.indirect.scatter.add.f32 [tilespmem:s17], [sflag:$0x3], $0x80, s22, s16, $0xb8;
	[tilespmem:$0x1E400] =	vst v63  }
0x71: {  	_ =	swait.ge [sflag:s14], $0x4000  }
0x72: {  	s3 =	sadd.s32 $0x1, s3;
	[sflag:s14] =	ssyncset.done $0x0  }
0x73: {  	p0 =	sne.s32 s3, s12;
	[sflag:s14] =	ssyncadd.s32 $0xFFFFC000  }
.Ltmp2:
0x74: {  	s31 =	sshrl.u32 s5, $0x3;
	[bflag:$0x0] =	sbarrier.arrive $0xFFFF;
	(pc) =	sbr.rel @p0 .LBB2_1-.Ltmp2, $4  }
0x75: {  	[hbm:s19], [sflag:s21] =	dma.local [spmem:s31], $0x2780  }
0x76: {  	_ =	swait.ge [sflag:s14], $0x2780  }
0x77: {  	[sflag:s14] =	ssyncset.done $0x0  }
0x78: {  	[sflag:s14] =	ssyncadd.s32 $0xFFFFD880  }
0x79: {  	_ =	sfence.sel $0x180000  }
0x7a: {  	[bflag:$0x0] =	sbarrier.arrive $0xFFFF  }
0x7b: {  	p0 =	sne.s32 s1, $0x0;
	_ =	strace $0x90000053  }
0x7c: {  	s0 =	sadd.s32 @!p0 $0x100000, s0;
	[bflag:$0x2] =	sbarrier.arrive $0xFFFF  }
0x7d: {  	[sflag:s0] =	ssyncadd.tile.s32 @!p0 $0x1;
	_ =	shalt  }
.Lfunc_end2:
_tile_overlayer_lowered:
.L_overlay_start_2:
0x7e: {  	(tag) =	ssettag $0x2  }
0x7f: {  	s0 =	rddreg [dreg:$0x0];
	s2 =	stileid.u32  }
0x80: {  	s1 =	rddreg [dreg:$0x1];
	p0 =	sne.s32 s2, $0x0  }
0x81: {  	s3 =	rddreg [dreg:$0x2];
	[bflag:$0x3] =	sbarrier.arrive $0xFFFF;
	s2 =	simm.s32 @!p0 $0x1C03  }
0x82: {  	[timem:s3], [sflag:s2] =	dma.local @!p0 [hbm:s0], s1  }
0x83: {  	s0 =	simm.s32 @!p0 $0x3  }
0x84: {  	_ =	swait.ge @!p0 [sflag:s0], s1  }
0x85: {  	s1 =	ssub.s32 @!p0 $0x0, s1;
	[sflag:s0] =	ssyncset.done @!p0 $0x0  }
0x86: {  	[sflag:s0] =	ssyncadd.s32 @!p0 s1  }
0x87: {  	[bflag:$0x3] =	sbarrier.arrive $0xFFFF  }
0x88: {  	_ =	shalt  }

// kernel: kernel.23.cloned.1.call-start
scs
__scs_entry_jumppad:
0x0: {  	(pc) =	sbr.rel $0x88, $3  }
0x1: {  	(tag) =	ssettag $0x0;
	lr =	simm.s32 $0x1  }
0x2: {  	[smem:$0x3F9B] =	sst lr;
	_ =	strace $0xD0000000  }
0x3: {  	_ = 	snop  }
0x4: {  	_ = 	snop  }
0x5: {  	_ = 	snop  }
0x6: {  	_ = 	snop  }
0x7: {  	_ = 	snop  }
__scs_overlays_trampoline_lowered:
0x8: {  	[smem:$0x3FAA] =	sst s0  }
0x9: {  	[smem:$0x3FAB] =	sst s1  }
0xa: {  	[smem:$0x3FAC] =	sst s2  }
0xb: {  	[smem:$0x3FAD] =	sst s3  }
0xc: {  	[smem:$0x3FAE] =	sst s4  }
0xd: {  	[smem:$0x3FAF] =	sst s5  }
0xe: {  	[smem:$0x3FB0] =	sst s6  }
0xf: {  	[smem:$0x3FB1] =	sst s7  }
0x10: {  	[smem:$0x3FB2] =	sst s8  }
0x11: {  	[smem:$0x3FB3] =	sst s9;
	s0 =	simm.s32 @!p0 $0x0  }
0x12: {  	s1 =	sld [smem:$0x3F99];
	s0 =	simm.s32 @p0 $0x1  }
0x13: {  	[smem:$0x3FB4] =	sst s0;
	s0 =	simm.s32 @!p1 $0x0  }
0x14: {  	s2 =	sld [smem:$0x3F98];
	s0 =	simm.s32 @p1 $0x1  }
0x15: {  	[smem:$0x3FB5] =	sst s0;
	s0 =	simm.s32 @!p2 $0x0  }
0x16: {  	s3 =	sld [smem:$0x3FDB];
	s0 =	simm.s32 @p2 $0x1  }
0x17: {  	s4 =	simm.s32 $0x1BF5;
	[smem:$0x3FB7] =	sst s0  }
0x18: {  	s0 =	sld [smem:$0x3F9A];
	_ =	swait.ge [sflag:s4], $0x0  }
0x19: {  	s7 =	sld [smem:$0x3F9B]  }
0x1a: {  	s8 =	sadd.s32 $0xFFFFE003, lr  }
0x1b: {  	s9 =	sadd.s32 $0xFFFFFEF7, lr;
	s5 =	simm.s32 $0xFFFFFFFF;
	p2 =	slt.u32 s8, $0xFFFFF086  }
0x1c: {  	p1 =	slt.u32 s9, $0xF7A;
	s5 =	simm.s32 @!p2 $0x0  }
0x1d: {  	s5 =	simm.s32 @p1 $0x1;
	p0 =	seq.s32 s7, s2  }
0x1e: {  	s7 =	smul.u32 @!p0 $0xF7A, s2;
	p2 =	seq.s32 @!p0 s5, $0x0  }
0x1f: {  	s9 =	smul.u32 $0xF7A, s1;
	s8 =	simm.s32 @!p0 $0x1BF5;
	p2 =	por !p2, p0  }
0x20: {  	[sflag:s8] =	ssyncset.s32 @!p0 $0xFFFFF086;
	s6 =	sadd.s32 @!p0 s3, s7;
	s7 =	simm.s32 @!p0 $0x108  }
0x21: {  	s3 =	sadd.s32 s3, s9;
	s6 =	sadd.s32 @!p0 $0x88, s6;
	s7 =	simm.s32 @p2 $0x1082  }
0x22: {  	[simem:s7], [sflag:s8] =	dma.local @!p0 [hbm:s6], $0xF7A  }
0x23: {  	s9 =	sor.u32 $0xD0000000, s2;
	s6 =	simm.s32 $0x108;
	_ =	swait.ge @!p0 [sflag:s8], $0x0  }
0x24: {  	s3 =	sadd.s32 $0x88, s3;
	s6 =	simm.s32 @!p1 $0x1082;
	[sflag:s4] =	ssyncset.s32 $0xFFFFF086  }
0x25: {  	[simem:s6], [sflag:s4] =	dma.local [hbm:s3], $0xF7A  }
0x26: {  	[smem:$0x3F9B] =	sst s1;
	(tag) =	ssettag s2;
	_ =	strace s9  }
0x27: {  	s1 =	sld [smem:$0x3FAB]  }
0x28: {  	s2 =	sld [smem:$0x3FAC]  }
0x29: {  	s4 =	sld [smem:$0x3FAE]  }
0x2a: {  	p0 =	seq.s32 s5, $0x0;
	s5 =	sld [smem:$0x3FAF]  }
0x2b: {  	s6 =	sld [smem:$0x3FB0]  }
0x2c: {  	s7 =	sld [smem:$0x3FB1]  }
0x2d: {  	s3 =	simm.s32 $0x108;
	s8 =	sld [smem:$0x3FB2]  }
0x2e: {  	s3 =	simm.s32 @!p0 $0x1082;
	s9 =	sld [smem:$0x3FB3]  }
0x2f: {  	lr =	sadd.s32 s0, s3;
	s0 =	sld [smem:$0x3FAA]  }
0x30: {  	s3 =	sld [smem:$0x3FAD]  }
0x31: {  	[smem:$0x3FB6] =	sst s10  }
0x32: {  	s10 =	sld [smem:$0x3FB4];
	_ =	sdelay $0x3  }
0x33: {  	p0 =	seq.s32 s10, $0x1;
	s10 =	sld [smem:$0x3FB6];
	_ =	sdelay $0x3  }
0x34: {  	[smem:$0x3FB6] =	sst s10  }
0x35: {  	s10 =	sld [smem:$0x3FB5];
	_ =	sdelay $0x3  }
0x36: {  	p1 =	seq.s32 s10, $0x1;
	s10 =	sld [smem:$0x3FB6];
	_ =	sdelay $0x3  }
0x37: {  	[smem:$0x3FB6] =	sst s10  }
0x38: {  	s10 =	sld [smem:$0x3FB7]  }
0x39: {  	_ = 	snop;
	(pc) =	sbr.ind lr, $3  }
0x3a: {  	_ = 	snop  }
0x3b: {  	_ = 	snop  }
0x3c: {  	p2 =	seq.s32 s10, $0x1;
	s10 =	sld [smem:$0x3FB6]  }
0x3d: {  	_ =	shalt  }
0x3e: {  	_ =	shalt  }
0x3f: {  	_ =	shalt  }
0x40: {  	_ =	shalt  }
0x41: {  	_ =	shalt  }
0x42: {  	_ =	shalt  }
0x43: {  	_ =	shalt  }
0x44: {  	_ =	shalt  }
0x45: {  	_ =	shalt  }
0x46: {  	_ =	shalt  }
0x47: {  	_ =	shalt  }
0x48: {  	_ =	shalt  }
0x49: {  	_ =	shalt  }
0x4a: {  	_ =	shalt  }
0x4b: {  	_ =	shalt  }
0x4c: {  	_ =	shalt  }
0x4d: {  	_ =	shalt  }
0x4e: {  	_ =	shalt  }
0x4f: {  	_ =	shalt  }
0x50: {  	_ =	shalt  }
0x51: {  	_ =	shalt  }
0x52: {  	_ =	shalt  }
0x53: {  	_ =	shalt  }
0x54: {  	_ =	shalt  }
0x55: {  	_ =	shalt  }
0x56: {  	_ =	shalt  }
0x57: {  	_ =	shalt  }
0x58: {  	_ =	shalt  }
0x59: {  	_ =	shalt  }
0x5a: {  	_ =	shalt  }
0x5b: {  	_ =	shalt  }
0x5c: {  	_ =	shalt  }
0x5d: {  	_ =	shalt  }
0x5e: {  	_ =	shalt  }
0x5f: {  	_ =	shalt  }
0x60: {  	_ =	shalt  }
0x61: {  	_ =	shalt  }
0x62: {  	_ =	shalt  }
0x63: {  	_ =	shalt  }
0x64: {  	_ =	shalt  }
0x65: {  	_ =	shalt  }
0x66: {  	_ =	shalt  }
0x67: {  	_ =	shalt  }
0x68: {  	_ =	shalt  }
0x69: {  	_ =	shalt  }
0x6a: {  	_ =	shalt  }
0x6b: {  	_ =	shalt  }
0x6c: {  	_ =	shalt  }
0x6d: {  	_ =	shalt  }
0x6e: {  	_ =	shalt  }
0x6f: {  	_ =	shalt  }
0x70: {  	_ =	shalt  }
0x71: {  	_ =	shalt  }
0x72: {  	_ =	shalt  }
0x73: {  	_ =	shalt  }
0x74: {  	_ =	shalt  }
0x75: {  	_ =	shalt  }
0x76: {  	_ =	shalt  }
0x77: {  	_ =	shalt  }
0x78: {  	_ =	shalt  }
0x79: {  	_ =	shalt  }
0x7a: {  	_ =	shalt  }
0x7b: {  	_ =	shalt  }
0x7c: {  	_ =	shalt  }
0x7d: {  	_ =	shalt  }
0x7e: {  	_ =	shalt  }
0x7f: {  	_ =	shalt  }
0x80: {  	_ =	shalt  }
0x81: {  	_ =	shalt  }
0x82: {  	_ =	shalt  }
0x83: {  	_ =	shalt  }
0x84: {  	_ =	shalt  }
0x85: {  	_ =	shalt  }
0x86: {  	_ =	shalt  }
0x87: {  	_ =	shalt  }
.Lfunc_end0:
.L_simem_size_0:
called_computation.4_lowered:
.L_overlay_start_0:
0x88: {  	s2 =	sld [smem:$0x3FD9]  }
0x89: {  	s3 =	sld [smem:$0x3FFE];
	_ =	sdelay $0x1  }
0x8a: {  	s1 =	srdreg.scid  }
0x8b: {  	s0 =	sand.u32 $0x1, s1  }
0x8c: {  	s17 =	sshll.u32 s0, $0xA;
	s2 =	sadd.s32 s3, s2  }
0x8d: {  	s2 =	sadd.s32 s2, s17  }
0x8e: {  	[smem:$0x3FC2] =	sst s2  }
0x8f: {  	_ = 	snop  }
0x90: {  	s2 =	sld [smem:$0x3FD0];
	(tm) =	ssettm $0x1  }
0x91: {  	s18 =	sld [smem:$0x3FFB];
	_ =	sdelay $0x3  }
0x92: {  	_ =	strace s18  }
0x93: {  	s3 =	sld [smem:$0x3FFC];
	_ =	sdelay $0x3  }
0x94: {  	_ =	strace s3  }
0x95: {  	s3 =	sld [smem:$0x3FFD];
	_ =	sdelay $0x3  }
0x96: {  	_ =	strace s3  }
0x97: {  	_ =	strace $0x8FFFFFFF  }
0x98: {  	s19 =	sld [smem:$0x3FDB];
	_ =	sdelay $0x1  }
0x99: {  	s4 =	simm.s32 $_scs_section_size  }
0x9a: {  	s5 =	simm.s32 $_size__tile_overlayer_lowered;
	s6 =	simm.s32 $_tile_overlayer_lowered  }
0x9b: {  	s22 =	simm.s32 $0x1BFF;
	s21 =	sshll.u32 s6, $0x1;
	s3 =	sadd.s32 s4, s19  }
0x9c: {  	s7 =	simm.s32 $0x0;
	s20 =	sshll.u32 s5, $0x1;
	s5 =	sadd.s32 s21, s3  }
0x9d: {  	[timem:s7], [sflag:s22] =	dma.local [hbm:s5], s20  }
0x9e: {  	_ =	swait.ge [sflag:s22], s20  }
0x9f: {  	s4 =	ssub.s32 $0x0, s20;
	[sflag:s22] =	ssyncset.done $0x0  }
0xa0: {  	[sflag:s22] =	ssyncadd.s32 s4;
	_ =	sdelay $0x1  }
0xa1: {  	s23 =	simm.s32 $0x1B8B  }
0xa2: {  	_ =	swait.ge [sflag:s23], $0x1  }
0xa3: {  	[sflag:s23] =	ssyncset.done $0x0  }
0xa4: {  	s25 =	simm.s32 $0x1B8E;
	s24 =	sld [smem:$0x3FFE];
	[sflag:s23] =	ssyncadd.s32 $0xFFFFFFFF  }
0xa5: {  	s26 =	simm.s32 $execute0_lowered;
	[smem:$0x3FD2] =	sst s25  }
0xa6: {  	s5 =	sshll.u32 s26, $0x1;
	_ =	strace $0x8000004F;
	[dreg:$0x1] =	wrdreg $0xFFFFFFFF  }
0xa7: {  	s28 =	simm.s32 $_size_execute0_lowered;
	s3 =	sadd.s32 s3, s5;
	[dreg:$0x0] =	wrdreg $0x0  }
0xa8: {  	s5 =	sshll.u32 s28, $0x1;
	[dreg:$0x2] =	wrdreg s3  }
0xa9: {  	[dreg:$0x3] =	wrdreg s5  }
0xaa: {  	[dreg:$0x4] =	wrdreg $0xC0  }
0xab: {  	_ =	task [dreg:s7], $0x5FFFF  }
0xac: {  	[dreg:$0x1] =	wrdreg $0xFFFFFFFF  }
0xad: {  	[dreg:$0x0] =	wrdreg $0x60  }
0xae: {  	[dreg:$0x2] =	wrdreg s24  }
0xaf: {  	[dreg:$0x3] =	wrdreg s2  }
0xb0: {  	[dreg:$0x4] =	wrdreg $0xA8000  }
0xb1: {  	[dreg:$0x5] =	wrdreg $0xA  }
0xb2: {  	_ =	task.clear_ibuf [dreg:s7], $0x6FFFF;
	_ =	strace $0x9000004F  }
0xb3: {  	s29 =	simm.s32 $0xA;
	_ =	strace $0x80000051  }
0xb4: {  	_ =	swait.ge [sflag:s29], $0x1  }
0xb5: {  	[sflag:s29] =	ssyncadd.s32 $0xFFFFFFFF  }
0xb6: {  	_ =	strace $0x90000051  }
0xb7: {  	_ =	sfence  }
0xb8: {  	s30 =	sld [smem:$0x0];
	_ =	sdelay $0x2  }
0xb9: {  	s31 =	sshll.u32 s1, $0xD;
	s1 =	sshrl.u32 s1, $0x2  }
0xba: {  	s3 =	sand.u32 $0x4000, s31;
	s1 =	sadd.s32 s1, s30  }
0xbb: {  	s0 =	sor.u32 s3, s0;
	s1 =	sshll.u32 s1, $0x11  }
0xbc: {  	s0 =	sor.u32 s1, s0  }
0xbd: {  	s0 =	sadd.s32 $0x8F2B, s0  }
0xbe: {  	[sflag:s0] =	ssyncadd.remote.s32 $0x1  }
0xbf: {  	_ =	sfence.sel $0xFFFF  }
0xc0: {  	[dreg:$0x0] =	wrdreg $0xFFFFFFFF;
	(pc) =	sbr.abs _section_cstart, $3  }
0xc1: {  	[dreg:$0x1] =	wrdreg $0xFFFFFFFF  }
0xc2: {  	_ =	task.clear_ibuf [dreg:s7], $0x2FFFF;
	_ =	strace $0x9FFFFFFF  }
0xc3: {  	(tm) =	ssettm $0x7FFFFFFF  }
tec
execute0_lowered:
.L_overlay_start_1:
0x0: {  	(tag) =	ssettag $0x1  }
0x1: {  	s6 =	rddreg [dreg:$0x0]  }
0x2: {  	s1 =	srdreg.scid;
	s11 =	rddreg [dreg:$0x1]  }
0x3: {  	s0 =	stileid.u32;
	s2 =	rddreg [dreg:$0x2]  }
0x4: {  	s3 =	simm.s32 $0x0;
	s15 =	simm.s32 $0x1400;
	s16 =	simm.s32 $0x80  }
0x5: {  	s17 =	simm.s32 $0x6800;
	s18 =	simm.s32 $0x1;
	s5 =	sand.u32 $0x1, s1  }
0x6: {  	s28 =	sshll.u32 s0, $0x1;
	[smem:$0x7FF] =	sst s3;
	s8 =	smul.u32 $0x4F000, s0  }
0x7: {  	s20 =	smul.u32 $0x2780, s0;
	s21 =	sshll.u32 s0, $0x6;
	s1 =	sor.u32 s5, s28  }
0x8: {  	s29 =	smul.u32 $0x28000, s5;
	s9 =	ssub.s32 $0x2, s5;
	s21 =	sor.u32 $0x1C03, s21  }
0x9: {  	s4 =	smul.u32 $0x1400, s1;
	s1 =	rddreg [dreg:$0x3];
	s30 =	sshrl.u32 s8, $0x2  }
0xa: {  	_ =	strace $0x80000050;
	s31 =	sshrl.u32 s9, $0x1;
	s5 =	sadd.s32 s30, s2  }
0xb: {  	s13 =	sadd.s32 s29, s6;
	s14 =	ssub.s32 s9, s31;
	s7 =	sshrl.u32 s4, $0x3  }
0xc: {  	s4 =	sadd.s32 $0xD200, s6;
	s8 =	sadd.s32 $0xC000, s5;
	s9 =	sadd.s32 $0x10000, s5  }
0xd: {  	s19 =	sadd.s32 $0x5D200, s13;
	s13 =	simm.s32 $0x2800;
	s12 =	sadd.s32 $0x5000, s7  }
0xe: {  	s7 =	sadd.s32 $0x8000, s5;
	s19 =	sadd.s32 s20, s19;
	s20 =	simm.s32 $0x2  }
0xf: {  	s10 =	sadd.s32 s12, s6;
	s6 =	sadd.s32 $0x4000, s5;
	s11 =	sadd.s32 s11, s12  }
0x10: {  	v0 =	vimm.f32 $0.0e+00;
	s12 =	smax.u32 s14, $0x1;
	s14 =	simm.s32 $0x3;
	s10 =	sadd.s32 $0x3200, s10  }
.LBB2_1:
0x11: {  	s22 =	simm.s32 $0x0;
	s23 =	simm.s32 $0x200  }
.LBB2_2:
0x12: {  	p0 =	sne.s32 s23, $0xFE00;
	[tilespmem:s22+$0x2870] =	vst v0  }
0x13: {  	[tilespmem:s22+$0x2800] =	vst v0  }
0x14: {  	[tilespmem:s22+$0x2810] =	vst v0  }
.Ltmp0:
0x15: {  	[tilespmem:s22+$0x2820] =	vst v0;
	(pc) =	sbr.rel @p0 .LBB2_2-.Ltmp0, $4  }
0x16: {  	[tilespmem:s22+$0x2830] =	vst v0  }
0x17: {  	[tilespmem:s22+$0x2840] =	vst v0  }
0x18: {  	[tilespmem:s22+$0x2850] =	vst v0  }
0x19: {  	[tilespmem:s22+$0x2860] =	vst v0;
	s22 =	sshra.s32 s23, $0x2;
	s23 =	sadd.s32 $0x200, s23  }
0x1a: {  	[tilespmem:s22+$0x2870] =	vst v0  }
0x1b: {  	[tilespmem:s22+$0x2800] =	vst v0  }
0x1c: {  	[tilespmem:s22+$0x2810] =	vst v0  }
0x1d: {  	[tilespmem:s22+$0x2820] =	vst v0  }
0x1e: {  	[tilespmem:s22+$0x2830] =	vst v0  }
0x1f: {  	[tilespmem:s22+$0x2840] =	vst v0  }
0x20: {  	[tilespmem:s22+$0x2850] =	vst v0  }
0x21: {  	[tilespmem:s22+$0x2860] =	vst v0  }
0x22: {  	[spmem:s5] =	stream.linear.scatter [tilespmem:s13], [sflag:$0x3], $0x4000, $0x38;
	[tilespmem:$0x1E400] =	vst v63  }
0x23: {  	_ =	swait.ge [sflag:s14], $0x4000  }
0x24: {  	[sflag:s14] =	ssyncset.done $0x0  }
0x25: {  	[sflag:s14] =	ssyncadd.s32 $0xFFFFC000  }
0x26: {  	[spmem:s6] =	stream.linear.scatter [tilespmem:s13], [sflag:$0x3], $0x4000, $0x38;
	[tilespmem:$0x1E400] =	vst v63  }
0x27: {  	_ =	swait.ge [sflag:s14], $0x4000  }
0x28: {  	[sflag:s14] =	ssyncset.done $0x0  }
0x29: {  	[sflag:s14] =	ssyncadd.s32 $0xFFFFC000  }
0x2a: {  	[spmem:s7] =	stream.linear.scatter [tilespmem:s13], [sflag:$0x3], $0x4000, $0x38;
	[tilespmem:$0x1E400] =	vst v63  }
0x2b: {  	_ =	swait.ge [sflag:s14], $0x4000  }
0x2c: {  	[sflag:s14] =	ssyncset.done $0x0  }
0x2d: {  	[sflag:s14] =	ssyncadd.s32 $0xFFFFC000  }
0x2e: {  	[spmem:s8] =	stream.linear.scatter [tilespmem:s13], [sflag:$0x3], $0x4000, $0x38;
	[tilespmem:$0x1E400] =	vst v63  }
0x2f: {  	_ =	swait.ge [sflag:s14], $0x4000  }
0x30: {  	[sflag:s14] =	ssyncset.done $0x0  }
0x31: {  	[sflag:s14] =	ssyncadd.s32 $0xFFFFC000  }
0x32: {  	[spmem:s9] =	stream.linear.scatter [tilespmem:s13], [sflag:$0x3], $0x3C00, $0x38;
	[tilespmem:$0x1E400] =	vst v63  }
0x33: {  	_ =	swait.ge [sflag:s14], $0x3C00  }
0x34: {  	[sflag:s14] =	ssyncset.done $0x0  }
0x35: {  	s26 =	simm.s32 $0x0;
	[sflag:s14] =	ssyncadd.s32 $0xFFFFC400  }
0x36: {  	[tilespmem:s26], [sflag:$0x3] =	stream.linear.gather [hbm4b:s10+s26], $0x1400, $0x38;
	[tilespmem:$0x1E400] =	vst v63  }
0x37: {  	_ =	swait.ge [sflag:s14], $0x1400  }
0x38: {  	[sflag:s14] =	ssyncset.done $0x0  }
0x39: {  	[sflag:s14] =	ssyncadd.s32 $0xFFFFEC00  }
0x3a: {  	[tilespmem:s15], [sflag:$0x3] =	stream.linear.gather [hbm4b:s11+s26], $0x1400, $0x38;
	[tilespmem:$0x1E400] =	vst v63  }
0x3b: {  	_ =	swait.ge [sflag:s14], $0x1400  }
0x3c: {  	[sflag:s14] =	ssyncset.done $0x0  }
0x3d: {  	[sflag:s14] =	ssyncadd.s32 $0xFFFFEC00  }
0x3e: {  	s28 =	simm.s32 $0x0;
	[bflag:$0x0] =	sbarrier.arrive $0xFFFF  }
0x3f: {  	[tilespmem:s13], [sflag:$0x1] =	stream.indirect.gather [hbm4b:s4+s16], $0x80, s28, s16, $0xb8;
	[tilespmem:$0x1E400] =	vst v63  }
0x40: {  	s29 =	simm.s32 $0x80  }
0x41: {  	[tilespmem:s17], [sflag:$0x2] =	stream.indirect.gather [hbm4b:s4+s16], $0x80, s29, s16, $0xb8;
	[tilespmem:$0x1E400] =	vst v63  }
0x42: {  	_ =	swait.ge [sflag:s18], $0x4000  }
0x43: {  	[sflag:s18] =	ssyncset.done $0x0  }
0x44: {  	s30 =	simm.s32 $0x1400;
	[sflag:s18] =	ssyncadd.s32 $0xFFFFC000  }
0x45: {  	[spmem:s2] =	stream.indirect.scatter.add.f32 [tilespmem:s13], [sflag:$0x3], $0x80, s30, s16, $0xb8;
	[tilespmem:$0x1E400] =	vst v63  }
0x46: {  	_ =	swait.ge [sflag:s14], $0x4000  }
0x47: {  	[sflag:s14] =	ssyncset.done $0x0  }
0x48: {  	[sflag:s14] =	ssyncadd.s32 $0xFFFFC000  }
0x49: {  	_ =	swait.ge [sflag:s20], $0x4000  }
0x4a: {  	[sflag:s20] =	ssyncset.done $0x0  }
0x4b: {  	s31 =	simm.s32 $0x1480;
	[sflag:s20] =	ssyncadd.s32 $0xFFFFC000  }
0x4c: {  	[spmem:s2] =	stream.indirect.scatter.add.f32 [tilespmem:s17], [sflag:$0x3], $0x80, s31, s16, $0xb8;
	[tilespmem:$0x1E400] =	vst v63  }
0x4d: {  	_ =	swait.ge [sflag:s14], $0x4000  }
0x4e: {  	s22 =	simm.s32 $0x400;
	s23 =	simm.s32 $0x800;
	[sflag:s14] =	ssyncset.done $0x0  }
.LBB2_4:
0x4f: {  	s24 =	sshra.s32 s22, $0x2  }
0x50: {  	[sflag:s14] =	ssyncadd.s32 $0xFFFFC000;
	s22 =	smov.u32 s23;
	s25 =	sadd.s32 $0x400, s23  }
0x51: {  	[tilespmem:s13], [sflag:$0x1] =	stream.indirect.gather [hbm4b:s4+s16], $0x80, s24, s16, $0xb8;
	[tilespmem:$0x1E400] =	vst v63  }
0x52: {  	p0 =	sne.s32 s23, $0x4C00;
	s23 =	sadd.s32 $0x80, s24  }
0x53: {  	[tilespmem:s17], [sflag:$0x2] =	stream.indirect.gather [hbm4b:s4+s16], $0x80, s23, s16, $0xb8;
	[tilespmem:$0x1E400] =	vst v63  }
0x54: {  	_ =	swait.ge [sflag:s18], $0x4000  }
0x55: {  	[sflag:s18] =	ssyncset.done $0x0  }
0x56: {  	s23 =	sadd.s32 $0x1400, s24;
	[sflag:s18] =	ssyncadd.s32 $0xFFFFC000  }
0x57: {  	[spmem:s2] =	stream.indirect.scatter.add.f32 [tilespmem:s13], [sflag:$0x3], $0x80, s23, s16, $0xb8;
	[tilespmem:$0x1E400] =	vst v63  }
0x58: {  	_ =	swait.ge [sflag:s14], $0x4000  }
0x59: {  	[sflag:s14] =	ssyncset.done $0x0  }
0x5a: {  	[sflag:s14] =	ssyncadd.s32 $0xFFFFC000  }
0x5b: {  	_ =	swait.ge [sflag:s20], $0x4000  }
.Ltmp1:
0x5c: {  	[sflag:s20] =	ssyncset.done $0x0;
	(pc) =	sbr.rel @p0 .LBB2_4-.Ltmp1, $4  }
0x5d: {  	s23 =	sadd.s32 $0x1480, s24;
	[sflag:s20] =	ssyncadd.s32 $0xFFFFC000  }
0x5e: {  	[spmem:s2] =	stream.indirect.scatter.add.f32 [tilespmem:s17], [sflag:$0x3], $0x80, s23, s16, $0xb8;
	[tilespmem:$0x1E400] =	vst v63  }
0x5f: {  	_ =	swait.ge [sflag:s14], $0x4000  }
0x60: {  	s23 =	smov.u32 s25;
	[sflag:s14] =	ssyncset.done $0x0  }
0x61: {  	s22 =	sshra.s32 s22, $0x2;
	[sflag:s14] =	ssyncadd.s32 $0xFFFFC000  }
0x62: {  	[tilespmem:s13], [sflag:$0x1] =	stream.indirect.gather [hbm4b:s4+s16], $0x80, s22, s16, $0xb8;
	[tilespmem:$0x1E400] =	vst v63  }
0x63: {  	s23 =	sadd.s32 $0x80, s22  }
0x64: {  	[tilespmem:s17], [sflag:$0x2] =	stream.indirect.gather [hbm4b:s4+s16], $0x80, s23, s16, $0xb8;
	[tilespmem:$0x1E400] =	vst v63  }
0x65: {  	_ =	swait.ge [sflag:s18], $0x4000  }
0x66: {  	[sflag:s18] =	ssyncset.done $0x0  }
0x67: {  	s30 =	sadd.s32 $0x1400, s22;
	[sflag:s18] =	ssyncadd.s32 $0xFFFFC000  }
0x68: {  	[spmem:s2] =	stream.indirect.scatter.add.f32 [tilespmem:s13], [sflag:$0x3], $0x80, s30, s16, $0xb8;
	[tilespmem:$0x1E400] =	vst v63  }
0x69: {  	_ =	swait.ge [sflag:s14], $0x4000  }
0x6a: {  	[sflag:s14] =	ssyncset.done $0x0  }
0x6b: {  	[sflag:s14] =	ssyncadd.s32 $0xFFFFC000  }
0x6c: {  	_ =	swait.ge [sflag:s20], $0x4000  }
0x6d: {  	[sflag:s20] =	ssyncset.done $0x0  }
0x6e: {  	s22 =	sadd.s32 $0x1480, s22;
	[sflag:s20] =	ssyncadd.s32 $0xFFFFC000  }
0x6f: {  	[spmem:s2] =	stream.indirect.scatter.add.f32 [tilespmem:s17], [sflag:$0x3], $0x80, s22, s16, $0xb8;
	[tilespmem:$0x1E400] =	vst v63  }
0x70: {  	_ =	swait.ge [sflag:s14], $0x4000  }
0x71: {  	s3 =	sadd.s32 $0x1, s3;
	[sflag:s14] =	ssyncset.done $0x0  }
0x72: {  	p0 =	sne.s32 s3, s12;
	[sflag:s14] =	ssyncadd.s32 $0xFFFFC000  }
.Ltmp2:
0x73: {  	s31 =	sshrl.u32 s5, $0x3;
	[bflag:$0x0] =	sbarrier.arrive $0xFFFF;
	(pc) =	sbr.rel @p0 .LBB2_1-.Ltmp2, $4  }
0x74: {  	[hbm:s19], [sflag:s21] =	dma.local [spmem:s31], $0x2780  }
0x75: {  	_ =	swait.ge [sflag:s14], $0x2780  }
0x76: {  	[sflag:s14] =	ssyncset.done $0x0  }
0x77: {  	[sflag:s14] =	ssyncadd.s32 $0xFFFFD880  }
0x78: {  	_ =	sfence.sel $0x180000  }
0x79: {  	[bflag:$0x0] =	sbarrier.arrive $0xFFFF  }
0x7a: {  	p0 =	sne.s32 s0, $0x0;
	_ =	strace $0x90000050  }
0x7b: {  	s0 =	sadd.s32 @!p0 $0x100000, s1;
	[bflag:$0x2] =	sbarrier.arrive $0xFFFF  }
0x7c: {  	[sflag:s0] =	ssyncadd.tile.s32 @!p0 $0x1;
	_ =	shalt  }
.Lfunc_end2:
_tile_overlayer_lowered:
.L_overlay_start_2:
0x7d: {  	(tag) =	ssettag $0x2  }
0x7e: {  	s0 =	rddreg [dreg:$0x0];
	s2 =	stileid.u32  }
0x7f: {  	s1 =	rddreg [dreg:$0x1];
	p0 =	sne.s32 s2, $0x0  }
0x80: {  	s3 =	rddreg [dreg:$0x2];
	[bflag:$0x3] =	sbarrier.arrive $0xFFFF;
	s2 =	simm.s32 @!p0 $0x1C03  }
0x81: {  	[timem:s3], [sflag:s2] =	dma.local @!p0 [hbm:s0], s1  }
0x82: {  	s0 =	simm.s32 @!p0 $0x3  }
0x83: {  	_ =	swait.ge @!p0 [sflag:s0], s1  }
0x84: {  	s1 =	ssub.s32 @!p0 $0x0, s1;
	[sflag:s0] =	ssyncset.done @!p0 $0x0  }
0x85: {  	[sflag:s0] =	ssyncadd.s32 @!p0 s1  }
0x86: {  	[bflag:$0x3] =	sbarrier.arrive $0xFFFF  }
0x87: {  	_ =	shalt  }

</sc_bundles>
